<compile_context>
chip_gen: v7x
topology: tpu7x:2x2x1
jax: 0.10.2.dev20260603
libtpu: 0.0.44.dev20260713+nightly
codegen_flags: <defaults>
</compile_context>

<pallas_src>
import functools

import jax
import jax.numpy as jnp
from jax import lax
from jax.experimental import pallas as pl
from jax.experimental.pallas import tpu as pltpu
from jax.experimental.pallas import tpu_sc as plsc

N_NODES = 10000
N_EDGES = 320000
D_IN = 128
D_HID = 128
D_OUT = 16

_NC = 2
_NS = 16
_NW = _NC * _NS
_EPW = N_EDGES // _NW
_B = 100
_NCH = _EPW // _B
_RPT = 624
_TAIL = N_NODES - _RPT * _NS
_ZCH = 96
_LANES = 16


def _mesh():
    return plsc.VectorSubcoreMesh(core_axis_name="c", subcore_axis_name="s")


def _deg_body(src_hbm, dst_hbm, deg_src_hbm, deg_dst_hbm, idx_v, cnt_s, cnt_d):
    cid = lax.axis_index("c")
    sid = lax.axis_index("s")
    wid = sid * _NC + cid
    zeros = jnp.zeros((_LANES,), jnp.float32)
    ones = jnp.ones((_LANES,), jnp.float32)

    def zero_body(i, _):
        cnt_s[pl.ds(i * _LANES, _LANES)] = zeros
        cnt_d[pl.ds(i * _LANES, _LANES)] = zeros
        return 0

    lax.fori_loop(0, N_NODES // _LANES, zero_body, 0)

    def _count(idx_hbm, cnt):
        pltpu.sync_copy(idx_hbm.at[pl.ds(wid * _EPW, _EPW)], idx_v)

        def body(i, _):
            iv = idx_v[pl.ds(i * _LANES, _LANES)]
            plsc.addupdate_scatter(cnt, [iv], ones)
            return 0

        lax.fori_loop(0, _EPW // _LANES, body, 0)

    _count(src_hbm, cnt_s)
    _count(dst_hbm, cnt_d)
    pltpu.sync_copy(cnt_s, deg_src_hbm.at[wid])
    pltpu.sync_copy(cnt_d, deg_dst_hbm.at[wid])


_deg = functools.partial(
    pl.kernel,
    out_type=[
        jax.ShapeDtypeStruct((_NW, N_NODES), jnp.float32),
        jax.ShapeDtypeStruct((_NW, N_NODES), jnp.float32),
    ],
    mesh=_mesh(),
    scratch_types=[
        pltpu.VMEM((_EPW,), jnp.int32),
        pltpu.VMEM((N_NODES,), jnp.float32),
        pltpu.VMEM((N_NODES,), jnp.float32),
    ],
    compiler_params=pltpu.CompilerParams(needs_layout_passes=False),
)(_deg_body)


def _make_agg(d, nbuf):
    assert _NCH % nbuf == 0

    @functools.partial(
        pl.kernel,
        out_type=jax.ShapeDtypeStruct((_NC, N_NODES, d), jnp.float32),
        mesh=_mesh(),
        scratch_types=[
            pltpu.VMEM((_NCH, _B), jnp.int32),
            pltpu.VMEM((_NCH, _B), jnp.int32),
            pltpu.VMEM_SHARED((N_NODES, d), jnp.float32),
        ]
        + [pltpu.VMEM((_B, d), jnp.float32) for _ in range(nbuf)]
        + [pltpu.SemaphoreType.DMA for _ in range(2 * nbuf)],
        compiler_params=pltpu.CompilerParams(
            use_tc_tiling_on_sc=False,
        ),
    )
    def agg(h_hbm, src_hbm, dst_hbm, out_hbm, sidx, didx, shared, *rest):
        bufs = rest[:nbuf]
        gsems = rest[nbuf : 2 * nbuf]
        ssems = rest[2 * nbuf :]
        cid = lax.axis_index("c")
        sid = lax.axis_index("s")
        wid = sid * _NC + cid
        pltpu.sync_copy(src_hbm.at[wid], sidx)
        pltpu.sync_copy(dst_hbm.at[wid], didx)

        zeros = jnp.zeros((_LANES,), jnp.float32)

        def zb(i, _):
            for c in range(d // _LANES):
                bufs[0][i, pl.ds(c * _LANES, _LANES)] = zeros
            return 0

        lax.fori_loop(0, _B, zb, 0)
        base = sid * _RPT
        for r in range(_RPT // _ZCH):
            pltpu.sync_copy(
                bufs[0].at[pl.ds(0, _ZCH)],
                shared.at[pl.ds(base + r * _ZCH, _ZCH)],
            )
        pltpu.sync_copy(
            bufs[0].at[pl.ds(0, _RPT % _ZCH)],
            shared.at[pl.ds(base + (_RPT // _ZCH) * _ZCH, _RPT % _ZCH)],
        )

        @pl.when(sid == _NS - 1)
        def _zero_tail():
            pltpu.sync_copy(
                bufs[0].at[pl.ds(0, _TAIL)],
                shared.at[pl.ds(_RPT * _NS, _TAIL)],
            )

        plsc.subcore_barrier()

        for b in range(nbuf):
            pltpu.async_copy(h_hbm.at[sidx.at[b]], bufs[b], gsems[b])

        def body(i, _):
            j0 = i * nbuf
            for b in range(nbuf):
                j = j0 + b
                pltpu.make_async_copy(
                    h_hbm.at[sidx.at[j]], bufs[b], gsems[b]
                ).wait()
                pltpu.sync_copy(bufs[b], shared.at[didx.at[j]], add=True)

                @pl.when(j + nbuf < _NCH)
                def _prefetch():
                    pltpu.async_copy(
                        h_hbm.at[sidx.at[j + nbuf]], bufs[b], gsems[b]
                    )

            return 0

        lax.fori_loop(0, _NCH // nbuf, body, 0)
        plsc.subcore_barrier()
        pltpu.sync_copy(
            shared.at[pl.ds(base, _RPT)],
            out_hbm.at[cid, pl.ds(base, _RPT)],
        )

        @pl.when(sid == _NS - 1)
        def _write_tail():
            pltpu.sync_copy(
                shared.at[pl.ds(_RPT * _NS, _TAIL)],
                out_hbm.at[cid, pl.ds(_RPT * _NS, _TAIL)],
            )

    return agg


_agg_out = _make_agg(D_OUT, 10)


_agg_hid = _make_agg(D_HID, 2)


def _tc1(deg_src_p, deg_dst_p, x, w1):
    def body(ds_ref, dd_ref, x_ref, w_ref, h_ref, ns_ref, nd_ref):
        deg_out = jnp.sum(ds_ref[...], axis=0)
        deg_in = jnp.sum(dd_ref[...], axis=0)
        ns = jnp.where(deg_out > 0, lax.rsqrt(jnp.maximum(deg_out, 1.0)), 0.0)
        nd = jnp.where(deg_in > 0, lax.rsqrt(jnp.maximum(deg_in, 1.0)), 0.0)
        ns_ref[...] = ns
        nd_ref[...] = nd
        h_ref[...] = jnp.dot(
            x_ref[...] * ns[:, None],
            w_ref[...],
            preferred_element_type=jnp.float32,
            precision=lax.Precision.HIGHEST,
        )

    return pl.pallas_call(
        body,
        out_shape=[
            jax.ShapeDtypeStruct((N_NODES, D_HID), jnp.float32),
            jax.ShapeDtypeStruct((N_NODES,), jnp.float32),
            jax.ShapeDtypeStruct((N_NODES,), jnp.float32),
        ],
    )(deg_src_p, deg_dst_p, x, w1)


def _tc2(p1, ndst, b1, nsrc, w2):
    def body(p_ref, nd_ref, b_ref, ns_ref, w_ref, o_ref):
        agg = (p_ref[0] + p_ref[1]) * nd_ref[...][:, None] + b_ref[...][None, :]
        h = jnp.maximum(agg, 0.0)
        o_ref[...] = jnp.dot(
            h * ns_ref[...][:, None],
            w_ref[...],
            preferred_element_type=jnp.float32,
            precision=lax.Precision.HIGHEST,
        )

    return pl.pallas_call(
        body,
        out_shape=jax.ShapeDtypeStruct((N_NODES, D_OUT), jnp.float32),
    )(p1, ndst, b1, nsrc, w2)


def _tc3(p2, ndst, b2):
    def body(p_ref, nd_ref, b_ref, o_ref):
        agg = (p_ref[0] + p_ref[1]) * nd_ref[...][:, None] + b_ref[...][None, :]
        o_ref[...] = jax.nn.sigmoid(agg)

    return pl.pallas_call(
        body,
        out_shape=jax.ShapeDtypeStruct((N_NODES, D_OUT), jnp.float32),
    )(p2, ndst, b2)


def kernel(inputs, edge_index, W1, b1, W2, b2):
    src = edge_index[0].astype(jnp.int32)
    dst = edge_index[1].astype(jnp.int32)
    src3 = src.reshape(_NW, _NCH, _B)
    dst3 = dst.reshape(_NW, _NCH, _B)

    deg_src_p, deg_dst_p = _deg(src, dst)
    h1, nsrc, ndst = _tc1(deg_src_p, deg_dst_p, inputs, W1)
    p1 = _agg_hid(h1, src3, dst3)
    h2 = _tc2(p1, ndst, b1, nsrc, W2)
    p2 = _agg_out(h2, src3, dst3)
    return _tc3(p2, ndst, b2)

# --- scband reference (transcript-rebuilt; emitter-appended) ---
"""Pipeline reference for scband-gcn-2-l-model-55594056680044 (READ-ONLY COPY).

The authoritative reference and input builder live on the scoring server;
editing this copy changes nothing except your own understanding.
"""

import jax, jax.numpy as jnp
import numpy as np

N_NODES = 10000
N_EDGES = 320000
IN_FEATS = 128
HIDDEN = 128
N_CLASSES = 16


def setup_inputs(seed: int = 0) -> dict:
    key = jax.random.key(seed)
    k1, k2, k3, k4, k5, k6 = jax.random.split(key, 6)
    inputs = jax.random.normal(k1, (N_NODES, IN_FEATS), dtype=jnp.float32)
    edge_index = jax.random.randint(k2, (2, N_EDGES), 0, N_NODES, dtype=jnp.int64)
    # GraphConv weights (Glorot-style scaling)
    W1 = jax.random.normal(k3, (IN_FEATS, HIDDEN), dtype=jnp.float32) * (1.0 / np.sqrt(IN_FEATS))
    b1 = jnp.zeros((HIDDEN,), dtype=jnp.float32)
    W2 = jax.random.normal(k4, (HIDDEN, N_CLASSES), dtype=jnp.float32) * (1.0 / np.sqrt(HIDDEN))
    b2 = jnp.zeros((N_CLASSES,), dtype=jnp.float32)
    return {"inputs": inputs, "edge_index": edge_index, "W1": W1, "b1": b1, "W2": W2, "b2": b2}


def _graph_conv(x, src, dst, W, b, n_nodes):
    # DGL GraphConv with norm='both':
    # h = D_in^{-1/2} * A @ (D_out^{-1/2} * x) @ W + b
    deg_out = jnp.zeros((n_nodes,), dtype=jnp.float32).at[src].add(1.0)
    deg_in = jnp.zeros((n_nodes,), dtype=jnp.float32).at[dst].add(1.0)
    norm_src = jnp.where(deg_out > 0, jax.lax.rsqrt(jnp.maximum(deg_out, 1.0)), 0.0)
    norm_dst = jnp.where(deg_in > 0, jax.lax.rsqrt(jnp.maximum(deg_in, 1.0)), 0.0)
    h = x * norm_src[:, None]
    h = h @ W  # mult W first (in_feats >= out_feats path)
    msgs = jnp.take(h, src, axis=0)                      # gather (SparseCore)
    agg = jnp.zeros((n_nodes, W.shape[1]), dtype=x.dtype).at[dst].add(msgs)  # scatter-add
    agg = agg * norm_dst[:, None]
    return agg + b


def reference(inputs, edge_index, W1, b1, W2, b2):
    n_nodes = inputs.shape[0]
    src = edge_index[0]
    dst = edge_index[1]
    h = _graph_conv(inputs, src, dst, W1, b1, n_nodes)
    h = jax.nn.relu(h)
    # dropout is identity at inference (deterministic reference)
    h = _graph_conv(h, src, dst, W2, b2, n_nodes)
    h = jax.nn.sigmoid(h)
    return h

if __name__ == "__main__":
    import jax
    _d = setup_inputs()
    print(jax.jit(kernel)(*tuple(_d.values())))

</pallas_src>

<mosaic_0001>
#map = affine_map<(d0, d1) -> (0, 0)>
#map1 = affine_map<(d0, d1) -> (0, 0, 0)>
module attributes {stable_mosaic.version = 14 : i64} {
  func.func @agg(%arg0: i32, %arg1: i32, %arg2: memref<10000x128xf32, #tpu.memory_space<hbm>>, %arg3: memref<32x100x100xi32, #tpu.memory_space<hbm>>, %arg4: memref<32x100x100xi32, #tpu.memory_space<hbm>>, %arg5: memref<2x10000x128xf32, #tpu.memory_space<hbm>>, %arg6: memref<100x100xi32, #tpu.memory_space<vmem>>, %arg7: memref<100x100xi32, #tpu.memory_space<vmem>>, %arg8: memref<10000x128xf32, #tpu.memory_space<vmem_shared>>, %arg9: memref<100x128xf32, #tpu.memory_space<vmem>>, %arg10: memref<100x128xf32, #tpu.memory_space<vmem>>, %arg11: memref<!tpu.dma_semaphore, #tpu.memory_space<semaphore_mem>>, %arg12: memref<!tpu.dma_semaphore, #tpu.memory_space<semaphore_mem>>, %arg13: memref<!tpu.dma_semaphore, #tpu.memory_space<semaphore_mem>>, %arg14: memref<!tpu.dma_semaphore, #tpu.memory_space<semaphore_mem>>) attributes {dimension_semantics = [#tpu.dimension_semantics<core_parallel>, #tpu.dimension_semantics<subcore_parallel>], iteration_bounds = array<i64: 2, 16>, scalar_prefetch = 0 : i64, scratch_operands = 9 : i64, tpu.core_type = #tpu.core_type<sc_vector_subcore>, window_params = [{transform_indices = #map}, {transform_indices = #map1}, {transform_indices = #map1}, {transform_indices = #map1}]} {
    %mul3A = arith.constant 2 : i32
    %mul3A_0 = arith.muli %arg1, %mul3A : i32
    %add3A = arith.addi %mul3A_0, %arg0 : i32
    "tpu.region"() ({
      %run_scoped3A = tpu.sem_alloc : memref<!tpu.dma_semaphore, #tpu.memory_space<semaphore_mem>>
      %dma_start3A_52 = arith.constant 0 : i32
      %dma_start3A_53 = arith.constant 0 : i32
      %dma_start3A_54 = tpu.memref_slice %arg3[%add3A, %dma_start3A_52, %dma_start3A_53] : memref<32x100x100xi32, #tpu.memory_space<hbm>> -> memref<1x100x100xi32, #tpu.memory_space<hbm>>
      %dma_start3A_55 = tpu.memref_squeeze %dma_start3A_54 : memref<1x100x100xi32, #tpu.memory_space<hbm>> -> memref<100x100xi32, #tpu.memory_space<hbm>>
      %dma_start3A_56 = arith.constant 0 : i32
      %dma_start3A_57 = arith.constant 0 : i32
      %dma_start3A_58 = tpu.memref_slice %arg3[%add3A, %dma_start3A_56, %dma_start3A_57] : memref<32x100x100xi32, #tpu.memory_space<hbm>> -> memref<1x100x100xi32, #tpu.memory_space<hbm>>
      %dma_start3A_59 = tpu.memref_squeeze %dma_start3A_58 : memref<1x100x100xi32, #tpu.memory_space<hbm>> -> memref<100x100xi32, #tpu.memory_space<hbm>>
      tpu.enqueue_dma source(%dma_start3A_59 : memref<100x100xi32, #tpu.memory_space<hbm>>) target(%arg6 : memref<100x100xi32, #tpu.memory_space<vmem>>) target_semaphore(%run_scoped3A : memref<!tpu.dma_semaphore, #tpu.memory_space<semaphore_mem>>)
      %dma_wait3A = arith.constant 0 : i32
      %dma_wait3A_60 = arith.constant 0 : i32
      %dma_wait3A_61 = tpu.memref_slice %arg3[%add3A, %dma_wait3A, %dma_wait3A_60] : memref<32x100x100xi32, #tpu.memory_space<hbm>> -> memref<1x100x100xi32, #tpu.memory_space<hbm>>
      %dma_wait3A_62 = tpu.memref_squeeze %dma_wait3A_61 : memref<1x100x100xi32, #tpu.memory_space<hbm>> -> memref<100x100xi32, #tpu.memory_space<hbm>>
      %dma_wait3A_63 = arith.constant 0 : i32
      %dma_wait3A_64 = arith.constant 0 : i32
      %dma_wait3A_65 = tpu.memref_slice %arg3[%add3A, %dma_wait3A_63, %dma_wait3A_64] : memref<32x100x100xi32, #tpu.memory_space<hbm>> -> memref<1x100x100xi32, #tpu.memory_space<hbm>>
      %dma_wait3A_66 = tpu.memref_squeeze %dma_wait3A_65 : memref<1x100x100xi32, #tpu.memory_space<hbm>> -> memref<100x100xi32, #tpu.memory_space<hbm>>
      tpu.wait_dma2 semaphore(%run_scoped3A : memref<!tpu.dma_semaphore, #tpu.memory_space<semaphore_mem>>) src(%dma_wait3A_66 : memref<100x100xi32, #tpu.memory_space<hbm>>) dst(%arg6 : memref<100x100xi32, #tpu.memory_space<vmem>>)
      tpu.yield
    }) : () -> ()
    "tpu.region"() ({
      %run_scoped3A = tpu.sem_alloc : memref<!tpu.dma_semaphore, #tpu.memory_space<semaphore_mem>>
      %dma_start3A_52 = arith.constant 0 : i32
      %dma_start3A_53 = arith.constant 0 : i32
      %dma_start3A_54 = tpu.memref_slice %arg4[%add3A, %dma_start3A_52, %dma_start3A_53] : memref<32x100x100xi32, #tpu.memory_space<hbm>> -> memref<1x100x100xi32, #tpu.memory_space<hbm>>
      %dma_start3A_55 = tpu.memref_squeeze %dma_start3A_54 : memref<1x100x100xi32, #tpu.memory_space<hbm>> -> memref<100x100xi32, #tpu.memory_space<hbm>>
      %dma_start3A_56 = arith.constant 0 : i32
      %dma_start3A_57 = arith.constant 0 : i32
      %dma_start3A_58 = tpu.memref_slice %arg4[%add3A, %dma_start3A_56, %dma_start3A_57] : memref<32x100x100xi32, #tpu.memory_space<hbm>> -> memref<1x100x100xi32, #tpu.memory_space<hbm>>
      %dma_start3A_59 = tpu.memref_squeeze %dma_start3A_58 : memref<1x100x100xi32, #tpu.memory_space<hbm>> -> memref<100x100xi32, #tpu.memory_space<hbm>>
      tpu.enqueue_dma source(%dma_start3A_59 : memref<100x100xi32, #tpu.memory_space<hbm>>) target(%arg7 : memref<100x100xi32, #tpu.memory_space<vmem>>) target_semaphore(%run_scoped3A : memref<!tpu.dma_semaphore, #tpu.memory_space<semaphore_mem>>)
      %dma_wait3A = arith.constant 0 : i32
      %dma_wait3A_60 = arith.constant 0 : i32
      %dma_wait3A_61 = tpu.memref_slice %arg4[%add3A, %dma_wait3A, %dma_wait3A_60] : memref<32x100x100xi32, #tpu.memory_space<hbm>> -> memref<1x100x100xi32, #tpu.memory_space<hbm>>
      %dma_wait3A_62 = tpu.memref_squeeze %dma_wait3A_61 : memref<1x100x100xi32, #tpu.memory_space<hbm>> -> memref<100x100xi32, #tpu.memory_space<hbm>>
      %dma_wait3A_63 = arith.constant 0 : i32
      %dma_wait3A_64 = arith.constant 0 : i32
      %dma_wait3A_65 = tpu.memref_slice %arg4[%add3A, %dma_wait3A_63, %dma_wait3A_64] : memref<32x100x100xi32, #tpu.memory_space<hbm>> -> memref<1x100x100xi32, #tpu.memory_space<hbm>>
      %dma_wait3A_66 = tpu.memref_squeeze %dma_wait3A_65 : memref<1x100x100xi32, #tpu.memory_space<hbm>> -> memref<100x100xi32, #tpu.memory_space<hbm>>
      tpu.wait_dma2 semaphore(%run_scoped3A : memref<!tpu.dma_semaphore, #tpu.memory_space<semaphore_mem>>) src(%dma_wait3A_66 : memref<100x100xi32, #tpu.memory_space<hbm>>) dst(%arg7 : memref<100x100xi32, #tpu.memory_space<vmem>>)
      tpu.yield
    }) : () -> ()
    %broadcast_in_dim3A = arith.constant 0.000000e+00 : f32
    %broadcast_in_dim3A_1 = vector.broadcast %broadcast_in_dim3A : f32 to vector<16xf32>
    %scan3A = arith.constant 0 : i32
    %scan3A_2 = arith.constant 0 : i32
    %scan3A_3 = arith.constant 100 : i32
    %scan3A_4 = arith.addi %scan3A_2, %scan3A_3 : i32
    %scan3A_5 = arith.constant 1 : i32
    %scan3A_6 = scf.for %scan3A_52 = %scan3A_2 to %scan3A_4 step %scan3A_5 iter_args(%scan3A_53 = %scan3A) -> (i32)  : i32 {
      %swap3A = arith.index_cast %scan3A_52 : i32 to index
      %swap3A_54 = arith.constant 0 : index
      %swap3A_55 = tpu.vector_load %arg9[%swap3A, %swap3A_54] {strides = array<i32>} : memref<100x128xf32, #tpu.memory_space<vmem>>, vector<1x16xf32>,
      %swap3A_56 = vector.shape_cast %swap3A_55 : vector<1x16xf32> to vector<16xf32>
      %swap3A_57 = vector.shape_cast %broadcast_in_dim3A_1 : vector<16xf32> to vector<1x16xf32>
      tpu.vector_store %arg9[%swap3A, %swap3A_54], %swap3A_57 {strides = array<i32>} : memref<100x128xf32, #tpu.memory_space<vmem>>, vector<1x16xf32>,
      %swap3A_58 = arith.index_cast %scan3A_52 : i32 to index
      %swap3A_59 = arith.constant 16 : index
      %swap3A_60 = tpu.vector_load %arg9[%swap3A_58, %swap3A_59] {strides = array<i32>} : memref<100x128xf32, #tpu.memory_space<vmem>>, vector<1x16xf32>,
      %swap3A_61 = vector.shape_cast %swap3A_60 : vector<1x16xf32> to vector<16xf32>
      %swap3A_62 = vector.shape_cast %broadcast_in_dim3A_1 : vector<16xf32> to vector<1x16xf32>
      tpu.vector_store %arg9[%swap3A_58, %swap3A_59], %swap3A_62 {strides = array<i32>} : memref<100x128xf32, #tpu.memory_space<vmem>>, vector<1x16xf32>,
      %swap3A_63 = arith.index_cast %scan3A_52 : i32 to index
      %swap3A_64 = arith.constant 32 : index
      %swap3A_65 = tpu.vector_load %arg9[%swap3A_63, %swap3A_64] {strides = array<i32>} : memref<100x128xf32, #tpu.memory_space<vmem>>, vector<1x16xf32>,
      %swap3A_66 = vector.shape_cast %swap3A_65 : vector<1x16xf32> to vector<16xf32>
      %swap3A_67 = vector.shape_cast %broadcast_in_dim3A_1 : vector<16xf32> to vector<1x16xf32>
      tpu.vector_store %arg9[%swap3A_63, %swap3A_64], %swap3A_67 {strides = array<i32>} : memref<100x128xf32, #tpu.memory_space<vmem>>, vector<1x16xf32>,
      %swap3A_68 = arith.index_cast %scan3A_52 : i32 to index
      %swap3A_69 = arith.constant 48 : index
      %swap3A_70 = tpu.vector_load %arg9[%swap3A_68, %swap3A_69] {strides = array<i32>} : memref<100x128xf32, #tpu.memory_space<vmem>>, vector<1x16xf32>,
      %swap3A_71 = vector.shape_cast %swap3A_70 : vector<1x16xf32> to vector<16xf32>
      %swap3A_72 = vector.shape_cast %broadcast_in_dim3A_1 : vector<16xf32> to vector<1x16xf32>
      tpu.vector_store %arg9[%swap3A_68, %swap3A_69], %swap3A_72 {strides = array<i32>} : memref<100x128xf32, #tpu.memory_space<vmem>>, vector<1x16xf32>,
      %swap3A_73 = arith.index_cast %scan3A_52 : i32 to index
      %swap3A_74 = arith.constant 64 : index
      %swap3A_75 = tpu.vector_load %arg9[%swap3A_73, %swap3A_74] {strides = array<i32>} : memref<100x128xf32, #tpu.memory_space<vmem>>, vector<1x16xf32>,
      %swap3A_76 = vector.shape_cast %swap3A_75 : vector<1x16xf32> to vector<16xf32>
      %swap3A_77 = vector.shape_cast %broadcast_in_dim3A_1 : vector<16xf32> to vector<1x16xf32>
      tpu.vector_store %arg9[%swap3A_73, %swap3A_74], %swap3A_77 {strides = array<i32>} : memref<100x128xf32, #tpu.memory_space<vmem>>, vector<1x16xf32>,
      %swap3A_78 = arith.index_cast %scan3A_52 : i32 to index
      %swap3A_79 = arith.constant 80 : index
      %swap3A_80 = tpu.vector_load %arg9[%swap3A_78, %swap3A_79] {strides = array<i32>} : memref<100x128xf32, #tpu.memory_space<vmem>>, vector<1x16xf32>,
      %swap3A_81 = vector.shape_cast %swap3A_80 : vector<1x16xf32> to vector<16xf32>
      %swap3A_82 = vector.shape_cast %broadcast_in_dim3A_1 : vector<16xf32> to vector<1x16xf32>
      tpu.vector_store %arg9[%swap3A_78, %swap3A_79], %swap3A_82 {strides = array<i32>} : memref<100x128xf32, #tpu.memory_space<vmem>>, vector<1x16xf32>,
      %swap3A_83 = arith.index_cast %scan3A_52 : i32 to index
      %swap3A_84 = arith.constant 96 : index
      %swap3A_85 = tpu.vector_load %arg9[%swap3A_83, %swap3A_84] {strides = array<i32>} : memref<100x128xf32, #tpu.memory_space<vmem>>, vector<1x16xf32>,
      %swap3A_86 = vector.shape_cast %swap3A_85 : vector<1x16xf32> to vector<16xf32>
      %swap3A_87 = vector.shape_cast %broadcast_in_dim3A_1 : vector<16xf32> to vector<1x16xf32>
      tpu.vector_store %arg9[%swap3A_83, %swap3A_84], %swap3A_87 {strides = array<i32>} : memref<100x128xf32, #tpu.memory_space<vmem>>, vector<1x16xf32>,
      %swap3A_88 = arith.index_cast %scan3A_52 : i32 to index
      %swap3A_89 = arith.constant 112 : index
      %swap3A_90 = tpu.vector_load %arg9[%swap3A_88, %swap3A_89] {strides = array<i32>} : memref<100x128xf32, #tpu.memory_space<vmem>>, vector<1x16xf32>,
      %swap3A_91 = vector.shape_cast %swap3A_90 : vector<1x16xf32> to vector<16xf32>
      %swap3A_92 = vector.shape_cast %broadcast_in_dim3A_1 : vector<16xf32> to vector<1x16xf32>
      tpu.vector_store %arg9[%swap3A_88, %swap3A_89], %swap3A_92 {strides = array<i32>} : memref<100x128xf32, #tpu.memory_space<vmem>>, vector<1x16xf32>,
      %scan3A_93 = arith.constant 0 : i32
      scf.yield %scan3A_93 : i32
    }
    %scan3A_7 = arith.constant 100 : i32
    %mul3A_8 = arith.constant 624 : i32
    %mul3A_9 = arith.muli %arg1, %mul3A_8 : i32
    %add3A_10 = arith.constant 0 : i32
    %add3A_11 = arith.addi %mul3A_9, %add3A_10 : i32
    "tpu.region"() ({
      %run_scoped3A = tpu.sem_alloc : memref<!tpu.dma_semaphore, #tpu.memory_space<semaphore_mem>>
      %dma_start3A_52 = arith.constant 0 : i32
      %dma_start3A_53 = arith.constant 0 : i32
      %dma_start3A_54 = tpu.memref_slice %arg9[%dma_start3A_52, %dma_start3A_53] : memref<100x128xf32, #tpu.memory_space<vmem>> -> memref<96x128xf32, #tpu.memory_space<vmem>>
      %dma_start3A_55 = arith.constant 0 : i32
      %dma_start3A_56 = tpu.memref_slice %arg8[%add3A_11, %dma_start3A_55] : memref<10000x128xf32, #tpu.memory_space<vmem_shared>> -> memref<96x128xf32, #tpu.memory_space<vmem_shared>>
      %dma_start3A_57 = arith.constant 0 : i32
      %dma_start3A_58 = tpu.memref_slice %arg8[%add3A_11, %dma_start3A_57] : memref<10000x128xf32, #tpu.memory_space<vmem_shared>> -> memref<96x128xf32, #tpu.memory_space<vmem_shared>>
      %dma_start3A_59 = arith.constant 0 : i32
      %dma_start3A_60 = arith.constant 0 : i32
      %dma_start3A_61 = tpu.memref_slice %arg9[%dma_start3A_59, %dma_start3A_60] : memref<100x128xf32, #tpu.memory_space<vmem>> -> memref<96x128xf32, #tpu.memory_space<vmem>>
      tpu.enqueue_dma source(%dma_start3A_61 : memref<96x128xf32, #tpu.memory_space<vmem>>) target(%dma_start3A_58 : memref<96x128xf32, #tpu.memory_space<vmem_shared>>) target_semaphore(%run_scoped3A : memref<!tpu.dma_semaphore, #tpu.memory_space<semaphore_mem>>)
      %dma_wait3A = arith.constant 0 : i32
      %dma_wait3A_62 = arith.constant 0 : i32
      %dma_wait3A_63 = tpu.memref_slice %arg9[%dma_wait3A, %dma_wait3A_62] : memref<100x128xf32, #tpu.memory_space<vmem>> -> memref<96x128xf32, #tpu.memory_space<vmem>>
      %dma_wait3A_64 = arith.constant 0 : i32
      %dma_wait3A_65 = tpu.memref_slice %arg8[%add3A_11, %dma_wait3A_64] : memref<10000x128xf32, #tpu.memory_space<vmem_shared>> -> memref<96x128xf32, #tpu.memory_space<vmem_shared>>
      %dma_wait3A_66 = arith.constant 0 : i32
      %dma_wait3A_67 = tpu.memref_slice %arg8[%add3A_11, %dma_wait3A_66] : memref<10000x128xf32, #tpu.memory_space<vmem_shared>> -> memref<96x128xf32, #tpu.memory_space<vmem_shared>>
      %dma_wait3A_68 = arith.constant 0 : i32
      %dma_wait3A_69 = arith.constant 0 : i32
      %dma_wait3A_70 = tpu.memref_slice %arg9[%dma_wait3A_68, %dma_wait3A_69] : memref<100x128xf32, #tpu.memory_space<vmem>> -> memref<96x128xf32, #tpu.memory_space<vmem>>
      tpu.wait_dma2 semaphore(%run_scoped3A : memref<!tpu.dma_semaphore, #tpu.memory_space<semaphore_mem>>) src(%dma_wait3A_70 : memref<96x128xf32, #tpu.memory_space<vmem>>) dst(%dma_wait3A_67 : memref<96x128xf32, #tpu.memory_space<vmem_shared>>)
      tpu.yield
    }) : () -> ()
    %add3A_12 = arith.constant 96 : i32
    %add3A_13 = arith.addi %mul3A_9, %add3A_12 : i32
    "tpu.region"() ({
      %run_scoped3A = tpu.sem_alloc : memref<!tpu.dma_semaphore, #tpu.memory_space<semaphore_mem>>
      %dma_start3A_52 = arith.constant 0 : i32
      %dma_start3A_53 = arith.constant 0 : i32
      %dma_start3A_54 = tpu.memref_slice %arg9[%dma_start3A_52, %dma_start3A_53] : memref<100x128xf32, #tpu.memory_space<vmem>> -> memref<96x128xf32, #tpu.memory_space<vmem>>
      %dma_start3A_55 = arith.constant 0 : i32
      %dma_start3A_56 = tpu.memref_slice %arg8[%add3A_13, %dma_start3A_55] : memref<10000x128xf32, #tpu.memory_space<vmem_shared>> -> memref<96x128xf32, #tpu.memory_space<vmem_shared>>
      %dma_start3A_57 = arith.constant 0 : i32
      %dma_start3A_58 = tpu.memref_slice %arg8[%add3A_13, %dma_start3A_57] : memref<10000x128xf32, #tpu.memory_space<vmem_shared>> -> memref<96x128xf32, #tpu.memory_space<vmem_shared>>
      %dma_start3A_59 = arith.constant 0 : i32
      %dma_start3A_60 = arith.constant 0 : i32
      %dma_start3A_61 = tpu.memref_slice %arg9[%dma_start3A_59, %dma_start3A_60] : memref<100x128xf32, #tpu.memory_space<vmem>> -> memref<96x128xf32, #tpu.memory_space<vmem>>
      tpu.enqueue_dma source(%dma_start3A_61 : memref<96x128xf32, #tpu.memory_space<vmem>>) target(%dma_start3A_58 : memref<96x128xf32, #tpu.memory_space<vmem_shared>>) target_semaphore(%run_scoped3A : memref<!tpu.dma_semaphore, #tpu.memory_space<semaphore_mem>>)
      %dma_wait3A = arith.constant 0 : i32
      %dma_wait3A_62 = arith.constant 0 : i32
      %dma_wait3A_63 = tpu.memref_slice %arg9[%dma_wait3A, %dma_wait3A_62] : memref<100x128xf32, #tpu.memory_space<vmem>> -> memref<96x128xf32, #tpu.memory_space<vmem>>
      %dma_wait3A_64 = arith.constant 0 : i32
      %dma_wait3A_65 = tpu.memref_slice %arg8[%add3A_13, %dma_wait3A_64] : memref<10000x128xf32, #tpu.memory_space<vmem_shared>> -> memref<96x128xf32, #tpu.memory_space<vmem_shared>>
      %dma_wait3A_66 = arith.constant 0 : i32
      %dma_wait3A_67 = tpu.memref_slice %arg8[%add3A_13, %dma_wait3A_66] : memref<10000x128xf32, #tpu.memory_space<vmem_shared>> -> memref<96x128xf32, #tpu.memory_space<vmem_shared>>
      %dma_wait3A_68 = arith.constant 0 : i32
      %dma_wait3A_69 = arith.constant 0 : i32
      %dma_wait3A_70 = tpu.memref_slice %arg9[%dma_wait3A_68, %dma_wait3A_69] : memref<100x128xf32, #tpu.memory_space<vmem>> -> memref<96x128xf32, #tpu.memory_space<vmem>>
      tpu.wait_dma2 semaphore(%run_scoped3A : memref<!tpu.dma_semaphore, #tpu.memory_space<semaphore_mem>>) src(%dma_wait3A_70 : memref<96x128xf32, #tpu.memory_space<vmem>>) dst(%dma_wait3A_67 : memref<96x128xf32, #tpu.memory_space<vmem_shared>>)
      tpu.yield
    }) : () -> ()
    %add3A_14 = arith.constant 192 : i32
    %add3A_15 = arith.addi %mul3A_9, %add3A_14 : i32
    "tpu.region"() ({
      %run_scoped3A = tpu.sem_alloc : memref<!tpu.dma_semaphore, #tpu.memory_space<semaphore_mem>>
      %dma_start3A_52 = arith.constant 0 : i32
      %dma_start3A_53 = arith.constant 0 : i32
      %dma_start3A_54 = tpu.memref_slice %arg9[%dma_start3A_52, %dma_start3A_53] : memref<100x128xf32, #tpu.memory_space<vmem>> -> memref<96x128xf32, #tpu.memory_space<vmem>>
      %dma_start3A_55 = arith.constant 0 : i32
      %dma_start3A_56 = tpu.memref_slice %arg8[%add3A_15, %dma_start3A_55] : memref<10000x128xf32, #tpu.memory_space<vmem_shared>> -> memref<96x128xf32, #tpu.memory_space<vmem_shared>>
      %dma_start3A_57 = arith.constant 0 : i32
      %dma_start3A_58 = tpu.memref_slice %arg8[%add3A_15, %dma_start3A_57] : memref<10000x128xf32, #tpu.memory_space<vmem_shared>> -> memref<96x128xf32, #tpu.memory_space<vmem_shared>>
      %dma_start3A_59 = arith.constant 0 : i32
      %dma_start3A_60 = arith.constant 0 : i32
      %dma_start3A_61 = tpu.memref_slice %arg9[%dma_start3A_59, %dma_start3A_60] : memref<100x128xf32, #tpu.memory_space<vmem>> -> memref<96x128xf32, #tpu.memory_space<vmem>>
      tpu.enqueue_dma source(%dma_start3A_61 : memref<96x128xf32, #tpu.memory_space<vmem>>) target(%dma_start3A_58 : memref<96x128xf32, #tpu.memory_space<vmem_shared>>) target_semaphore(%run_scoped3A : memref<!tpu.dma_semaphore, #tpu.memory_space<semaphore_mem>>)
      %dma_wait3A = arith.constant 0 : i32
      %dma_wait3A_62 = arith.constant 0 : i32
      %dma_wait3A_63 = tpu.memref_slice %arg9[%dma_wait3A, %dma_wait3A_62] : memref<100x128xf32, #tpu.memory_space<vmem>> -> memref<96x128xf32, #tpu.memory_space<vmem>>
      %dma_wait3A_64 = arith.constant 0 : i32
      %dma_wait3A_65 = tpu.memref_slice %arg8[%add3A_15, %dma_wait3A_64] : memref<10000x128xf32, #tpu.memory_space<vmem_shared>> -> memref<96x128xf32, #tpu.memory_space<vmem_shared>>
      %dma_wait3A_66 = arith.constant 0 : i32
      %dma_wait3A_67 = tpu.memref_slice %arg8[%add3A_15, %dma_wait3A_66] : memref<10000x128xf32, #tpu.memory_space<vmem_shared>> -> memref<96x128xf32, #tpu.memory_space<vmem_shared>>
      %dma_wait3A_68 = arith.constant 0 : i32
      %dma_wait3A_69 = arith.constant 0 : i32
      %dma_wait3A_70 = tpu.memref_slice %arg9[%dma_wait3A_68, %dma_wait3A_69] : memref<100x128xf32, #tpu.memory_space<vmem>> -> memref<96x128xf32, #tpu.memory_space<vmem>>
      tpu.wait_dma2 semaphore(%run_scoped3A : memref<!tpu.dma_semaphore, #tpu.memory_space<semaphore_mem>>) src(%dma_wait3A_70 : memref<96x128xf32, #tpu.memory_space<vmem>>) dst(%dma_wait3A_67 : memref<96x128xf32, #tpu.memory_space<vmem_shared>>)
      tpu.yield
    }) : () -> ()
    %add3A_16 = arith.constant 288 : i32
    %add3A_17 = arith.addi %mul3A_9, %add3A_16 : i32
    "tpu.region"() ({
      %run_scoped3A = tpu.sem_alloc : memref<!tpu.dma_semaphore, #tpu.memory_space<semaphore_mem>>
      %dma_start3A_52 = arith.constant 0 : i32
      %dma_start3A_53 = arith.constant 0 : i32
      %dma_start3A_54 = tpu.memref_slice %arg9[%dma_start3A_52, %dma_start3A_53] : memref<100x128xf32, #tpu.memory_space<vmem>> -> memref<96x128xf32, #tpu.memory_space<vmem>>
      %dma_start3A_55 = arith.constant 0 : i32
      %dma_start3A_56 = tpu.memref_slice %arg8[%add3A_17, %dma_start3A_55] : memref<10000x128xf32, #tpu.memory_space<vmem_shared>> -> memref<96x128xf32, #tpu.memory_space<vmem_shared>>
      %dma_start3A_57 = arith.constant 0 : i32
      %dma_start3A_58 = tpu.memref_slice %arg8[%add3A_17, %dma_start3A_57] : memref<10000x128xf32, #tpu.memory_space<vmem_shared>> -> memref<96x128xf32, #tpu.memory_space<vmem_shared>>
      %dma_start3A_59 = arith.constant 0 : i32
      %dma_start3A_60 = arith.constant 0 : i32
      %dma_start3A_61 = tpu.memref_slice %arg9[%dma_start3A_59, %dma_start3A_60] : memref<100x128xf32, #tpu.memory_space<vmem>> -> memref<96x128xf32, #tpu.memory_space<vmem>>
      tpu.enqueue_dma source(%dma_start3A_61 : memref<96x128xf32, #tpu.memory_space<vmem>>) target(%dma_start3A_58 : memref<96x128xf32, #tpu.memory_space<vmem_shared>>) target_semaphore(%run_scoped3A : memref<!tpu.dma_semaphore, #tpu.memory_space<semaphore_mem>>)
      %dma_wait3A = arith.constant 0 : i32
      %dma_wait3A_62 = arith.constant 0 : i32
      %dma_wait3A_63 = tpu.memref_slice %arg9[%dma_wait3A, %dma_wait3A_62] : memref<100x128xf32, #tpu.memory_space<vmem>> -> memref<96x128xf32, #tpu.memory_space<vmem>>
      %dma_wait3A_64 = arith.constant 0 : i32
      %dma_wait3A_65 = tpu.memref_slice %arg8[%add3A_17, %dma_wait3A_64] : memref<10000x128xf32, #tpu.memory_space<vmem_shared>> -> memref<96x128xf32, #tpu.memory_space<vmem_shared>>
      %dma_wait3A_66 = arith.constant 0 : i32
      %dma_wait3A_67 = tpu.memref_slice %arg8[%add3A_17, %dma_wait3A_66] : memref<10000x128xf32, #tpu.memory_space<vmem_shared>> -> memref<96x128xf32, #tpu.memory_space<vmem_shared>>
      %dma_wait3A_68 = arith.constant 0 : i32
      %dma_wait3A_69 = arith.constant 0 : i32
      %dma_wait3A_70 = tpu.memref_slice %arg9[%dma_wait3A_68, %dma_wait3A_69] : memref<100x128xf32, #tpu.memory_space<vmem>> -> memref<96x128xf32, #tpu.memory_space<vmem>>
      tpu.wait_dma2 semaphore(%run_scoped3A : memref<!tpu.dma_semaphore, #tpu.memory_space<semaphore_mem>>) src(%dma_wait3A_70 : memref<96x128xf32, #tpu.memory_space<vmem>>) dst(%dma_wait3A_67 : memref<96x128xf32, #tpu.memory_space<vmem_shared>>)
      tpu.yield
    }) : () -> ()
    %add3A_18 = arith.constant 384 : i32
    %add3A_19 = arith.addi %mul3A_9, %add3A_18 : i32
    "tpu.region"() ({
      %run_scoped3A = tpu.sem_alloc : memref<!tpu.dma_semaphore, #tpu.memory_space<semaphore_mem>>
      %dma_start3A_52 = arith.constant 0 : i32
      %dma_start3A_53 = arith.constant 0 : i32
      %dma_start3A_54 = tpu.memref_slice %arg9[%dma_start3A_52, %dma_start3A_53] : memref<100x128xf32, #tpu.memory_space<vmem>> -> memref<96x128xf32, #tpu.memory_space<vmem>>
      %dma_start3A_55 = arith.constant 0 : i32
      %dma_start3A_56 = tpu.memref_slice %arg8[%add3A_19, %dma_start3A_55] : memref<10000x128xf32, #tpu.memory_space<vmem_shared>> -> memref<96x128xf32, #tpu.memory_space<vmem_shared>>
      %dma_start3A_57 = arith.constant 0 : i32
      %dma_start3A_58 = tpu.memref_slice %arg8[%add3A_19, %dma_start3A_57] : memref<10000x128xf32, #tpu.memory_space<vmem_shared>> -> memref<96x128xf32, #tpu.memory_space<vmem_shared>>
      %dma_start3A_59 = arith.constant 0 : i32
      %dma_start3A_60 = arith.constant 0 : i32
      %dma_start3A_61 = tpu.memref_slice %arg9[%dma_start3A_59, %dma_start3A_60] : memref<100x128xf32, #tpu.memory_space<vmem>> -> memref<96x128xf32, #tpu.memory_space<vmem>>
      tpu.enqueue_dma source(%dma_start3A_61 : memref<96x128xf32, #tpu.memory_space<vmem>>) target(%dma_start3A_58 : memref<96x128xf32, #tpu.memory_space<vmem_shared>>) target_semaphore(%run_scoped3A : memref<!tpu.dma_semaphore, #tpu.memory_space<semaphore_mem>>)
      %dma_wait3A = arith.constant 0 : i32
      %dma_wait3A_62 = arith.constant 0 : i32
      %dma_wait3A_63 = tpu.memref_slice %arg9[%dma_wait3A, %dma_wait3A_62] : memref<100x128xf32, #tpu.memory_space<vmem>> -> memref<96x128xf32, #tpu.memory_space<vmem>>
      %dma_wait3A_64 = arith.constant 0 : i32
      %dma_wait3A_65 = tpu.memref_slice %arg8[%add3A_19, %dma_wait3A_64] : memref<10000x128xf32, #tpu.memory_space<vmem_shared>> -> memref<96x128xf32, #tpu.memory_space<vmem_shared>>
      %dma_wait3A_66 = arith.constant 0 : i32
      %dma_wait3A_67 = tpu.memref_slice %arg8[%add3A_19, %dma_wait3A_66] : memref<10000x128xf32, #tpu.memory_space<vmem_shared>> -> memref<96x128xf32, #tpu.memory_space<vmem_shared>>
      %dma_wait3A_68 = arith.constant 0 : i32
      %dma_wait3A_69 = arith.constant 0 : i32
      %dma_wait3A_70 = tpu.memref_slice %arg9[%dma_wait3A_68, %dma_wait3A_69] : memref<100x128xf32, #tpu.memory_space<vmem>> -> memref<96x128xf32, #tpu.memory_space<vmem>>
      tpu.wait_dma2 semaphore(%run_scoped3A : memref<!tpu.dma_semaphore, #tpu.memory_space<semaphore_mem>>) src(%dma_wait3A_70 : memref<96x128xf32, #tpu.memory_space<vmem>>) dst(%dma_wait3A_67 : memref<96x128xf32, #tpu.memory_space<vmem_shared>>)
      tpu.yield
    }) : () -> ()
    %add3A_20 = arith.constant 480 : i32
    %add3A_21 = arith.addi %mul3A_9, %add3A_20 : i32
    "tpu.region"() ({
      %run_scoped3A = tpu.sem_alloc : memref<!tpu.dma_semaphore, #tpu.memory_space<semaphore_mem>>
      %dma_start3A_52 = arith.constant 0 : i32
      %dma_start3A_53 = arith.constant 0 : i32
      %dma_start3A_54 = tpu.memref_slice %arg9[%dma_start3A_52, %dma_start3A_53] : memref<100x128xf32, #tpu.memory_space<vmem>> -> memref<96x128xf32, #tpu.memory_space<vmem>>
      %dma_start3A_55 = arith.constant 0 : i32
      %dma_start3A_56 = tpu.memref_slice %arg8[%add3A_21, %dma_start3A_55] : memref<10000x128xf32, #tpu.memory_space<vmem_shared>> -> memref<96x128xf32, #tpu.memory_space<vmem_shared>>
      %dma_start3A_57 = arith.constant 0 : i32
      %dma_start3A_58 = tpu.memref_slice %arg8[%add3A_21, %dma_start3A_57] : memref<10000x128xf32, #tpu.memory_space<vmem_shared>> -> memref<96x128xf32, #tpu.memory_space<vmem_shared>>
      %dma_start3A_59 = arith.constant 0 : i32
      %dma_start3A_60 = arith.constant 0 : i32
      %dma_start3A_61 = tpu.memref_slice %arg9[%dma_start3A_59, %dma_start3A_60] : memref<100x128xf32, #tpu.memory_space<vmem>> -> memref<96x128xf32, #tpu.memory_space<vmem>>
      tpu.enqueue_dma source(%dma_start3A_61 : memref<96x128xf32, #tpu.memory_space<vmem>>) target(%dma_start3A_58 : memref<96x128xf32, #tpu.memory_space<vmem_shared>>) target_semaphore(%run_scoped3A : memref<!tpu.dma_semaphore, #tpu.memory_space<semaphore_mem>>)
      %dma_wait3A = arith.constant 0 : i32
      %dma_wait3A_62 = arith.constant 0 : i32
      %dma_wait3A_63 = tpu.memref_slice %arg9[%dma_wait3A, %dma_wait3A_62] : memref<100x128xf32, #tpu.memory_space<vmem>> -> memref<96x128xf32, #tpu.memory_space<vmem>>
      %dma_wait3A_64 = arith.constant 0 : i32
      %dma_wait3A_65 = tpu.memref_slice %arg8[%add3A_21, %dma_wait3A_64] : memref<10000x128xf32, #tpu.memory_space<vmem_shared>> -> memref<96x128xf32, #tpu.memory_space<vmem_shared>>
      %dma_wait3A_66 = arith.constant 0 : i32
      %dma_wait3A_67 = tpu.memref_slice %arg8[%add3A_21, %dma_wait3A_66] : memref<10000x128xf32, #tpu.memory_space<vmem_shared>> -> memref<96x128xf32, #tpu.memory_space<vmem_shared>>
      %dma_wait3A_68 = arith.constant 0 : i32
      %dma_wait3A_69 = arith.constant 0 : i32
      %dma_wait3A_70 = tpu.memref_slice %arg9[%dma_wait3A_68, %dma_wait3A_69] : memref<100x128xf32, #tpu.memory_space<vmem>> -> memref<96x128xf32, #tpu.memory_space<vmem>>
      tpu.wait_dma2 semaphore(%run_scoped3A : memref<!tpu.dma_semaphore, #tpu.memory_space<semaphore_mem>>) src(%dma_wait3A_70 : memref<96x128xf32, #tpu.memory_space<vmem>>) dst(%dma_wait3A_67 : memref<96x128xf32, #tpu.memory_space<vmem_shared>>)
      tpu.yield
    }) : () -> ()
    %add3A_22 = arith.constant 576 : i32
    %add3A_23 = arith.addi %mul3A_9, %add3A_22 : i32
    "tpu.region"() ({
      %run_scoped3A = tpu.sem_alloc : memref<!tpu.dma_semaphore, #tpu.memory_space<semaphore_mem>>
      %dma_start3A_52 = arith.constant 0 : i32
      %dma_start3A_53 = arith.constant 0 : i32
      %dma_start3A_54 = tpu.memref_slice %arg9[%dma_start3A_52, %dma_start3A_53] : memref<100x128xf32, #tpu.memory_space<vmem>> -> memref<48x128xf32, #tpu.memory_space<vmem>>
      %dma_start3A_55 = arith.constant 0 : i32
      %dma_start3A_56 = tpu.memref_slice %arg8[%add3A_23, %dma_start3A_55] : memref<10000x128xf32, #tpu.memory_space<vmem_shared>> -> memref<48x128xf32, #tpu.memory_space<vmem_shared>>
      %dma_start3A_57 = arith.constant 0 : i32
      %dma_start3A_58 = tpu.memref_slice %arg8[%add3A_23, %dma_start3A_57] : memref<10000x128xf32, #tpu.memory_space<vmem_shared>> -> memref<48x128xf32, #tpu.memory_space<vmem_shared>>
      %dma_start3A_59 = arith.constant 0 : i32
      %dma_start3A_60 = arith.constant 0 : i32
      %dma_start3A_61 = tpu.memref_slice %arg9[%dma_start3A_59, %dma_start3A_60] : memref<100x128xf32, #tpu.memory_space<vmem>> -> memref<48x128xf32, #tpu.memory_space<vmem>>
      tpu.enqueue_dma source(%dma_start3A_61 : memref<48x128xf32, #tpu.memory_space<vmem>>) target(%dma_start3A_58 : memref<48x128xf32, #tpu.memory_space<vmem_shared>>) target_semaphore(%run_scoped3A : memref<!tpu.dma_semaphore, #tpu.memory_space<semaphore_mem>>)
      %dma_wait3A = arith.constant 0 : i32
      %dma_wait3A_62 = arith.constant 0 : i32
      %dma_wait3A_63 = tpu.memref_slice %arg9[%dma_wait3A, %dma_wait3A_62] : memref<100x128xf32, #tpu.memory_space<vmem>> -> memref<48x128xf32, #tpu.memory_space<vmem>>
      %dma_wait3A_64 = arith.constant 0 : i32
      %dma_wait3A_65 = tpu.memref_slice %arg8[%add3A_23, %dma_wait3A_64] : memref<10000x128xf32, #tpu.memory_space<vmem_shared>> -> memref<48x128xf32, #tpu.memory_space<vmem_shared>>
      %dma_wait3A_66 = arith.constant 0 : i32
      %dma_wait3A_67 = tpu.memref_slice %arg8[%add3A_23, %dma_wait3A_66] : memref<10000x128xf32, #tpu.memory_space<vmem_shared>> -> memref<48x128xf32, #tpu.memory_space<vmem_shared>>
      %dma_wait3A_68 = arith.constant 0 : i32
      %dma_wait3A_69 = arith.constant 0 : i32
      %dma_wait3A_70 = tpu.memref_slice %arg9[%dma_wait3A_68, %dma_wait3A_69] : memref<100x128xf32, #tpu.memory_space<vmem>> -> memref<48x128xf32, #tpu.memory_space<vmem>>
      tpu.wait_dma2 semaphore(%run_scoped3A : memref<!tpu.dma_semaphore, #tpu.memory_space<semaphore_mem>>) src(%dma_wait3A_70 : memref<48x128xf32, #tpu.memory_space<vmem>>) dst(%dma_wait3A_67 : memref<48x128xf32, #tpu.memory_space<vmem_shared>>)
      tpu.yield
    }) : () -> ()
    %eq3A = arith.constant 15 : i32
    %eq3A_24 = arith.cmpi eq, %arg1, %eq3A : i32
    %convert_element_type3A = arith.extui %eq3A_24 : i1 to i32
    %cond3A = arith.constant 0 : i32
    %cond3A_25 = arith.cmpi ne, %convert_element_type3A, %cond3A : i32
    scf.if %cond3A_25 {
      "tpu.region"() ({
        %run_scoped3A = tpu.sem_alloc : memref<!tpu.dma_semaphore, #tpu.memory_space<semaphore_mem>>
        %dma_start3A_52 = arith.constant 0 : i32
        %dma_start3A_53 = arith.constant 0 : i32
        %dma_start3A_54 = tpu.memref_slice %arg9[%dma_start3A_52, %dma_start3A_53] : memref<100x128xf32, #tpu.memory_space<vmem>> -> memref<16x128xf32, #tpu.memory_space<vmem>>
        %dma_start3A_55 = arith.constant 9984 : i32
        %dma_start3A_56 = arith.constant 0 : i32
        %dma_start3A_57 = tpu.memref_slice %arg8[%dma_start3A_55, %dma_start3A_56] : memref<10000x128xf32, #tpu.memory_space<vmem_shared>> -> memref<16x128xf32, #tpu.memory_space<vmem_shared>>
        %dma_start3A_58 = arith.constant 9984 : i32
        %dma_start3A_59 = arith.constant 0 : i32
        %dma_start3A_60 = tpu.memref_slice %arg8[%dma_start3A_58, %dma_start3A_59] : memref<10000x128xf32, #tpu.memory_space<vmem_shared>> -> memref<16x128xf32, #tpu.memory_space<vmem_shared>>
        %dma_start3A_61 = arith.constant 0 : i32
        %dma_start3A_62 = arith.constant 0 : i32
        %dma_start3A_63 = tpu.memref_slice %arg9[%dma_start3A_61, %dma_start3A_62] : memref<100x128xf32, #tpu.memory_space<vmem>> -> memref<16x128xf32, #tpu.memory_space<vmem>>
        tpu.enqueue_dma source(%dma_start3A_63 : memref<16x128xf32, #tpu.memory_space<vmem>>) target(%dma_start3A_60 : memref<16x128xf32, #tpu.memory_space<vmem_shared>>) target_semaphore(%run_scoped3A : memref<!tpu.dma_semaphore, #tpu.memory_space<semaphore_mem>>)
        %dma_wait3A = arith.constant 0 : i32
        %dma_wait3A_64 = arith.constant 0 : i32
        %dma_wait3A_65 = tpu.memref_slice %arg9[%dma_wait3A, %dma_wait3A_64] : memref<100x128xf32, #tpu.memory_space<vmem>> -> memref<16x128xf32, #tpu.memory_space<vmem>>
        %dma_wait3A_66 = arith.constant 9984 : i32
        %dma_wait3A_67 = arith.constant 0 : i32
        %dma_wait3A_68 = tpu.memref_slice %arg8[%dma_wait3A_66, %dma_wait3A_67] : memref<10000x128xf32, #tpu.memory_space<vmem_shared>> -> memref<16x128xf32, #tpu.memory_space<vmem_shared>>
        %dma_wait3A_69 = arith.constant 9984 : i32
        %dma_wait3A_70 = arith.constant 0 : i32
        %dma_wait3A_71 = tpu.memref_slice %arg8[%dma_wait3A_69, %dma_wait3A_70] : memref<10000x128xf32, #tpu.memory_space<vmem_shared>> -> memref<16x128xf32, #tpu.memory_space<vmem_shared>>
        %dma_wait3A_72 = arith.constant 0 : i32
        %dma_wait3A_73 = arith.constant 0 : i32
        %dma_wait3A_74 = tpu.memref_slice %arg9[%dma_wait3A_72, %dma_wait3A_73] : memref<100x128xf32, #tpu.memory_space<vmem>> -> memref<16x128xf32, #tpu.memory_space<vmem>>
        tpu.wait_dma2 semaphore(%run_scoped3A : memref<!tpu.dma_semaphore, #tpu.memory_space<semaphore_mem>>) src(%dma_wait3A_74 : memref<16x128xf32, #tpu.memory_space<vmem>>) dst(%dma_wait3A_71 : memref<16x128xf32, #tpu.memory_space<vmem_shared>>)
        tpu.yield
      }) : () -> ()
    } else {
    }
    %barrier3A = arith.constant 0 : index
    tpu.barrier barrier_id(%barrier3A)
    %dma_start3A = arith.constant 0 : i32
    %dma_start3A_26 = arith.constant 0 : i32
    %dma_start3A_27 = tpu.memref_slice %arg6[%dma_start3A, %dma_start3A_26] : memref<100x100xi32, #tpu.memory_space<vmem>> -> memref<1x100xi32, #tpu.memory_space<vmem>>
    %dma_start3A_28 = tpu.memref_squeeze %dma_start3A_27 : memref<1x100xi32, #tpu.memory_space<vmem>> -> memref<100xi32, #tpu.memory_space<vmem>>
    %dma_start3A_29 = arith.constant 0 : i32
    %dma_start3A_30 = arith.constant 0 : i32
    %dma_start3A_31 = tpu.memref_slice %arg2[%dma_start3A_29, %dma_start3A_30] : memref<10000x128xf32, #tpu.memory_space<hbm>> -> memref<10000x128xf32, #tpu.memory_space<hbm>>
    tpu.enqueue_indirect_dma source(%dma_start3A_31 : memref<10000x128xf32, #tpu.memory_space<hbm>>) target(%arg9 : memref<100x128xf32, #tpu.memory_space<vmem>>) offsets(%dma_start3A_28 : memref<100xi32, #tpu.memory_space<vmem>>) semaphore(%arg11 : memref<!tpu.dma_semaphore, #tpu.memory_space<semaphore_mem>>)
    %dma_start3A_32 = arith.constant 1 : i32
    %dma_start3A_33 = arith.constant 0 : i32
    %dma_start3A_34 = tpu.memref_slice %arg6[%dma_start3A_32, %dma_start3A_33] : memref<100x100xi32, #tpu.memory_space<vmem>> -> memref<1x100xi32, #tpu.memory_space<vmem>>
    %dma_start3A_35 = tpu.memref_squeeze %dma_start3A_34 : memref<1x100xi32, #tpu.memory_space<vmem>> -> memref<100xi32, #tpu.memory_space<vmem>>
    %dma_start3A_36 = arith.constant 0 : i32
    %dma_start3A_37 = arith.constant 0 : i32
    %dma_start3A_38 = tpu.memref_slice %arg2[%dma_start3A_36, %dma_start3A_37] : memref<10000x128xf32, #tpu.memory_space<hbm>> -> memref<10000x128xf32, #tpu.memory_space<hbm>>
    tpu.enqueue_indirect_dma source(%dma_start3A_38 : memref<10000x128xf32, #tpu.memory_space<hbm>>) target(%arg10 : memref<100x128xf32, #tpu.memory_space<vmem>>) offsets(%dma_start3A_35 : memref<100xi32, #tpu.memory_space<vmem>>) semaphore(%arg12 : memref<!tpu.dma_semaphore, #tpu.memory_space<semaphore_mem>>)
    %scan3A_39 = arith.constant 0 : i32
    %scan3A_40 = arith.constant 0 : i32
    %scan3A_41 = arith.constant 50 : i32
    %scan3A_42 = arith.addi %scan3A_40, %scan3A_41 : i32
    %scan3A_43 = arith.constant 1 : i32
    %scan3A_44 = scf.for %scan3A_52 = %scan3A_40 to %scan3A_42 step %scan3A_43 iter_args(%scan3A_53 = %scan3A_39) -> (i32)  : i32 {
      %mul3A_54 = arith.constant 2 : i32
      %mul3A_55 = arith.muli %scan3A_52, %mul3A_54 : i32
      %add3A_56 = arith.constant 0 : i32
      %add3A_57 = arith.addi %mul3A_55, %add3A_56 : i32
      %dma_wait3A = arith.constant 0 : i32
      %dma_wait3A_58 = tpu.memref_slice %arg6[%add3A_57, %dma_wait3A] : memref<100x100xi32, #tpu.memory_space<vmem>> -> memref<1x100xi32, #tpu.memory_space<vmem>>
      %dma_wait3A_59 = tpu.memref_squeeze %dma_wait3A_58 : memref<1x100xi32, #tpu.memory_space<vmem>> -> memref<100xi32, #tpu.memory_space<vmem>>
      %dma_wait3A_60 = arith.constant 0 : i32
      %dma_wait3A_61 = arith.constant 0 : i32
      %dma_wait3A_62 = tpu.memref_slice %arg2[%dma_wait3A_60, %dma_wait3A_61] : memref<10000x128xf32, #tpu.memory_space<hbm>> -> memref<10000x128xf32, #tpu.memory_space<hbm>>
      tpu.wait_indirect_dma semaphore(%arg11 : memref<!tpu.dma_semaphore, #tpu.memory_space<semaphore_mem>>) src(%dma_wait3A_62 : memref<10000x128xf32, #tpu.memory_space<hbm>>) dst(%arg9 : memref<100x128xf32, #tpu.memory_space<vmem>>)
      "tpu.region"() ({
        %run_scoped3A = tpu.sem_alloc : memref<!tpu.dma_semaphore, #tpu.memory_space<semaphore_mem>>
        %dma_start3A_85 = arith.constant 0 : i32
        %dma_start3A_86 = tpu.memref_slice %arg7[%add3A_57, %dma_start3A_85] : memref<100x100xi32, #tpu.memory_space<vmem>> -> memref<1x100xi32, #tpu.memory_space<vmem>>
        %dma_start3A_87 = tpu.memref_squeeze %dma_start3A_86 : memref<1x100xi32, #tpu.memory_space<vmem>> -> memref<100xi32, #tpu.memory_space<vmem>>
        %dma_start3A_88 = arith.constant 0 : i32
        %dma_start3A_89 = arith.constant 0 : i32
        %dma_start3A_90 = tpu.memref_slice %arg8[%dma_start3A_88, %dma_start3A_89] : memref<10000x128xf32, #tpu.memory_space<vmem_shared>> -> memref<10000x128xf32, #tpu.memory_space<vmem_shared>>
        tpu.enqueue_indirect_dma source(%arg9 : memref<100x128xf32, #tpu.memory_space<vmem>>) target(%dma_start3A_90 : memref<10000x128xf32, #tpu.memory_space<vmem_shared>>) offsets(%dma_start3A_87 : memref<100xi32, #tpu.memory_space<vmem>>) semaphore(%run_scoped3A : memref<!tpu.dma_semaphore, #tpu.memory_space<semaphore_mem>>) {add = true}
        %dma_wait3A_91 = arith.constant 0 : i32
        %dma_wait3A_92 = tpu.memref_slice %arg7[%add3A_57, %dma_wait3A_91] : memref<100x100xi32, #tpu.memory_space<vmem>> -> memref<1x100xi32, #tpu.memory_space<vmem>>
        %dma_wait3A_93 = tpu.memref_squeeze %dma_wait3A_92 : memref<1x100xi32, #tpu.memory_space<vmem>> -> memref<100xi32, #tpu.memory_space<vmem>>
        %dma_wait3A_94 = arith.constant 0 : i32
        %dma_wait3A_95 = arith.constant 0 : i32
        %dma_wait3A_96 = tpu.memref_slice %arg8[%dma_wait3A_94, %dma_wait3A_95] : memref<10000x128xf32, #tpu.memory_space<vmem_shared>> -> memref<10000x128xf32, #tpu.memory_space<vmem_shared>>
        tpu.wait_indirect_dma semaphore(%run_scoped3A : memref<!tpu.dma_semaphore, #tpu.memory_space<semaphore_mem>>) src(%arg9 : memref<100x128xf32, #tpu.memory_space<vmem>>) dst(%dma_wait3A_96 : memref<10000x128xf32, #tpu.memory_space<vmem_shared>>)
        tpu.yield
      }) : () -> ()
      %add3A_63 = arith.constant 2 : i32
      %add3A_64 = arith.addi %add3A_57, %add3A_63 : i32
      %lt3A = arith.constant 100 : i32
      %lt3A_65 = arith.cmpi slt, %add3A_64, %lt3A : i32
      %convert_element_type3A_66 = arith.extui %lt3A_65 : i1 to i32
      %cond3A_67 = arith.constant 0 : i32
      %cond3A_68 = arith.cmpi ne, %convert_element_type3A_66, %cond3A_67 : i32
      scf.if %cond3A_68 {
        %add3A_85 = arith.constant 2 : i32
        %add3A_86 = arith.addi %add3A_57, %add3A_85 : i32
        %dma_start3A_87 = arith.constant 0 : i32
        %dma_start3A_88 = tpu.memref_slice %arg6[%add3A_86, %dma_start3A_87] : memref<100x100xi32, #tpu.memory_space<vmem>> -> memref<1x100xi32, #tpu.memory_space<vmem>>
        %dma_start3A_89 = tpu.memref_squeeze %dma_start3A_88 : memref<1x100xi32, #tpu.memory_space<vmem>> -> memref<100xi32, #tpu.memory_space<vmem>>
        %dma_start3A_90 = arith.constant 0 : i32
        %dma_start3A_91 = arith.constant 0 : i32
        %dma_start3A_92 = tpu.memref_slice %arg2[%dma_start3A_90, %dma_start3A_91] : memref<10000x128xf32, #tpu.memory_space<hbm>> -> memref<10000x128xf32, #tpu.memory_space<hbm>>
        tpu.enqueue_indirect_dma source(%dma_start3A_92 : memref<10000x128xf32, #tpu.memory_space<hbm>>) target(%arg9 : memref<100x128xf32, #tpu.memory_space<vmem>>) offsets(%dma_start3A_89 : memref<100xi32, #tpu.memory_space<vmem>>) semaphore(%arg11 : memref<!tpu.dma_semaphore, #tpu.memory_space<semaphore_mem>>)
      } else {
      }
      %add3A_69 = arith.constant 1 : i32
      %add3A_70 = arith.addi %mul3A_55, %add3A_69 : i32
      %dma_wait3A_71 = arith.constant 0 : i32
      %dma_wait3A_72 = tpu.memref_slice %arg6[%add3A_70, %dma_wait3A_71] : memref<100x100xi32, #tpu.memory_space<vmem>> -> memref<1x100xi32, #tpu.memory_space<vmem>>
      %dma_wait3A_73 = tpu.memref_squeeze %dma_wait3A_72 : memref<1x100xi32, #tpu.memory_space<vmem>> -> memref<100xi32, #tpu.memory_space<vmem>>
      %dma_wait3A_74 = arith.constant 0 : i32
      %dma_wait3A_75 = arith.constant 0 : i32
      %dma_wait3A_76 = tpu.memref_slice %arg2[%dma_wait3A_74, %dma_wait3A_75] : memref<10000x128xf32, #tpu.memory_space<hbm>> -> memref<10000x128xf32, #tpu.memory_space<hbm>>
      tpu.wait_indirect_dma semaphore(%arg12 : memref<!tpu.dma_semaphore, #tpu.memory_space<semaphore_mem>>) src(%dma_wait3A_76 : memref<10000x128xf32, #tpu.memory_space<hbm>>) dst(%arg10 : memref<100x128xf32, #tpu.memory_space<vmem>>)
      "tpu.region"() ({
        %run_scoped3A = tpu.sem_alloc : memref<!tpu.dma_semaphore, #tpu.memory_space<semaphore_mem>>
        %dma_start3A_85 = arith.constant 0 : i32
        %dma_start3A_86 = tpu.memref_slice %arg7[%add3A_70, %dma_start3A_85] : memref<100x100xi32, #tpu.memory_space<vmem>> -> memref<1x100xi32, #tpu.memory_space<vmem>>
        %dma_start3A_87 = tpu.memref_squeeze %dma_start3A_86 : memref<1x100xi32, #tpu.memory_space<vmem>> -> memref<100xi32, #tpu.memory_space<vmem>>
        %dma_start3A_88 = arith.constant 0 : i32
        %dma_start3A_89 = arith.constant 0 : i32
        %dma_start3A_90 = tpu.memref_slice %arg8[%dma_start3A_88, %dma_start3A_89] : memref<10000x128xf32, #tpu.memory_space<vmem_shared>> -> memref<10000x128xf32, #tpu.memory_space<vmem_shared>>
        tpu.enqueue_indirect_dma source(%arg10 : memref<100x128xf32, #tpu.memory_space<vmem>>) target(%dma_start3A_90 : memref<10000x128xf32, #tpu.memory_space<vmem_shared>>) offsets(%dma_start3A_87 : memref<100xi32, #tpu.memory_space<vmem>>) semaphore(%run_scoped3A : memref<!tpu.dma_semaphore, #tpu.memory_space<semaphore_mem>>) {add = true}
        %dma_wait3A_91 = arith.constant 0 : i32
        %dma_wait3A_92 = tpu.memref_slice %arg7[%add3A_70, %dma_wait3A_91] : memref<100x100xi32, #tpu.memory_space<vmem>> -> memref<1x100xi32, #tpu.memory_space<vmem>>
        %dma_wait3A_93 = tpu.memref_squeeze %dma_wait3A_92 : memref<1x100xi32, #tpu.memory_space<vmem>> -> memref<100xi32, #tpu.memory_space<vmem>>
        %dma_wait3A_94 = arith.constant 0 : i32
        %dma_wait3A_95 = arith.constant 0 : i32
        %dma_wait3A_96 = tpu.memref_slice %arg8[%dma_wait3A_94, %dma_wait3A_95] : memref<10000x128xf32, #tpu.memory_space<vmem_shared>> -> memref<10000x128xf32, #tpu.memory_space<vmem_shared>>
        tpu.wait_indirect_dma semaphore(%run_scoped3A : memref<!tpu.dma_semaphore, #tpu.memory_space<semaphore_mem>>) src(%arg10 : memref<100x128xf32, #tpu.memory_space<vmem>>) dst(%dma_wait3A_96 : memref<10000x128xf32, #tpu.memory_space<vmem_shared>>)
        tpu.yield
      }) : () -> ()
      %add3A_77 = arith.constant 2 : i32
      %add3A_78 = arith.addi %add3A_70, %add3A_77 : i32
      %lt3A_79 = arith.constant 100 : i32
      %lt3A_80 = arith.cmpi slt, %add3A_78, %lt3A_79 : i32
      %convert_element_type3A_81 = arith.extui %lt3A_80 : i1 to i32
      %cond3A_82 = arith.constant 0 : i32
      %cond3A_83 = arith.cmpi ne, %convert_element_type3A_81, %cond3A_82 : i32
      scf.if %cond3A_83 {
        %add3A_85 = arith.constant 2 : i32
        %add3A_86 = arith.addi %add3A_70, %add3A_85 : i32
        %dma_start3A_87 = arith.constant 0 : i32
        %dma_start3A_88 = tpu.memref_slice %arg6[%add3A_86, %dma_start3A_87] : memref<100x100xi32, #tpu.memory_space<vmem>> -> memref<1x100xi32, #tpu.memory_space<vmem>>
        %dma_start3A_89 = tpu.memref_squeeze %dma_start3A_88 : memref<1x100xi32, #tpu.memory_space<vmem>> -> memref<100xi32, #tpu.memory_space<vmem>>
        %dma_start3A_90 = arith.constant 0 : i32
        %dma_start3A_91 = arith.constant 0 : i32
        %dma_start3A_92 = tpu.memref_slice %arg2[%dma_start3A_90, %dma_start3A_91] : memref<10000x128xf32, #tpu.memory_space<hbm>> -> memref<10000x128xf32, #tpu.memory_space<hbm>>
        tpu.enqueue_indirect_dma source(%dma_start3A_92 : memref<10000x128xf32, #tpu.memory_space<hbm>>) target(%arg10 : memref<100x128xf32, #tpu.memory_space<vmem>>) offsets(%dma_start3A_89 : memref<100xi32, #tpu.memory_space<vmem>>) semaphore(%arg12 : memref<!tpu.dma_semaphore, #tpu.memory_space<semaphore_mem>>)
      } else {
      }
      %scan3A_84 = arith.constant 0 : i32
      scf.yield %scan3A_84 : i32
    }
    %scan3A_45 = arith.constant 50 : i32
    %barrier3A_46 = arith.constant 0 : index
    tpu.barrier barrier_id(%barrier3A_46)
    "tpu.region"() ({
      %run_scoped3A = tpu.sem_alloc : memref<!tpu.dma_semaphore, #tpu.memory_space<semaphore_mem>>
      %dma_start3A_52 = arith.constant 0 : i32
      %dma_start3A_53 = tpu.memref_slice %arg5[%arg0, %mul3A_9, %dma_start3A_52] : memref<2x10000x128xf32, #tpu.memory_space<hbm>> -> memref<1x624x128xf32, #tpu.memory_space<hbm>>
      %dma_start3A_54 = tpu.memref_squeeze %dma_start3A_53 : memref<1x624x128xf32, #tpu.memory_space<hbm>> -> memref<624x128xf32, #tpu.memory_space<hbm>>
      %dma_start3A_55 = arith.constant 0 : i32
      %dma_start3A_56 = tpu.memref_slice %arg8[%mul3A_9, %dma_start3A_55] : memref<10000x128xf32, #tpu.memory_space<vmem_shared>> -> memref<624x128xf32, #tpu.memory_space<vmem_shared>>
      tpu.enqueue_dma source(%dma_start3A_56 : memref<624x128xf32, #tpu.memory_space<vmem_shared>>) target(%dma_start3A_54 : memref<624x128xf32, #tpu.memory_space<hbm>>) target_semaphore(%run_scoped3A : memref<!tpu.dma_semaphore, #tpu.memory_space<semaphore_mem>>)
      %dma_wait3A = arith.constant 0 : i32
      %dma_wait3A_57 = tpu.memref_slice %arg5[%arg0, %mul3A_9, %dma_wait3A] : memref<2x10000x128xf32, #tpu.memory_space<hbm>> -> memref<1x624x128xf32, #tpu.memory_space<hbm>>
      %dma_wait3A_58 = tpu.memref_squeeze %dma_wait3A_57 : memref<1x624x128xf32, #tpu.memory_space<hbm>> -> memref<624x128xf32, #tpu.memory_space<hbm>>
      %dma_wait3A_59 = arith.constant 0 : i32
      %dma_wait3A_60 = tpu.memref_slice %arg8[%mul3A_9, %dma_wait3A_59] : memref<10000x128xf32, #tpu.memory_space<vmem_shared>> -> memref<624x128xf32, #tpu.memory_space<vmem_shared>>
      tpu.wait_dma2 semaphore(%run_scoped3A : memref<!tpu.dma_semaphore, #tpu.memory_space<semaphore_mem>>) src(%dma_wait3A_60 : memref<624x128xf32, #tpu.memory_space<vmem_shared>>) dst(%dma_wait3A_58 : memref<624x128xf32, #tpu.memory_space<hbm>>)
      tpu.yield
    }) : () -> ()
    %eq3A_47 = arith.constant 15 : i32
    %eq3A_48 = arith.cmpi eq, %arg1, %eq3A_47 : i32
    %convert_element_type3A_49 = arith.extui %eq3A_48 : i1 to i32
    %cond3A_50 = arith.constant 0 : i32
    %cond3A_51 = arith.cmpi ne, %convert_element_type3A_49, %cond3A_50 : i32
    scf.if %cond3A_51 {
      "tpu.region"() ({
        %run_scoped3A = tpu.sem_alloc : memref<!tpu.dma_semaphore, #tpu.memory_space<semaphore_mem>>
        %dma_start3A_52 = arith.constant 9984 : i32
        %dma_start3A_53 = arith.constant 0 : i32
        %dma_start3A_54 = tpu.memref_slice %arg5[%arg0, %dma_start3A_52, %dma_start3A_53] : memref<2x10000x128xf32, #tpu.memory_space<hbm>> -> memref<1x16x128xf32, #tpu.memory_space<hbm>>
        %dma_start3A_55 = tpu.memref_squeeze %dma_start3A_54 : memref<1x16x128xf32, #tpu.memory_space<hbm>> -> memref<16x128xf32, #tpu.memory_space<hbm>>
        %dma_start3A_56 = arith.constant 9984 : i32
        %dma_start3A_57 = arith.constant 0 : i32
        %dma_start3A_58 = tpu.memref_slice %arg8[%dma_start3A_56, %dma_start3A_57] : memref<10000x128xf32, #tpu.memory_space<vmem_shared>> -> memref<16x128xf32, #tpu.memory_space<vmem_shared>>
        tpu.enqueue_dma source(%dma_start3A_58 : memref<16x128xf32, #tpu.memory_space<vmem_shared>>) target(%dma_start3A_55 : memref<16x128xf32, #tpu.memory_space<hbm>>) target_semaphore(%run_scoped3A : memref<!tpu.dma_semaphore, #tpu.memory_space<semaphore_mem>>)
        %dma_wait3A = arith.constant 9984 : i32
        %dma_wait3A_59 = arith.constant 0 : i32
        %dma_wait3A_60 = tpu.memref_slice %arg5[%arg0, %dma_wait3A, %dma_wait3A_59] : memref<2x10000x128xf32, #tpu.memory_space<hbm>> -> memref<1x16x128xf32, #tpu.memory_space<hbm>>
        %dma_wait3A_61 = tpu.memref_squeeze %dma_wait3A_60 : memref<1x16x128xf32, #tpu.memory_space<hbm>> -> memref<16x128xf32, #tpu.memory_space<hbm>>
        %dma_wait3A_62 = arith.constant 9984 : i32
        %dma_wait3A_63 = arith.constant 0 : i32
        %dma_wait3A_64 = tpu.memref_slice %arg8[%dma_wait3A_62, %dma_wait3A_63] : memref<10000x128xf32, #tpu.memory_space<vmem_shared>> -> memref<16x128xf32, #tpu.memory_space<vmem_shared>>
        tpu.wait_dma2 semaphore(%run_scoped3A : memref<!tpu.dma_semaphore, #tpu.memory_space<semaphore_mem>>) src(%dma_wait3A_64 : memref<16x128xf32, #tpu.memory_space<vmem_shared>>) dst(%dma_wait3A_61 : memref<16x128xf32, #tpu.memory_space<hbm>>)
        tpu.yield
      }) : () -> ()
    } else {
    }
    return
  }
}

#map = affine_map<(d0, d1) -> (0, 0)>
#map1 = affine_map<(d0, d1) -> (0, 0, 0)>
module attributes {stable_mosaic.version = 14 : i64} {
  func.func @agg(%arg0: i32, %arg1: i32, %arg2: memref<10000x16xf32, #tpu.memory_space<hbm>>, %arg3: memref<32x100x100xi32, #tpu.memory_space<hbm>>, %arg4: memref<32x100x100xi32, #tpu.memory_space<hbm>>, %arg5: memref<2x10000x16xf32, #tpu.memory_space<hbm>>, %arg6: memref<100x100xi32, #tpu.memory_space<vmem>>, %arg7: memref<100x100xi32, #tpu.memory_space<vmem>>, %arg8: memref<10000x16xf32, #tpu.memory_space<vmem_shared>>, %arg9: memref<100x16xf32, #tpu.memory_space<vmem>>, %arg10: memref<100x16xf32, #tpu.memory_space<vmem>>, %arg11: memref<100x16xf32, #tpu.memory_space<vmem>>, %arg12: memref<100x16xf32, #tpu.memory_space<vmem>>, %arg13: memref<100x16xf32, #tpu.memory_space<vmem>>, %arg14: memref<100x16xf32, #tpu.memory_space<vmem>>, %arg15: memref<100x16xf32, #tpu.memory_space<vmem>>, %arg16: memref<100x16xf32, #tpu.memory_space<vmem>>, %arg17: memref<100x16xf32, #tpu.memory_space<vmem>>, %arg18: memref<100x16xf32, #tpu.memory_space<vmem>>, %arg19: memref<!tpu.dma_semaphore, #tpu.memory_space<semaphore_mem>>, %arg20: memref<!tpu.dma_semaphore, #tpu.memory_space<semaphore_mem>>, %arg21: memref<!tpu.dma_semaphore, #tpu.memory_space<semaphore_mem>>, %arg22: memref<!tpu.dma_semaphore, #tpu.memory_space<semaphore_mem>>, %arg23: memref<!tpu.dma_semaphore, #tpu.memory_space<semaphore_mem>>, %arg24: memref<!tpu.dma_semaphore, #tpu.memory_space<semaphore_mem>>, %arg25: memref<!tpu.dma_semaphore, #tpu.memory_space<semaphore_mem>>, %arg26: memref<!tpu.dma_semaphore, #tpu.memory_space<semaphore_mem>>, %arg27: memref<!tpu.dma_semaphore, #tpu.memory_space<semaphore_mem>>, %arg28: memref<!tpu.dma_semaphore, #tpu.memory_space<semaphore_mem>>, %arg29: memref<!tpu.dma_semaphore, #tpu.memory_space<semaphore_mem>>, %arg30: memref<!tpu.dma_semaphore, #tpu.memory_space<semaphore_mem>>, %arg31: memref<!tpu.dma_semaphore, #tpu.memory_space<semaphore_mem>>, %arg32: memref<!tpu.dma_semaphore, #tpu.memory_space<semaphore_mem>>, %arg33: memref<!tpu.dma_semaphore, #tpu.memory_space<semaphore_mem>>, %arg34: memref<!tpu.dma_semaphore, #tpu.memory_space<semaphore_mem>>, %arg35: memref<!tpu.dma_semaphore, #tpu.memory_space<semaphore_mem>>, %arg36: memref<!tpu.dma_semaphore, #tpu.memory_space<semaphore_mem>>, %arg37: memref<!tpu.dma_semaphore, #tpu.memory_space<semaphore_mem>>, %arg38: memref<!tpu.dma_semaphore, #tpu.memory_space<semaphore_mem>>) attributes {dimension_semantics = [#tpu.dimension_semantics<core_parallel>, #tpu.dimension_semantics<subcore_parallel>], iteration_bounds = array<i64: 2, 16>, scalar_prefetch = 0 : i64, scratch_operands = 33 : i64, tpu.core_type = #tpu.core_type<sc_vector_subcore>, window_params = [{transform_indices = #map}, {transform_indices = #map1}, {transform_indices = #map1}, {transform_indices = #map1}]} {
    %mul3A = arith.constant 2 : i32
    %mul3A_0 = arith.muli %arg1, %mul3A : i32
    %add3A = arith.addi %mul3A_0, %arg0 : i32
    "tpu.region"() ({
      %run_scoped3A = tpu.sem_alloc : memref<!tpu.dma_semaphore, #tpu.memory_space<semaphore_mem>>
      %dma_start3A_108 = arith.constant 0 : i32
      %dma_start3A_109 = arith.constant 0 : i32
      %dma_start3A_110 = tpu.memref_slice %arg3[%add3A, %dma_start3A_108, %dma_start3A_109] : memref<32x100x100xi32, #tpu.memory_space<hbm>> -> memref<1x100x100xi32, #tpu.memory_space<hbm>>
      %dma_start3A_111 = tpu.memref_squeeze %dma_start3A_110 : memref<1x100x100xi32, #tpu.memory_space<hbm>> -> memref<100x100xi32, #tpu.memory_space<hbm>>
      %dma_start3A_112 = arith.constant 0 : i32
      %dma_start3A_113 = arith.constant 0 : i32
      %dma_start3A_114 = tpu.memref_slice %arg3[%add3A, %dma_start3A_112, %dma_start3A_113] : memref<32x100x100xi32, #tpu.memory_space<hbm>> -> memref<1x100x100xi32, #tpu.memory_space<hbm>>
      %dma_start3A_115 = tpu.memref_squeeze %dma_start3A_114 : memref<1x100x100xi32, #tpu.memory_space<hbm>> -> memref<100x100xi32, #tpu.memory_space<hbm>>
      tpu.enqueue_dma source(%dma_start3A_115 : memref<100x100xi32, #tpu.memory_space<hbm>>) target(%arg6 : memref<100x100xi32, #tpu.memory_space<vmem>>) target_semaphore(%run_scoped3A : memref<!tpu.dma_semaphore, #tpu.memory_space<semaphore_mem>>)
      %dma_wait3A = arith.constant 0 : i32
      %dma_wait3A_116 = arith.constant 0 : i32
      %dma_wait3A_117 = tpu.memref_slice %arg3[%add3A, %dma_wait3A, %dma_wait3A_116] : memref<32x100x100xi32, #tpu.memory_space<hbm>> -> memref<1x100x100xi32, #tpu.memory_space<hbm>>
      %dma_wait3A_118 = tpu.memref_squeeze %dma_wait3A_117 : memref<1x100x100xi32, #tpu.memory_space<hbm>> -> memref<100x100xi32, #tpu.memory_space<hbm>>
      %dma_wait3A_119 = arith.constant 0 : i32
      %dma_wait3A_120 = arith.constant 0 : i32
      %dma_wait3A_121 = tpu.memref_slice %arg3[%add3A, %dma_wait3A_119, %dma_wait3A_120] : memref<32x100x100xi32, #tpu.memory_space<hbm>> -> memref<1x100x100xi32, #tpu.memory_space<hbm>>
      %dma_wait3A_122 = tpu.memref_squeeze %dma_wait3A_121 : memref<1x100x100xi32, #tpu.memory_space<hbm>> -> memref<100x100xi32, #tpu.memory_space<hbm>>
      tpu.wait_dma2 semaphore(%run_scoped3A : memref<!tpu.dma_semaphore, #tpu.memory_space<semaphore_mem>>) src(%dma_wait3A_122 : memref<100x100xi32, #tpu.memory_space<hbm>>) dst(%arg6 : memref<100x100xi32, #tpu.memory_space<vmem>>)
      tpu.yield
    }) : () -> ()
    "tpu.region"() ({
      %run_scoped3A = tpu.sem_alloc : memref<!tpu.dma_semaphore, #tpu.memory_space<semaphore_mem>>
      %dma_start3A_108 = arith.constant 0 : i32
      %dma_start3A_109 = arith.constant 0 : i32
      %dma_start3A_110 = tpu.memref_slice %arg4[%add3A, %dma_start3A_108, %dma_start3A_109] : memref<32x100x100xi32, #tpu.memory_space<hbm>> -> memref<1x100x100xi32, #tpu.memory_space<hbm>>
      %dma_start3A_111 = tpu.memref_squeeze %dma_start3A_110 : memref<1x100x100xi32, #tpu.memory_space<hbm>> -> memref<100x100xi32, #tpu.memory_space<hbm>>
      %dma_start3A_112 = arith.constant 0 : i32
      %dma_start3A_113 = arith.constant 0 : i32
      %dma_start3A_114 = tpu.memref_slice %arg4[%add3A, %dma_start3A_112, %dma_start3A_113] : memref<32x100x100xi32, #tpu.memory_space<hbm>> -> memref<1x100x100xi32, #tpu.memory_space<hbm>>
      %dma_start3A_115 = tpu.memref_squeeze %dma_start3A_114 : memref<1x100x100xi32, #tpu.memory_space<hbm>> -> memref<100x100xi32, #tpu.memory_space<hbm>>
      tpu.enqueue_dma source(%dma_start3A_115 : memref<100x100xi32, #tpu.memory_space<hbm>>) target(%arg7 : memref<100x100xi32, #tpu.memory_space<vmem>>) target_semaphore(%run_scoped3A : memref<!tpu.dma_semaphore, #tpu.memory_space<semaphore_mem>>)
      %dma_wait3A = arith.constant 0 : i32
      %dma_wait3A_116 = arith.constant 0 : i32
      %dma_wait3A_117 = tpu.memref_slice %arg4[%add3A, %dma_wait3A, %dma_wait3A_116] : memref<32x100x100xi32, #tpu.memory_space<hbm>> -> memref<1x100x100xi32, #tpu.memory_space<hbm>>
      %dma_wait3A_118 = tpu.memref_squeeze %dma_wait3A_117 : memref<1x100x100xi32, #tpu.memory_space<hbm>> -> memref<100x100xi32, #tpu.memory_space<hbm>>
      %dma_wait3A_119 = arith.constant 0 : i32
      %dma_wait3A_120 = arith.constant 0 : i32
      %dma_wait3A_121 = tpu.memref_slice %arg4[%add3A, %dma_wait3A_119, %dma_wait3A_120] : memref<32x100x100xi32, #tpu.memory_space<hbm>> -> memref<1x100x100xi32, #tpu.memory_space<hbm>>
      %dma_wait3A_122 = tpu.memref_squeeze %dma_wait3A_121 : memref<1x100x100xi32, #tpu.memory_space<hbm>> -> memref<100x100xi32, #tpu.memory_space<hbm>>
      tpu.wait_dma2 semaphore(%run_scoped3A : memref<!tpu.dma_semaphore, #tpu.memory_space<semaphore_mem>>) src(%dma_wait3A_122 : memref<100x100xi32, #tpu.memory_space<hbm>>) dst(%arg7 : memref<100x100xi32, #tpu.memory_space<vmem>>)
      tpu.yield
    }) : () -> ()
    %broadcast_in_dim3A = arith.constant 0.000000e+00 : f32
    %broadcast_in_dim3A_1 = vector.broadcast %broadcast_in_dim3A : f32 to vector<16xf32>
    %scan3A = arith.constant 0 : i32
    %scan3A_2 = arith.constant 0 : i32
    %scan3A_3 = arith.constant 100 : i32
    %scan3A_4 = arith.addi %scan3A_2, %scan3A_3 : i32
    %scan3A_5 = arith.constant 1 : i32
    %scan3A_6 = scf.for %scan3A_108 = %scan3A_2 to %scan3A_4 step %scan3A_5 iter_args(%scan3A_109 = %scan3A) -> (i32)  : i32 {
      %swap3A = arith.index_cast %scan3A_108 : i32 to index
      %swap3A_110 = arith.constant 0 : index
      %swap3A_111 = tpu.vector_load %arg9[%swap3A, %swap3A_110] {strides = array<i32>} : memref<100x16xf32, #tpu.memory_space<vmem>>, vector<1x16xf32>,
      %swap3A_112 = vector.shape_cast %swap3A_111 : vector<1x16xf32> to vector<16xf32>
      %swap3A_113 = vector.shape_cast %broadcast_in_dim3A_1 : vector<16xf32> to vector<1x16xf32>
      tpu.vector_store %arg9[%swap3A, %swap3A_110], %swap3A_113 {strides = array<i32>} : memref<100x16xf32, #tpu.memory_space<vmem>>, vector<1x16xf32>,
      %scan3A_114 = arith.constant 0 : i32
      scf.yield %scan3A_114 : i32
    }
    %scan3A_7 = arith.constant 100 : i32
    %mul3A_8 = arith.constant 624 : i32
    %mul3A_9 = arith.muli %arg1, %mul3A_8 : i32
    %add3A_10 = arith.constant 0 : i32
    %add3A_11 = arith.addi %mul3A_9, %add3A_10 : i32
    "tpu.region"() ({
      %run_scoped3A = tpu.sem_alloc : memref<!tpu.dma_semaphore, #tpu.memory_space<semaphore_mem>>
      %dma_start3A_108 = arith.constant 0 : i32
      %dma_start3A_109 = arith.constant 0 : i32
      %dma_start3A_110 = tpu.memref_slice %arg9[%dma_start3A_108, %dma_start3A_109] : memref<100x16xf32, #tpu.memory_space<vmem>> -> memref<96x16xf32, #tpu.memory_space<vmem>>
      %dma_start3A_111 = arith.constant 0 : i32
      %dma_start3A_112 = tpu.memref_slice %arg8[%add3A_11, %dma_start3A_111] : memref<10000x16xf32, #tpu.memory_space<vmem_shared>> -> memref<96x16xf32, #tpu.memory_space<vmem_shared>>
      %dma_start3A_113 = arith.constant 0 : i32
      %dma_start3A_114 = tpu.memref_slice %arg8[%add3A_11, %dma_start3A_113] : memref<10000x16xf32, #tpu.memory_space<vmem_shared>> -> memref<96x16xf32, #tpu.memory_space<vmem_shared>>
      %dma_start3A_115 = arith.constant 0 : i32
      %dma_start3A_116 = arith.constant 0 : i32
      %dma_start3A_117 = tpu.memref_slice %arg9[%dma_start3A_115, %dma_start3A_116] : memref<100x16xf32, #tpu.memory_space<vmem>> -> memref<96x16xf32, #tpu.memory_space<vmem>>
      tpu.enqueue_dma source(%dma_start3A_117 : memref<96x16xf32, #tpu.memory_space<vmem>>) target(%dma_start3A_114 : memref<96x16xf32, #tpu.memory_space<vmem_shared>>) target_semaphore(%run_scoped3A : memref<!tpu.dma_semaphore, #tpu.memory_space<semaphore_mem>>)
      %dma_wait3A = arith.constant 0 : i32
      %dma_wait3A_118 = arith.constant 0 : i32
      %dma_wait3A_119 = tpu.memref_slice %arg9[%dma_wait3A, %dma_wait3A_118] : memref<100x16xf32, #tpu.memory_space<vmem>> -> memref<96x16xf32, #tpu.memory_space<vmem>>
      %dma_wait3A_120 = arith.constant 0 : i32
      %dma_wait3A_121 = tpu.memref_slice %arg8[%add3A_11, %dma_wait3A_120] : memref<10000x16xf32, #tpu.memory_space<vmem_shared>> -> memref<96x16xf32, #tpu.memory_space<vmem_shared>>
      %dma_wait3A_122 = arith.constant 0 : i32
      %dma_wait3A_123 = tpu.memref_slice %arg8[%add3A_11, %dma_wait3A_122] : memref<10000x16xf32, #tpu.memory_space<vmem_shared>> -> memref<96x16xf32, #tpu.memory_space<vmem_shared>>
      %dma_wait3A_124 = arith.constant 0 : i32
      %dma_wait3A_125 = arith.constant 0 : i32
      %dma_wait3A_126 = tpu.memref_slice %arg9[%dma_wait3A_124, %dma_wait3A_125] : memref<100x16xf32, #tpu.memory_space<vmem>> -> memref<96x16xf32, #tpu.memory_space<vmem>>
      tpu.wait_dma2 semaphore(%run_scoped3A : memref<!tpu.dma_semaphore, #tpu.memory_space<semaphore_mem>>) src(%dma_wait3A_126 : memref<96x16xf32, #tpu.memory_space<vmem>>) dst(%dma_wait3A_123 : memref<96x16xf32, #tpu.memory_space<vmem_shared>>)
      tpu.yield
    }) : () -> ()
    %add3A_12 = arith.constant 96 : i32
    %add3A_13 = arith.addi %mul3A_9, %add3A_12 : i32
    "tpu.region"() ({
      %run_scoped3A = tpu.sem_alloc : memref<!tpu.dma_semaphore, #tpu.memory_space<semaphore_mem>>
      %dma_start3A_108 = arith.constant 0 : i32
      %dma_start3A_109 = arith.constant 0 : i32
      %dma_start3A_110 = tpu.memref_slice %arg9[%dma_start3A_108, %dma_start3A_109] : memref<100x16xf32, #tpu.memory_space<vmem>> -> memref<96x16xf32, #tpu.memory_space<vmem>>
      %dma_start3A_111 = arith.constant 0 : i32
      %dma_start3A_112 = tpu.memref_slice %arg8[%add3A_13, %dma_start3A_111] : memref<10000x16xf32, #tpu.memory_space<vmem_shared>> -> memref<96x16xf32, #tpu.memory_space<vmem_shared>>
      %dma_start3A_113 = arith.constant 0 : i32
      %dma_start3A_114 = tpu.memref_slice %arg8[%add3A_13, %dma_start3A_113] : memref<10000x16xf32, #tpu.memory_space<vmem_shared>> -> memref<96x16xf32, #tpu.memory_space<vmem_shared>>
      %dma_start3A_115 = arith.constant 0 : i32
      %dma_start3A_116 = arith.constant 0 : i32
      %dma_start3A_117 = tpu.memref_slice %arg9[%dma_start3A_115, %dma_start3A_116] : memref<100x16xf32, #tpu.memory_space<vmem>> -> memref<96x16xf32, #tpu.memory_space<vmem>>
      tpu.enqueue_dma source(%dma_start3A_117 : memref<96x16xf32, #tpu.memory_space<vmem>>) target(%dma_start3A_114 : memref<96x16xf32, #tpu.memory_space<vmem_shared>>) target_semaphore(%run_scoped3A : memref<!tpu.dma_semaphore, #tpu.memory_space<semaphore_mem>>)
      %dma_wait3A = arith.constant 0 : i32
      %dma_wait3A_118 = arith.constant 0 : i32
      %dma_wait3A_119 = tpu.memref_slice %arg9[%dma_wait3A, %dma_wait3A_118] : memref<100x16xf32, #tpu.memory_space<vmem>> -> memref<96x16xf32, #tpu.memory_space<vmem>>
      %dma_wait3A_120 = arith.constant 0 : i32
      %dma_wait3A_121 = tpu.memref_slice %arg8[%add3A_13, %dma_wait3A_120] : memref<10000x16xf32, #tpu.memory_space<vmem_shared>> -> memref<96x16xf32, #tpu.memory_space<vmem_shared>>
      %dma_wait3A_122 = arith.constant 0 : i32
      %dma_wait3A_123 = tpu.memref_slice %arg8[%add3A_13, %dma_wait3A_122] : memref<10000x16xf32, #tpu.memory_space<vmem_shared>> -> memref<96x16xf32, #tpu.memory_space<vmem_shared>>
      %dma_wait3A_124 = arith.constant 0 : i32
      %dma_wait3A_125 = arith.constant 0 : i32
      %dma_wait3A_126 = tpu.memref_slice %arg9[%dma_wait3A_124, %dma_wait3A_125] : memref<100x16xf32, #tpu.memory_space<vmem>> -> memref<96x16xf32, #tpu.memory_space<vmem>>
      tpu.wait_dma2 semaphore(%run_scoped3A : memref<!tpu.dma_semaphore, #tpu.memory_space<semaphore_mem>>) src(%dma_wait3A_126 : memref<96x16xf32, #tpu.memory_space<vmem>>) dst(%dma_wait3A_123 : memref<96x16xf32, #tpu.memory_space<vmem_shared>>)
      tpu.yield
    }) : () -> ()
    %add3A_14 = arith.constant 192 : i32
    %add3A_15 = arith.addi %mul3A_9, %add3A_14 : i32
    "tpu.region"() ({
      %run_scoped3A = tpu.sem_alloc : memref<!tpu.dma_semaphore, #tpu.memory_space<semaphore_mem>>
      %dma_start3A_108 = arith.constant 0 : i32
      %dma_start3A_109 = arith.constant 0 : i32
      %dma_start3A_110 = tpu.memref_slice %arg9[%dma_start3A_108, %dma_start3A_109] : memref<100x16xf32, #tpu.memory_space<vmem>> -> memref<96x16xf32, #tpu.memory_space<vmem>>
      %dma_start3A_111 = arith.constant 0 : i32
      %dma_start3A_112 = tpu.memref_slice %arg8[%add3A_15, %dma_start3A_111] : memref<10000x16xf32, #tpu.memory_space<vmem_shared>> -> memref<96x16xf32, #tpu.memory_space<vmem_shared>>
      %dma_start3A_113 = arith.constant 0 : i32
      %dma_start3A_114 = tpu.memref_slice %arg8[%add3A_15, %dma_start3A_113] : memref<10000x16xf32, #tpu.memory_space<vmem_shared>> -> memref<96x16xf32, #tpu.memory_space<vmem_shared>>
      %dma_start3A_115 = arith.constant 0 : i32
      %dma_start3A_116 = arith.constant 0 : i32
      %dma_start3A_117 = tpu.memref_slice %arg9[%dma_start3A_115, %dma_start3A_116] : memref<100x16xf32, #tpu.memory_space<vmem>> -> memref<96x16xf32, #tpu.memory_space<vmem>>
      tpu.enqueue_dma source(%dma_start3A_117 : memref<96x16xf32, #tpu.memory_space<vmem>>) target(%dma_start3A_114 : memref<96x16xf32, #tpu.memory_space<vmem_shared>>) target_semaphore(%run_scoped3A : memref<!tpu.dma_semaphore, #tpu.memory_space<semaphore_mem>>)
      %dma_wait3A = arith.constant 0 : i32
      %dma_wait3A_118 = arith.constant 0 : i32
      %dma_wait3A_119 = tpu.memref_slice %arg9[%dma_wait3A, %dma_wait3A_118] : memref<100x16xf32, #tpu.memory_space<vmem>> -> memref<96x16xf32, #tpu.memory_space<vmem>>
      %dma_wait3A_120 = arith.constant 0 : i32
      %dma_wait3A_121 = tpu.memref_slice %arg8[%add3A_15, %dma_wait3A_120] : memref<10000x16xf32, #tpu.memory_space<vmem_shared>> -> memref<96x16xf32, #tpu.memory_space<vmem_shared>>
      %dma_wait3A_122 = arith.constant 0 : i32
      %dma_wait3A_123 = tpu.memref_slice %arg8[%add3A_15, %dma_wait3A_122] : memref<10000x16xf32, #tpu.memory_space<vmem_shared>> -> memref<96x16xf32, #tpu.memory_space<vmem_shared>>
      %dma_wait3A_124 = arith.constant 0 : i32
      %dma_wait3A_125 = arith.constant 0 : i32
      %dma_wait3A_126 = tpu.memref_slice %arg9[%dma_wait3A_124, %dma_wait3A_125] : memref<100x16xf32, #tpu.memory_space<vmem>> -> memref<96x16xf32, #tpu.memory_space<vmem>>
      tpu.wait_dma2 semaphore(%run_scoped3A : memref<!tpu.dma_semaphore, #tpu.memory_space<semaphore_mem>>) src(%dma_wait3A_126 : memref<96x16xf32, #tpu.memory_space<vmem>>) dst(%dma_wait3A_123 : memref<96x16xf32, #tpu.memory_space<vmem_shared>>)
      tpu.yield
    }) : () -> ()
    %add3A_16 = arith.constant 288 : i32
    %add3A_17 = arith.addi %mul3A_9, %add3A_16 : i32
    "tpu.region"() ({
      %run_scoped3A = tpu.sem_alloc : memref<!tpu.dma_semaphore, #tpu.memory_space<semaphore_mem>>
      %dma_start3A_108 = arith.constant 0 : i32
      %dma_start3A_109 = arith.constant 0 : i32
      %dma_start3A_110 = tpu.memref_slice %arg9[%dma_start3A_108, %dma_start3A_109] : memref<100x16xf32, #tpu.memory_space<vmem>> -> memref<96x16xf32, #tpu.memory_space<vmem>>
      %dma_start3A_111 = arith.constant 0 : i32
      %dma_start3A_112 = tpu.memref_slice %arg8[%add3A_17, %dma_start3A_111] : memref<10000x16xf32, #tpu.memory_space<vmem_shared>> -> memref<96x16xf32, #tpu.memory_space<vmem_shared>>
      %dma_start3A_113 = arith.constant 0 : i32
      %dma_start3A_114 = tpu.memref_slice %arg8[%add3A_17, %dma_start3A_113] : memref<10000x16xf32, #tpu.memory_space<vmem_shared>> -> memref<96x16xf32, #tpu.memory_space<vmem_shared>>
      %dma_start3A_115 = arith.constant 0 : i32
      %dma_start3A_116 = arith.constant 0 : i32
      %dma_start3A_117 = tpu.memref_slice %arg9[%dma_start3A_115, %dma_start3A_116] : memref<100x16xf32, #tpu.memory_space<vmem>> -> memref<96x16xf32, #tpu.memory_space<vmem>>
      tpu.enqueue_dma source(%dma_start3A_117 : memref<96x16xf32, #tpu.memory_space<vmem>>) target(%dma_start3A_114 : memref<96x16xf32, #tpu.memory_space<vmem_shared>>) target_semaphore(%run_scoped3A : memref<!tpu.dma_semaphore, #tpu.memory_space<semaphore_mem>>)
      %dma_wait3A = arith.constant 0 : i32
      %dma_wait3A_118 = arith.constant 0 : i32
      %dma_wait3A_119 = tpu.memref_slice %arg9[%dma_wait3A, %dma_wait3A_118] : memref<100x16xf32, #tpu.memory_space<vmem>> -> memref<96x16xf32, #tpu.memory_space<vmem>>
      %dma_wait3A_120 = arith.constant 0 : i32
      %dma_wait3A_121 = tpu.memref_slice %arg8[%add3A_17, %dma_wait3A_120] : memref<10000x16xf32, #tpu.memory_space<vmem_shared>> -> memref<96x16xf32, #tpu.memory_space<vmem_shared>>
      %dma_wait3A_122 = arith.constant 0 : i32
      %dma_wait3A_123 = tpu.memref_slice %arg8[%add3A_17, %dma_wait3A_122] : memref<10000x16xf32, #tpu.memory_space<vmem_shared>> -> memref<96x16xf32, #tpu.memory_space<vmem_shared>>
      %dma_wait3A_124 = arith.constant 0 : i32
      %dma_wait3A_125 = arith.constant 0 : i32
      %dma_wait3A_126 = tpu.memref_slice %arg9[%dma_wait3A_124, %dma_wait3A_125] : memref<100x16xf32, #tpu.memory_space<vmem>> -> memref<96x16xf32, #tpu.memory_space<vmem>>
      tpu.wait_dma2 semaphore(%run_scoped3A : memref<!tpu.dma_semaphore, #tpu.memory_space<semaphore_mem>>) src(%dma_wait3A_126 : memref<96x16xf32, #tpu.memory_space<vmem>>) dst(%dma_wait3A_123 : memref<96x16xf32, #tpu.memory_space<vmem_shared>>)
      tpu.yield
    }) : () -> ()
    %add3A_18 = arith.constant 384 : i32
    %add3A_19 = arith.addi %mul3A_9, %add3A_18 : i32
    "tpu.region"() ({
      %run_scoped3A = tpu.sem_alloc : memref<!tpu.dma_semaphore, #tpu.memory_space<semaphore_mem>>
      %dma_start3A_108 = arith.constant 0 : i32
      %dma_start3A_109 = arith.constant 0 : i32
      %dma_start3A_110 = tpu.memref_slice %arg9[%dma_start3A_108, %dma_start3A_109] : memref<100x16xf32, #tpu.memory_space<vmem>> -> memref<96x16xf32, #tpu.memory_space<vmem>>
      %dma_start3A_111 = arith.constant 0 : i32
      %dma_start3A_112 = tpu.memref_slice %arg8[%add3A_19, %dma_start3A_111] : memref<10000x16xf32, #tpu.memory_space<vmem_shared>> -> memref<96x16xf32, #tpu.memory_space<vmem_shared>>
      %dma_start3A_113 = arith.constant 0 : i32
      %dma_start3A_114 = tpu.memref_slice %arg8[%add3A_19, %dma_start3A_113] : memref<10000x16xf32, #tpu.memory_space<vmem_shared>> -> memref<96x16xf32, #tpu.memory_space<vmem_shared>>
      %dma_start3A_115 = arith.constant 0 : i32
      %dma_start3A_116 = arith.constant 0 : i32
      %dma_start3A_117 = tpu.memref_slice %arg9[%dma_start3A_115, %dma_start3A_116] : memref<100x16xf32, #tpu.memory_space<vmem>> -> memref<96x16xf32, #tpu.memory_space<vmem>>
      tpu.enqueue_dma source(%dma_start3A_117 : memref<96x16xf32, #tpu.memory_space<vmem>>) target(%dma_start3A_114 : memref<96x16xf32, #tpu.memory_space<vmem_shared>>) target_semaphore(%run_scoped3A : memref<!tpu.dma_semaphore, #tpu.memory_space<semaphore_mem>>)
      %dma_wait3A = arith.constant 0 : i32
      %dma_wait3A_118 = arith.constant 0 : i32
      %dma_wait3A_119 = tpu.memref_slice %arg9[%dma_wait3A, %dma_wait3A_118] : memref<100x16xf32, #tpu.memory_space<vmem>> -> memref<96x16xf32, #tpu.memory_space<vmem>>
      %dma_wait3A_120 = arith.constant 0 : i32
      %dma_wait3A_121 = tpu.memref_slice %arg8[%add3A_19, %dma_wait3A_120] : memref<10000x16xf32, #tpu.memory_space<vmem_shared>> -> memref<96x16xf32, #tpu.memory_space<vmem_shared>>
      %dma_wait3A_122 = arith.constant 0 : i32
      %dma_wait3A_123 = tpu.memref_slice %arg8[%add3A_19, %dma_wait3A_122] : memref<10000x16xf32, #tpu.memory_space<vmem_shared>> -> memref<96x16xf32, #tpu.memory_space<vmem_shared>>
      %dma_wait3A_124 = arith.constant 0 : i32
      %dma_wait3A_125 = arith.constant 0 : i32
      %dma_wait3A_126 = tpu.memref_slice %arg9[%dma_wait3A_124, %dma_wait3A_125] : memref<100x16xf32, #tpu.memory_space<vmem>> -> memref<96x16xf32, #tpu.memory_space<vmem>>
      tpu.wait_dma2 semaphore(%run_scoped3A : memref<!tpu.dma_semaphore, #tpu.memory_space<semaphore_mem>>) src(%dma_wait3A_126 : memref<96x16xf32, #tpu.memory_space<vmem>>) dst(%dma_wait3A_123 : memref<96x16xf32, #tpu.memory_space<vmem_shared>>)
      tpu.yield
    }) : () -> ()
    %add3A_20 = arith.constant 480 : i32
    %add3A_21 = arith.addi %mul3A_9, %add3A_20 : i32
    "tpu.region"() ({
      %run_scoped3A = tpu.sem_alloc : memref<!tpu.dma_semaphore, #tpu.memory_space<semaphore_mem>>
      %dma_start3A_108 = arith.constant 0 : i32
      %dma_start3A_109 = arith.constant 0 : i32
      %dma_start3A_110 = tpu.memref_slice %arg9[%dma_start3A_108, %dma_start3A_109] : memref<100x16xf32, #tpu.memory_space<vmem>> -> memref<96x16xf32, #tpu.memory_space<vmem>>
      %dma_start3A_111 = arith.constant 0 : i32
      %dma_start3A_112 = tpu.memref_slice %arg8[%add3A_21, %dma_start3A_111] : memref<10000x16xf32, #tpu.memory_space<vmem_shared>> -> memref<96x16xf32, #tpu.memory_space<vmem_shared>>
      %dma_start3A_113 = arith.constant 0 : i32
      %dma_start3A_114 = tpu.memref_slice %arg8[%add3A_21, %dma_start3A_113] : memref<10000x16xf32, #tpu.memory_space<vmem_shared>> -> memref<96x16xf32, #tpu.memory_space<vmem_shared>>
      %dma_start3A_115 = arith.constant 0 : i32
      %dma_start3A_116 = arith.constant 0 : i32
      %dma_start3A_117 = tpu.memref_slice %arg9[%dma_start3A_115, %dma_start3A_116] : memref<100x16xf32, #tpu.memory_space<vmem>> -> memref<96x16xf32, #tpu.memory_space<vmem>>
      tpu.enqueue_dma source(%dma_start3A_117 : memref<96x16xf32, #tpu.memory_space<vmem>>) target(%dma_start3A_114 : memref<96x16xf32, #tpu.memory_space<vmem_shared>>) target_semaphore(%run_scoped3A : memref<!tpu.dma_semaphore, #tpu.memory_space<semaphore_mem>>)
      %dma_wait3A = arith.constant 0 : i32
      %dma_wait3A_118 = arith.constant 0 : i32
      %dma_wait3A_119 = tpu.memref_slice %arg9[%dma_wait3A, %dma_wait3A_118] : memref<100x16xf32, #tpu.memory_space<vmem>> -> memref<96x16xf32, #tpu.memory_space<vmem>>
      %dma_wait3A_120 = arith.constant 0 : i32
      %dma_wait3A_121 = tpu.memref_slice %arg8[%add3A_21, %dma_wait3A_120] : memref<10000x16xf32, #tpu.memory_space<vmem_shared>> -> memref<96x16xf32, #tpu.memory_space<vmem_shared>>
      %dma_wait3A_122 = arith.constant 0 : i32
      %dma_wait3A_123 = tpu.memref_slice %arg8[%add3A_21, %dma_wait3A_122] : memref<10000x16xf32, #tpu.memory_space<vmem_shared>> -> memref<96x16xf32, #tpu.memory_space<vmem_shared>>
      %dma_wait3A_124 = arith.constant 0 : i32
      %dma_wait3A_125 = arith.constant 0 : i32
      %dma_wait3A_126 = tpu.memref_slice %arg9[%dma_wait3A_124, %dma_wait3A_125] : memref<100x16xf32, #tpu.memory_space<vmem>> -> memref<96x16xf32, #tpu.memory_space<vmem>>
      tpu.wait_dma2 semaphore(%run_scoped3A : memref<!tpu.dma_semaphore, #tpu.memory_space<semaphore_mem>>) src(%dma_wait3A_126 : memref<96x16xf32, #tpu.memory_space<vmem>>) dst(%dma_wait3A_123 : memref<96x16xf32, #tpu.memory_space<vmem_shared>>)
      tpu.yield
    }) : () -> ()
    %add3A_22 = arith.constant 576 : i32
    %add3A_23 = arith.addi %mul3A_9, %add3A_22 : i32
    "tpu.region"() ({
      %run_scoped3A = tpu.sem_alloc : memref<!tpu.dma_semaphore, #tpu.memory_space<semaphore_mem>>
      %dma_start3A_108 = arith.constant 0 : i32
      %dma_start3A_109 = arith.constant 0 : i32
      %dma_start3A_110 = tpu.memref_slice %arg9[%dma_start3A_108, %dma_start3A_109] : memref<100x16xf32, #tpu.memory_space<vmem>> -> memref<48x16xf32, #tpu.memory_space<vmem>>
      %dma_start3A_111 = arith.constant 0 : i32
      %dma_start3A_112 = tpu.memref_slice %arg8[%add3A_23, %dma_start3A_111] : memref<10000x16xf32, #tpu.memory_space<vmem_shared>> -> memref<48x16xf32, #tpu.memory_space<vmem_shared>>
      %dma_start3A_113 = arith.constant 0 : i32
      %dma_start3A_114 = tpu.memref_slice %arg8[%add3A_23, %dma_start3A_113] : memref<10000x16xf32, #tpu.memory_space<vmem_shared>> -> memref<48x16xf32, #tpu.memory_space<vmem_shared>>
      %dma_start3A_115 = arith.constant 0 : i32
      %dma_start3A_116 = arith.constant 0 : i32
      %dma_start3A_117 = tpu.memref_slice %arg9[%dma_start3A_115, %dma_start3A_116] : memref<100x16xf32, #tpu.memory_space<vmem>> -> memref<48x16xf32, #tpu.memory_space<vmem>>
      tpu.enqueue_dma source(%dma_start3A_117 : memref<48x16xf32, #tpu.memory_space<vmem>>) target(%dma_start3A_114 : memref<48x16xf32, #tpu.memory_space<vmem_shared>>) target_semaphore(%run_scoped3A : memref<!tpu.dma_semaphore, #tpu.memory_space<semaphore_mem>>)
      %dma_wait3A = arith.constant 0 : i32
      %dma_wait3A_118 = arith.constant 0 : i32
      %dma_wait3A_119 = tpu.memref_slice %arg9[%dma_wait3A, %dma_wait3A_118] : memref<100x16xf32, #tpu.memory_space<vmem>> -> memref<48x16xf32, #tpu.memory_space<vmem>>
      %dma_wait3A_120 = arith.constant 0 : i32
      %dma_wait3A_121 = tpu.memref_slice %arg8[%add3A_23, %dma_wait3A_120] : memref<10000x16xf32, #tpu.memory_space<vmem_shared>> -> memref<48x16xf32, #tpu.memory_space<vmem_shared>>
      %dma_wait3A_122 = arith.constant 0 : i32
      %dma_wait3A_123 = tpu.memref_slice %arg8[%add3A_23, %dma_wait3A_122] : memref<10000x16xf32, #tpu.memory_space<vmem_shared>> -> memref<48x16xf32, #tpu.memory_space<vmem_shared>>
      %dma_wait3A_124 = arith.constant 0 : i32
      %dma_wait3A_125 = arith.constant 0 : i32
      %dma_wait3A_126 = tpu.memref_slice %arg9[%dma_wait3A_124, %dma_wait3A_125] : memref<100x16xf32, #tpu.memory_space<vmem>> -> memref<48x16xf32, #tpu.memory_space<vmem>>
      tpu.wait_dma2 semaphore(%run_scoped3A : memref<!tpu.dma_semaphore, #tpu.memory_space<semaphore_mem>>) src(%dma_wait3A_126 : memref<48x16xf32, #tpu.memory_space<vmem>>) dst(%dma_wait3A_123 : memref<48x16xf32, #tpu.memory_space<vmem_shared>>)
      tpu.yield
    }) : () -> ()
    %eq3A = arith.constant 15 : i32
    %eq3A_24 = arith.cmpi eq, %arg1, %eq3A : i32
    %convert_element_type3A = arith.extui %eq3A_24 : i1 to i32
    %cond3A = arith.constant 0 : i32
    %cond3A_25 = arith.cmpi ne, %convert_element_type3A, %cond3A : i32
    scf.if %cond3A_25 {
      "tpu.region"() ({
        %run_scoped3A = tpu.sem_alloc : memref<!tpu.dma_semaphore, #tpu.memory_space<semaphore_mem>>
        %dma_start3A_108 = arith.constant 0 : i32
        %dma_start3A_109 = arith.constant 0 : i32
        %dma_start3A_110 = tpu.memref_slice %arg9[%dma_start3A_108, %dma_start3A_109] : memref<100x16xf32, #tpu.memory_space<vmem>> -> memref<16x16xf32, #tpu.memory_space<vmem>>
        %dma_start3A_111 = arith.constant 9984 : i32
        %dma_start3A_112 = arith.constant 0 : i32
        %dma_start3A_113 = tpu.memref_slice %arg8[%dma_start3A_111, %dma_start3A_112] : memref<10000x16xf32, #tpu.memory_space<vmem_shared>> -> memref<16x16xf32, #tpu.memory_space<vmem_shared>>
        %dma_start3A_114 = arith.constant 9984 : i32
        %dma_start3A_115 = arith.constant 0 : i32
        %dma_start3A_116 = tpu.memref_slice %arg8[%dma_start3A_114, %dma_start3A_115] : memref<10000x16xf32, #tpu.memory_space<vmem_shared>> -> memref<16x16xf32, #tpu.memory_space<vmem_shared>>
        %dma_start3A_117 = arith.constant 0 : i32
        %dma_start3A_118 = arith.constant 0 : i32
        %dma_start3A_119 = tpu.memref_slice %arg9[%dma_start3A_117, %dma_start3A_118] : memref<100x16xf32, #tpu.memory_space<vmem>> -> memref<16x16xf32, #tpu.memory_space<vmem>>
        tpu.enqueue_dma source(%dma_start3A_119 : memref<16x16xf32, #tpu.memory_space<vmem>>) target(%dma_start3A_116 : memref<16x16xf32, #tpu.memory_space<vmem_shared>>) target_semaphore(%run_scoped3A : memref<!tpu.dma_semaphore, #tpu.memory_space<semaphore_mem>>)
        %dma_wait3A = arith.constant 0 : i32
        %dma_wait3A_120 = arith.constant 0 : i32
        %dma_wait3A_121 = tpu.memref_slice %arg9[%dma_wait3A, %dma_wait3A_120] : memref<100x16xf32, #tpu.memory_space<vmem>> -> memref<16x16xf32, #tpu.memory_space<vmem>>
        %dma_wait3A_122 = arith.constant 9984 : i32
        %dma_wait3A_123 = arith.constant 0 : i32
        %dma_wait3A_124 = tpu.memref_slice %arg8[%dma_wait3A_122, %dma_wait3A_123] : memref<10000x16xf32, #tpu.memory_space<vmem_shared>> -> memref<16x16xf32, #tpu.memory_space<vmem_shared>>
        %dma_wait3A_125 = arith.constant 9984 : i32
        %dma_wait3A_126 = arith.constant 0 : i32
        %dma_wait3A_127 = tpu.memref_slice %arg8[%dma_wait3A_125, %dma_wait3A_126] : memref<10000x16xf32, #tpu.memory_space<vmem_shared>> -> memref<16x16xf32, #tpu.memory_space<vmem_shared>>
        %dma_wait3A_128 = arith.constant 0 : i32
        %dma_wait3A_129 = arith.constant 0 : i32
        %dma_wait3A_130 = tpu.memref_slice %arg9[%dma_wait3A_128, %dma_wait3A_129] : memref<100x16xf32, #tpu.memory_space<vmem>> -> memref<16x16xf32, #tpu.memory_space<vmem>>
        tpu.wait_dma2 semaphore(%run_scoped3A : memref<!tpu.dma_semaphore, #tpu.memory_space<semaphore_mem>>) src(%dma_wait3A_130 : memref<16x16xf32, #tpu.memory_space<vmem>>) dst(%dma_wait3A_127 : memref<16x16xf32, #tpu.memory_space<vmem_shared>>)
        tpu.yield
      }) : () -> ()
    } else {
    }
    %barrier3A = arith.constant 0 : index
    tpu.barrier barrier_id(%barrier3A)
    %dma_start3A = arith.constant 0 : i32
    %dma_start3A_26 = arith.constant 0 : i32
    %dma_start3A_27 = tpu.memref_slice %arg6[%dma_start3A, %dma_start3A_26] : memref<100x100xi32, #tpu.memory_space<vmem>> -> memref<1x100xi32, #tpu.memory_space<vmem>>
    %dma_start3A_28 = tpu.memref_squeeze %dma_start3A_27 : memref<1x100xi32, #tpu.memory_space<vmem>> -> memref<100xi32, #tpu.memory_space<vmem>>
    %dma_start3A_29 = arith.constant 0 : i32
    %dma_start3A_30 = arith.constant 0 : i32
    %dma_start3A_31 = tpu.memref_slice %arg2[%dma_start3A_29, %dma_start3A_30] : memref<10000x16xf32, #tpu.memory_space<hbm>> -> memref<10000x16xf32, #tpu.memory_space<hbm>>
    tpu.enqueue_indirect_dma source(%dma_start3A_31 : memref<10000x16xf32, #tpu.memory_space<hbm>>) target(%arg9 : memref<100x16xf32, #tpu.memory_space<vmem>>) offsets(%dma_start3A_28 : memref<100xi32, #tpu.memory_space<vmem>>) semaphore(%arg19 : memref<!tpu.dma_semaphore, #tpu.memory_space<semaphore_mem>>)
    %dma_start3A_32 = arith.constant 1 : i32
    %dma_start3A_33 = arith.constant 0 : i32
    %dma_start3A_34 = tpu.memref_slice %arg6[%dma_start3A_32, %dma_start3A_33] : memref<100x100xi32, #tpu.memory_space<vmem>> -> memref<1x100xi32, #tpu.memory_space<vmem>>
    %dma_start3A_35 = tpu.memref_squeeze %dma_start3A_34 : memref<1x100xi32, #tpu.memory_space<vmem>> -> memref<100xi32, #tpu.memory_space<vmem>>
    %dma_start3A_36 = arith.constant 0 : i32
    %dma_start3A_37 = arith.constant 0 : i32
    %dma_start3A_38 = tpu.memref_slice %arg2[%dma_start3A_36, %dma_start3A_37] : memref<10000x16xf32, #tpu.memory_space<hbm>> -> memref<10000x16xf32, #tpu.memory_space<hbm>>
    tpu.enqueue_indirect_dma source(%dma_start3A_38 : memref<10000x16xf32, #tpu.memory_space<hbm>>) target(%arg10 : memref<100x16xf32, #tpu.memory_space<vmem>>) offsets(%dma_start3A_35 : memref<100xi32, #tpu.memory_space<vmem>>) semaphore(%arg20 : memref<!tpu.dma_semaphore, #tpu.memory_space<semaphore_mem>>)
    %dma_start3A_39 = arith.constant 2 : i32
    %dma_start3A_40 = arith.constant 0 : i32
    %dma_start3A_41 = tpu.memref_slice %arg6[%dma_start3A_39, %dma_start3A_40] : memref<100x100xi32, #tpu.memory_space<vmem>> -> memref<1x100xi32, #tpu.memory_space<vmem>>
    %dma_start3A_42 = tpu.memref_squeeze %dma_start3A_41 : memref<1x100xi32, #tpu.memory_space<vmem>> -> memref<100xi32, #tpu.memory_space<vmem>>
    %dma_start3A_43 = arith.constant 0 : i32
    %dma_start3A_44 = arith.constant 0 : i32
    %dma_start3A_45 = tpu.memref_slice %arg2[%dma_start3A_43, %dma_start3A_44] : memref<10000x16xf32, #tpu.memory_space<hbm>> -> memref<10000x16xf32, #tpu.memory_space<hbm>>
    tpu.enqueue_indirect_dma source(%dma_start3A_45 : memref<10000x16xf32, #tpu.memory_space<hbm>>) target(%arg11 : memref<100x16xf32, #tpu.memory_space<vmem>>) offsets(%dma_start3A_42 : memref<100xi32, #tpu.memory_space<vmem>>) semaphore(%arg21 : memref<!tpu.dma_semaphore, #tpu.memory_space<semaphore_mem>>)
    %dma_start3A_46 = arith.constant 3 : i32
    %dma_start3A_47 = arith.constant 0 : i32
    %dma_start3A_48 = tpu.memref_slice %arg6[%dma_start3A_46, %dma_start3A_47] : memref<100x100xi32, #tpu.memory_space<vmem>> -> memref<1x100xi32, #tpu.memory_space<vmem>>
    %dma_start3A_49 = tpu.memref_squeeze %dma_start3A_48 : memref<1x100xi32, #tpu.memory_space<vmem>> -> memref<100xi32, #tpu.memory_space<vmem>>
    %dma_start3A_50 = arith.constant 0 : i32
    %dma_start3A_51 = arith.constant 0 : i32
    %dma_start3A_52 = tpu.memref_slice %arg2[%dma_start3A_50, %dma_start3A_51] : memref<10000x16xf32, #tpu.memory_space<hbm>> -> memref<10000x16xf32, #tpu.memory_space<hbm>>
    tpu.enqueue_indirect_dma source(%dma_start3A_52 : memref<10000x16xf32, #tpu.memory_space<hbm>>) target(%arg12 : memref<100x16xf32, #tpu.memory_space<vmem>>) offsets(%dma_start3A_49 : memref<100xi32, #tpu.memory_space<vmem>>) semaphore(%arg22 : memref<!tpu.dma_semaphore, #tpu.memory_space<semaphore_mem>>)
    %dma_start3A_53 = arith.constant 4 : i32
    %dma_start3A_54 = arith.constant 0 : i32
    %dma_start3A_55 = tpu.memref_slice %arg6[%dma_start3A_53, %dma_start3A_54] : memref<100x100xi32, #tpu.memory_space<vmem>> -> memref<1x100xi32, #tpu.memory_space<vmem>>
    %dma_start3A_56 = tpu.memref_squeeze %dma_start3A_55 : memref<1x100xi32, #tpu.memory_space<vmem>> -> memref<100xi32, #tpu.memory_space<vmem>>
    %dma_start3A_57 = arith.constant 0 : i32
    %dma_start3A_58 = arith.constant 0 : i32
    %dma_start3A_59 = tpu.memref_slice %arg2[%dma_start3A_57, %dma_start3A_58] : memref<10000x16xf32, #tpu.memory_space<hbm>> -> memref<10000x16xf32, #tpu.memory_space<hbm>>
    tpu.enqueue_indirect_dma source(%dma_start3A_59 : memref<10000x16xf32, #tpu.memory_space<hbm>>) target(%arg13 : memref<100x16xf32, #tpu.memory_space<vmem>>) offsets(%dma_start3A_56 : memref<100xi32, #tpu.memory_space<vmem>>) semaphore(%arg23 : memref<!tpu.dma_semaphore, #tpu.memory_space<semaphore_mem>>)
    %dma_start3A_60 = arith.constant 5 : i32
    %dma_start3A_61 = arith.constant 0 : i32
    %dma_start3A_62 = tpu.memref_slice %arg6[%dma_start3A_60, %dma_start3A_61] : memref<100x100xi32, #tpu.memory_space<vmem>> -> memref<1x100xi32, #tpu.memory_space<vmem>>
    %dma_start3A_63 = tpu.memref_squeeze %dma_start3A_62 : memref<1x100xi32, #tpu.memory_space<vmem>> -> memref<100xi32, #tpu.memory_space<vmem>>
    %dma_start3A_64 = arith.constant 0 : i32
    %dma_start3A_65 = arith.constant 0 : i32
    %dma_start3A_66 = tpu.memref_slice %arg2[%dma_start3A_64, %dma_start3A_65] : memref<10000x16xf32, #tpu.memory_space<hbm>> -> memref<10000x16xf32, #tpu.memory_space<hbm>>
    tpu.enqueue_indirect_dma source(%dma_start3A_66 : memref<10000x16xf32, #tpu.memory_space<hbm>>) target(%arg14 : memref<100x16xf32, #tpu.memory_space<vmem>>) offsets(%dma_start3A_63 : memref<100xi32, #tpu.memory_space<vmem>>) semaphore(%arg24 : memref<!tpu.dma_semaphore, #tpu.memory_space<semaphore_mem>>)
    %dma_start3A_67 = arith.constant 6 : i32
    %dma_start3A_68 = arith.constant 0 : i32
    %dma_start3A_69 = tpu.memref_slice %arg6[%dma_start3A_67, %dma_start3A_68] : memref<100x100xi32, #tpu.memory_space<vmem>> -> memref<1x100xi32, #tpu.memory_space<vmem>>
    %dma_start3A_70 = tpu.memref_squeeze %dma_start3A_69 : memref<1x100xi32, #tpu.memory_space<vmem>> -> memref<100xi32, #tpu.memory_space<vmem>>
    %dma_start3A_71 = arith.constant 0 : i32
    %dma_start3A_72 = arith.constant 0 : i32
    %dma_start3A_73 = tpu.memref_slice %arg2[%dma_start3A_71, %dma_start3A_72] : memref<10000x16xf32, #tpu.memory_space<hbm>> -> memref<10000x16xf32, #tpu.memory_space<hbm>>
    tpu.enqueue_indirect_dma source(%dma_start3A_73 : memref<10000x16xf32, #tpu.memory_space<hbm>>) target(%arg15 : memref<100x16xf32, #tpu.memory_space<vmem>>) offsets(%dma_start3A_70 : memref<100xi32, #tpu.memory_space<vmem>>) semaphore(%arg25 : memref<!tpu.dma_semaphore, #tpu.memory_space<semaphore_mem>>)
    %dma_start3A_74 = arith.constant 7 : i32
    %dma_start3A_75 = arith.constant 0 : i32
    %dma_start3A_76 = tpu.memref_slice %arg6[%dma_start3A_74, %dma_start3A_75] : memref<100x100xi32, #tpu.memory_space<vmem>> -> memref<1x100xi32, #tpu.memory_space<vmem>>
    %dma_start3A_77 = tpu.memref_squeeze %dma_start3A_76 : memref<1x100xi32, #tpu.memory_space<vmem>> -> memref<100xi32, #tpu.memory_space<vmem>>
    %dma_start3A_78 = arith.constant 0 : i32
    %dma_start3A_79 = arith.constant 0 : i32
    %dma_start3A_80 = tpu.memref_slice %arg2[%dma_start3A_78, %dma_start3A_79] : memref<10000x16xf32, #tpu.memory_space<hbm>> -> memref<10000x16xf32, #tpu.memory_space<hbm>>
    tpu.enqueue_indirect_dma source(%dma_start3A_80 : memref<10000x16xf32, #tpu.memory_space<hbm>>) target(%arg16 : memref<100x16xf32, #tpu.memory_space<vmem>>) offsets(%dma_start3A_77 : memref<100xi32, #tpu.memory_space<vmem>>) semaphore(%arg26 : memref<!tpu.dma_semaphore, #tpu.memory_space<semaphore_mem>>)
    %dma_start3A_81 = arith.constant 8 : i32
    %dma_start3A_82 = arith.constant 0 : i32
    %dma_start3A_83 = tpu.memref_slice %arg6[%dma_start3A_81, %dma_start3A_82] : memref<100x100xi32, #tpu.memory_space<vmem>> -> memref<1x100xi32, #tpu.memory_space<vmem>>
    %dma_start3A_84 = tpu.memref_squeeze %dma_start3A_83 : memref<1x100xi32, #tpu.memory_space<vmem>> -> memref<100xi32, #tpu.memory_space<vmem>>
    %dma_start3A_85 = arith.constant 0 : i32
    %dma_start3A_86 = arith.constant 0 : i32
    %dma_start3A_87 = tpu.memref_slice %arg2[%dma_start3A_85, %dma_start3A_86] : memref<10000x16xf32, #tpu.memory_space<hbm>> -> memref<10000x16xf32, #tpu.memory_space<hbm>>
    tpu.enqueue_indirect_dma source(%dma_start3A_87 : memref<10000x16xf32, #tpu.memory_space<hbm>>) target(%arg17 : memref<100x16xf32, #tpu.memory_space<vmem>>) offsets(%dma_start3A_84 : memref<100xi32, #tpu.memory_space<vmem>>) semaphore(%arg27 : memref<!tpu.dma_semaphore, #tpu.memory_space<semaphore_mem>>)
    %dma_start3A_88 = arith.constant 9 : i32
    %dma_start3A_89 = arith.constant 0 : i32
    %dma_start3A_90 = tpu.memref_slice %arg6[%dma_start3A_88, %dma_start3A_89] : memref<100x100xi32, #tpu.memory_space<vmem>> -> memref<1x100xi32, #tpu.memory_space<vmem>>
    %dma_start3A_91 = tpu.memref_squeeze %dma_start3A_90 : memref<1x100xi32, #tpu.memory_space<vmem>> -> memref<100xi32, #tpu.memory_space<vmem>>
    %dma_start3A_92 = arith.constant 0 : i32
    %dma_start3A_93 = arith.constant 0 : i32
    %dma_start3A_94 = tpu.memref_slice %arg2[%dma_start3A_92, %dma_start3A_93] : memref<10000x16xf32, #tpu.memory_space<hbm>> -> memref<10000x16xf32, #tpu.memory_space<hbm>>
    tpu.enqueue_indirect_dma source(%dma_start3A_94 : memref<10000x16xf32, #tpu.memory_space<hbm>>) target(%arg18 : memref<100x16xf32, #tpu.memory_space<vmem>>) offsets(%dma_start3A_91 : memref<100xi32, #tpu.memory_space<vmem>>) semaphore(%arg28 : memref<!tpu.dma_semaphore, #tpu.memory_space<semaphore_mem>>)
    %scan3A_95 = arith.constant 0 : i32
    %scan3A_96 = arith.constant 0 : i32
    %scan3A_97 = arith.constant 10 : i32
    %scan3A_98 = arith.addi %scan3A_96, %scan3A_97 : i32
    %scan3A_99 = arith.constant 1 : i32
    %scan3A_100 = scf.for %scan3A_108 = %scan3A_96 to %scan3A_98 step %scan3A_99 iter_args(%scan3A_109 = %scan3A_95) -> (i32)  : i32 {
      %mul3A_110 = arith.constant 10 : i32
      %mul3A_111 = arith.muli %scan3A_108, %mul3A_110 : i32
      %add3A_112 = arith.constant 0 : i32
      %add3A_113 = arith.addi %mul3A_111, %add3A_112 : i32
      %dma_wait3A = arith.constant 0 : i32
      %dma_wait3A_114 = tpu.memref_slice %arg6[%add3A_113, %dma_wait3A] : memref<100x100xi32, #tpu.memory_space<vmem>> -> memref<1x100xi32, #tpu.memory_space<vmem>>
      %dma_wait3A_115 = tpu.memref_squeeze %dma_wait3A_114 : memref<1x100xi32, #tpu.memory_space<vmem>> -> memref<100xi32, #tpu.memory_space<vmem>>
      %dma_wait3A_116 = arith.constant 0 : i32
      %dma_wait3A_117 = arith.constant 0 : i32
      %dma_wait3A_118 = tpu.memref_slice %arg2[%dma_wait3A_116, %dma_wait3A_117] : memref<10000x16xf32, #tpu.memory_space<hbm>> -> memref<10000x16xf32, #tpu.memory_space<hbm>>
      tpu.wait_indirect_dma semaphore(%arg19 : memref<!tpu.dma_semaphore, #tpu.memory_space<semaphore_mem>>) src(%dma_wait3A_118 : memref<10000x16xf32, #tpu.memory_space<hbm>>) dst(%arg9 : memref<100x16xf32, #tpu.memory_space<vmem>>)
      "tpu.region"() ({
        %run_scoped3A = tpu.sem_alloc : memref<!tpu.dma_semaphore, #tpu.memory_space<semaphore_mem>>
        %dma_start3A_261 = arith.constant 0 : i32
        %dma_start3A_262 = tpu.memref_slice %arg7[%add3A_113, %dma_start3A_261] : memref<100x100xi32, #tpu.memory_space<vmem>> -> memref<1x100xi32, #tpu.memory_space<vmem>>
        %dma_start3A_263 = tpu.memref_squeeze %dma_start3A_262 : memref<1x100xi32, #tpu.memory_space<vmem>> -> memref<100xi32, #tpu.memory_space<vmem>>
        %dma_start3A_264 = arith.constant 0 : i32
        %dma_start3A_265 = arith.constant 0 : i32
        %dma_start3A_266 = tpu.memref_slice %arg8[%dma_start3A_264, %dma_start3A_265] : memref<10000x16xf32, #tpu.memory_space<vmem_shared>> -> memref<10000x16xf32, #tpu.memory_space<vmem_shared>>
        tpu.enqueue_indirect_dma source(%arg9 : memref<100x16xf32, #tpu.memory_space<vmem>>) target(%dma_start3A_266 : memref<10000x16xf32, #tpu.memory_space<vmem_shared>>) offsets(%dma_start3A_263 : memref<100xi32, #tpu.memory_space<vmem>>) semaphore(%run_scoped3A : memref<!tpu.dma_semaphore, #tpu.memory_space<semaphore_mem>>) {add = true}
        %dma_wait3A_267 = arith.constant 0 : i32
        %dma_wait3A_268 = tpu.memref_slice %arg7[%add3A_113, %dma_wait3A_267] : memref<100x100xi32, #tpu.memory_space<vmem>> -> memref<1x100xi32, #tpu.memory_space<vmem>>
        %dma_wait3A_269 = tpu.memref_squeeze %dma_wait3A_268 : memref<1x100xi32, #tpu.memory_space<vmem>> -> memref<100xi32, #tpu.memory_space<vmem>>
        %dma_wait3A_270 = arith.constant 0 : i32
        %dma_wait3A_271 = arith.constant 0 : i32
        %dma_wait3A_272 = tpu.memref_slice %arg8[%dma_wait3A_270, %dma_wait3A_271] : memref<10000x16xf32, #tpu.memory_space<vmem_shared>> -> memref<10000x16xf32, #tpu.memory_space<vmem_shared>>
        tpu.wait_indirect_dma semaphore(%run_scoped3A : memref<!tpu.dma_semaphore, #tpu.memory_space<semaphore_mem>>) src(%arg9 : memref<100x16xf32, #tpu.memory_space<vmem>>) dst(%dma_wait3A_272 : memref<10000x16xf32, #tpu.memory_space<vmem_shared>>)
        tpu.yield
      }) : () -> ()
      %add3A_119 = arith.constant 10 : i32
      %add3A_120 = arith.addi %add3A_113, %add3A_119 : i32
      %lt3A = arith.constant 100 : i32
      %lt3A_121 = arith.cmpi slt, %add3A_120, %lt3A : i32
      %convert_element_type3A_122 = arith.extui %lt3A_121 : i1 to i32
      %cond3A_123 = arith.constant 0 : i32
      %cond3A_124 = arith.cmpi ne, %convert_element_type3A_122, %cond3A_123 : i32
      scf.if %cond3A_124 {
        %add3A_261 = arith.constant 10 : i32
        %add3A_262 = arith.addi %add3A_113, %add3A_261 : i32
        %dma_start3A_263 = arith.constant 0 : i32
        %dma_start3A_264 = tpu.memref_slice %arg6[%add3A_262, %dma_start3A_263] : memref<100x100xi32, #tpu.memory_space<vmem>> -> memref<1x100xi32, #tpu.memory_space<vmem>>
        %dma_start3A_265 = tpu.memref_squeeze %dma_start3A_264 : memref<1x100xi32, #tpu.memory_space<vmem>> -> memref<100xi32, #tpu.memory_space<vmem>>
        %dma_start3A_266 = arith.constant 0 : i32
        %dma_start3A_267 = arith.constant 0 : i32
        %dma_start3A_268 = tpu.memref_slice %arg2[%dma_start3A_266, %dma_start3A_267] : memref<10000x16xf32, #tpu.memory_space<hbm>> -> memref<10000x16xf32, #tpu.memory_space<hbm>>
        tpu.enqueue_indirect_dma source(%dma_start3A_268 : memref<10000x16xf32, #tpu.memory_space<hbm>>) target(%arg9 : memref<100x16xf32, #tpu.memory_space<vmem>>) offsets(%dma_start3A_265 : memref<100xi32, #tpu.memory_space<vmem>>) semaphore(%arg19 : memref<!tpu.dma_semaphore, #tpu.memory_space<semaphore_mem>>)
      } else {
      }
      %add3A_125 = arith.constant 1 : i32
      %add3A_126 = arith.addi %mul3A_111, %add3A_125 : i32
      %dma_wait3A_127 = arith.constant 0 : i32
      %dma_wait3A_128 = tpu.memref_slice %arg6[%add3A_126, %dma_wait3A_127] : memref<100x100xi32, #tpu.memory_space<vmem>> -> memref<1x100xi32, #tpu.memory_space<vmem>>
      %dma_wait3A_129 = tpu.memref_squeeze %dma_wait3A_128 : memref<1x100xi32, #tpu.memory_space<vmem>> -> memref<100xi32, #tpu.memory_space<vmem>>
      %dma_wait3A_130 = arith.constant 0 : i32
      %dma_wait3A_131 = arith.constant 0 : i32
      %dma_wait3A_132 = tpu.memref_slice %arg2[%dma_wait3A_130, %dma_wait3A_131] : memref<10000x16xf32, #tpu.memory_space<hbm>> -> memref<10000x16xf32, #tpu.memory_space<hbm>>
      tpu.wait_indirect_dma semaphore(%arg20 : memref<!tpu.dma_semaphore, #tpu.memory_space<semaphore_mem>>) src(%dma_wait3A_132 : memref<10000x16xf32, #tpu.memory_space<hbm>>) dst(%arg10 : memref<100x16xf32, #tpu.memory_space<vmem>>)
      "tpu.region"() ({
        %run_scoped3A = tpu.sem_alloc : memref<!tpu.dma_semaphore, #tpu.memory_space<semaphore_mem>>
        %dma_start3A_261 = arith.constant 0 : i32
        %dma_start3A_262 = tpu.memref_slice %arg7[%add3A_126, %dma_start3A_261] : memref<100x100xi32, #tpu.memory_space<vmem>> -> memref<1x100xi32, #tpu.memory_space<vmem>>
        %dma_start3A_263 = tpu.memref_squeeze %dma_start3A_262 : memref<1x100xi32, #tpu.memory_space<vmem>> -> memref<100xi32, #tpu.memory_space<vmem>>
        %dma_start3A_264 = arith.constant 0 : i32
        %dma_start3A_265 = arith.constant 0 : i32
        %dma_start3A_266 = tpu.memref_slice %arg8[%dma_start3A_264, %dma_start3A_265] : memref<10000x16xf32, #tpu.memory_space<vmem_shared>> -> memref<10000x16xf32, #tpu.memory_space<vmem_shared>>
        tpu.enqueue_indirect_dma source(%arg10 : memref<100x16xf32, #tpu.memory_space<vmem>>) target(%dma_start3A_266 : memref<10000x16xf32, #tpu.memory_space<vmem_shared>>) offsets(%dma_start3A_263 : memref<100xi32, #tpu.memory_space<vmem>>) semaphore(%run_scoped3A : memref<!tpu.dma_semaphore, #tpu.memory_space<semaphore_mem>>) {add = true}
        %dma_wait3A_267 = arith.constant 0 : i32
        %dma_wait3A_268 = tpu.memref_slice %arg7[%add3A_126, %dma_wait3A_267] : memref<100x100xi32, #tpu.memory_space<vmem>> -> memref<1x100xi32, #tpu.memory_space<vmem>>
        %dma_wait3A_269 = tpu.memref_squeeze %dma_wait3A_268 : memref<1x100xi32, #tpu.memory_space<vmem>> -> memref<100xi32, #tpu.memory_space<vmem>>
        %dma_wait3A_270 = arith.constant 0 : i32
        %dma_wait3A_271 = arith.constant 0 : i32
        %dma_wait3A_272 = tpu.memref_slice %arg8[%dma_wait3A_270, %dma_wait3A_271] : memref<10000x16xf32, #tpu.memory_space<vmem_shared>> -> memref<10000x16xf32, #tpu.memory_space<vmem_shared>>
        tpu.wait_indirect_dma semaphore(%run_scoped3A : memref<!tpu.dma_semaphore, #tpu.memory_space<semaphore_mem>>) src(%arg10 : memref<100x16xf32, #tpu.memory_space<vmem>>) dst(%dma_wait3A_272 : memref<10000x16xf32, #tpu.memory_space<vmem_shared>>)
        tpu.yield
      }) : () -> ()
      %add3A_133 = arith.constant 10 : i32
      %add3A_134 = arith.addi %add3A_126, %add3A_133 : i32
      %lt3A_135 = arith.constant 100 : i32
      %lt3A_136 = arith.cmpi slt, %add3A_134, %lt3A_135 : i32
      %convert_element_type3A_137 = arith.extui %lt3A_136 : i1 to i32
      %cond3A_138 = arith.constant 0 : i32
      %cond3A_139 = arith.cmpi ne, %convert_element_type3A_137, %cond3A_138 : i32
      scf.if %cond3A_139 {
        %add3A_261 = arith.constant 10 : i32
        %add3A_262 = arith.addi %add3A_126, %add3A_261 : i32
        %dma_start3A_263 = arith.constant 0 : i32
        %dma_start3A_264 = tpu.memref_slice %arg6[%add3A_262, %dma_start3A_263] : memref<100x100xi32, #tpu.memory_space<vmem>> -> memref<1x100xi32, #tpu.memory_space<vmem>>
        %dma_start3A_265 = tpu.memref_squeeze %dma_start3A_264 : memref<1x100xi32, #tpu.memory_space<vmem>> -> memref<100xi32, #tpu.memory_space<vmem>>
        %dma_start3A_266 = arith.constant 0 : i32
        %dma_start3A_267 = arith.constant 0 : i32
        %dma_start3A_268 = tpu.memref_slice %arg2[%dma_start3A_266, %dma_start3A_267] : memref<10000x16xf32, #tpu.memory_space<hbm>> -> memref<10000x16xf32, #tpu.memory_space<hbm>>
        tpu.enqueue_indirect_dma source(%dma_start3A_268 : memref<10000x16xf32, #tpu.memory_space<hbm>>) target(%arg10 : memref<100x16xf32, #tpu.memory_space<vmem>>) offsets(%dma_start3A_265 : memref<100xi32, #tpu.memory_space<vmem>>) semaphore(%arg20 : memref<!tpu.dma_semaphore, #tpu.memory_space<semaphore_mem>>)
      } else {
      }
      %add3A_140 = arith.constant 2 : i32
      %add3A_141 = arith.addi %mul3A_111, %add3A_140 : i32
      %dma_wait3A_142 = arith.constant 0 : i32
      %dma_wait3A_143 = tpu.memref_slice %arg6[%add3A_141, %dma_wait3A_142] : memref<100x100xi32, #tpu.memory_space<vmem>> -> memref<1x100xi32, #tpu.memory_space<vmem>>
      %dma_wait3A_144 = tpu.memref_squeeze %dma_wait3A_143 : memref<1x100xi32, #tpu.memory_space<vmem>> -> memref<100xi32, #tpu.memory_space<vmem>>
      %dma_wait3A_145 = arith.constant 0 : i32
      %dma_wait3A_146 = arith.constant 0 : i32
      %dma_wait3A_147 = tpu.memref_slice %arg2[%dma_wait3A_145, %dma_wait3A_146] : memref<10000x16xf32, #tpu.memory_space<hbm>> -> memref<10000x16xf32, #tpu.memory_space<hbm>>
      tpu.wait_indirect_dma semaphore(%arg21 : memref<!tpu.dma_semaphore, #tpu.memory_space<semaphore_mem>>) src(%dma_wait3A_147 : memref<10000x16xf32, #tpu.memory_space<hbm>>) dst(%arg11 : memref<100x16xf32, #tpu.memory_space<vmem>>)
      "tpu.region"() ({
        %run_scoped3A = tpu.sem_alloc : memref<!tpu.dma_semaphore, #tpu.memory_space<semaphore_mem>>
        %dma_start3A_261 = arith.constant 0 : i32
        %dma_start3A_262 = tpu.memref_slice %arg7[%add3A_141, %dma_start3A_261] : memref<100x100xi32, #tpu.memory_space<vmem>> -> memref<1x100xi32, #tpu.memory_space<vmem>>
        %dma_start3A_263 = tpu.memref_squeeze %dma_start3A_262 : memref<1x100xi32, #tpu.memory_space<vmem>> -> memref<100xi32, #tpu.memory_space<vmem>>
        %dma_start3A_264 = arith.constant 0 : i32
        %dma_start3A_265 = arith.constant 0 : i32
        %dma_start3A_266 = tpu.memref_slice %arg8[%dma_start3A_264, %dma_start3A_265] : memref<10000x16xf32, #tpu.memory_space<vmem_shared>> -> memref<10000x16xf32, #tpu.memory_space<vmem_shared>>
        tpu.enqueue_indirect_dma source(%arg11 : memref<100x16xf32, #tpu.memory_space<vmem>>) target(%dma_start3A_266 : memref<10000x16xf32, #tpu.memory_space<vmem_shared>>) offsets(%dma_start3A_263 : memref<100xi32, #tpu.memory_space<vmem>>) semaphore(%run_scoped3A : memref<!tpu.dma_semaphore, #tpu.memory_space<semaphore_mem>>) {add = true}
        %dma_wait3A_267 = arith.constant 0 : i32
        %dma_wait3A_268 = tpu.memref_slice %arg7[%add3A_141, %dma_wait3A_267] : memref<100x100xi32, #tpu.memory_space<vmem>> -> memref<1x100xi32, #tpu.memory_space<vmem>>
        %dma_wait3A_269 = tpu.memref_squeeze %dma_wait3A_268 : memref<1x100xi32, #tpu.memory_space<vmem>> -> memref<100xi32, #tpu.memory_space<vmem>>
        %dma_wait3A_270 = arith.constant 0 : i32
        %dma_wait3A_271 = arith.constant 0 : i32
        %dma_wait3A_272 = tpu.memref_slice %arg8[%dma_wait3A_270, %dma_wait3A_271] : memref<10000x16xf32, #tpu.memory_space<vmem_shared>> -> memref<10000x16xf32, #tpu.memory_space<vmem_shared>>
        tpu.wait_indirect_dma semaphore(%run_scoped3A : memref<!tpu.dma_semaphore, #tpu.memory_space<semaphore_mem>>) src(%arg11 : memref<100x16xf32, #tpu.memory_space<vmem>>) dst(%dma_wait3A_272 : memref<10000x16xf32, #tpu.memory_space<vmem_shared>>)
        tpu.yield
      }) : () -> ()
      %add3A_148 = arith.constant 10 : i32
      %add3A_149 = arith.addi %add3A_141, %add3A_148 : i32
      %lt3A_150 = arith.constant 100 : i32
      %lt3A_151 = arith.cmpi slt, %add3A_149, %lt3A_150 : i32
      %convert_element_type3A_152 = arith.extui %lt3A_151 : i1 to i32
      %cond3A_153 = arith.constant 0 : i32
      %cond3A_154 = arith.cmpi ne, %convert_element_type3A_152, %cond3A_153 : i32
      scf.if %cond3A_154 {
        %add3A_261 = arith.constant 10 : i32
        %add3A_262 = arith.addi %add3A_141, %add3A_261 : i32
        %dma_start3A_263 = arith.constant 0 : i32
        %dma_start3A_264 = tpu.memref_slice %arg6[%add3A_262, %dma_start3A_263] : memref<100x100xi32, #tpu.memory_space<vmem>> -> memref<1x100xi32, #tpu.memory_space<vmem>>
        %dma_start3A_265 = tpu.memref_squeeze %dma_start3A_264 : memref<1x100xi32, #tpu.memory_space<vmem>> -> memref<100xi32, #tpu.memory_space<vmem>>
        %dma_start3A_266 = arith.constant 0 : i32
        %dma_start3A_267 = arith.constant 0 : i32
        %dma_start3A_268 = tpu.memref_slice %arg2[%dma_start3A_266, %dma_start3A_267] : memref<10000x16xf32, #tpu.memory_space<hbm>> -> memref<10000x16xf32, #tpu.memory_space<hbm>>
        tpu.enqueue_indirect_dma source(%dma_start3A_268 : memref<10000x16xf32, #tpu.memory_space<hbm>>) target(%arg11 : memref<100x16xf32, #tpu.memory_space<vmem>>) offsets(%dma_start3A_265 : memref<100xi32, #tpu.memory_space<vmem>>) semaphore(%arg21 : memref<!tpu.dma_semaphore, #tpu.memory_space<semaphore_mem>>)
      } else {
      }
      %add3A_155 = arith.constant 3 : i32
      %add3A_156 = arith.addi %mul3A_111, %add3A_155 : i32
      %dma_wait3A_157 = arith.constant 0 : i32
      %dma_wait3A_158 = tpu.memref_slice %arg6[%add3A_156, %dma_wait3A_157] : memref<100x100xi32, #tpu.memory_space<vmem>> -> memref<1x100xi32, #tpu.memory_space<vmem>>
      %dma_wait3A_159 = tpu.memref_squeeze %dma_wait3A_158 : memref<1x100xi32, #tpu.memory_space<vmem>> -> memref<100xi32, #tpu.memory_space<vmem>>
      %dma_wait3A_160 = arith.constant 0 : i32
      %dma_wait3A_161 = arith.constant 0 : i32
      %dma_wait3A_162 = tpu.memref_slice %arg2[%dma_wait3A_160, %dma_wait3A_161] : memref<10000x16xf32, #tpu.memory_space<hbm>> -> memref<10000x16xf32, #tpu.memory_space<hbm>>
      tpu.wait_indirect_dma semaphore(%arg22 : memref<!tpu.dma_semaphore, #tpu.memory_space<semaphore_mem>>) src(%dma_wait3A_162 : memref<10000x16xf32, #tpu.memory_space<hbm>>) dst(%arg12 : memref<100x16xf32, #tpu.memory_space<vmem>>)
      "tpu.region"() ({
        %run_scoped3A = tpu.sem_alloc : memref<!tpu.dma_semaphore, #tpu.memory_space<semaphore_mem>>
        %dma_start3A_261 = arith.constant 0 : i32
        %dma_start3A_262 = tpu.memref_slice %arg7[%add3A_156, %dma_start3A_261] : memref<100x100xi32, #tpu.memory_space<vmem>> -> memref<1x100xi32, #tpu.memory_space<vmem>>
        %dma_start3A_263 = tpu.memref_squeeze %dma_start3A_262 : memref<1x100xi32, #tpu.memory_space<vmem>> -> memref<100xi32, #tpu.memory_space<vmem>>
        %dma_start3A_264 = arith.constant 0 : i32
        %dma_start3A_265 = arith.constant 0 : i32
        %dma_start3A_266 = tpu.memref_slice %arg8[%dma_start3A_264, %dma_start3A_265] : memref<10000x16xf32, #tpu.memory_space<vmem_shared>> -> memref<10000x16xf32, #tpu.memory_space<vmem_shared>>
        tpu.enqueue_indirect_dma source(%arg12 : memref<100x16xf32, #tpu.memory_space<vmem>>) target(%dma_start3A_266 : memref<10000x16xf32, #tpu.memory_space<vmem_shared>>) offsets(%dma_start3A_263 : memref<100xi32, #tpu.memory_space<vmem>>) semaphore(%run_scoped3A : memref<!tpu.dma_semaphore, #tpu.memory_space<semaphore_mem>>) {add = true}
        %dma_wait3A_267 = arith.constant 0 : i32
        %dma_wait3A_268 = tpu.memref_slice %arg7[%add3A_156, %dma_wait3A_267] : memref<100x100xi32, #tpu.memory_space<vmem>> -> memref<1x100xi32, #tpu.memory_space<vmem>>
        %dma_wait3A_269 = tpu.memref_squeeze %dma_wait3A_268 : memref<1x100xi32, #tpu.memory_space<vmem>> -> memref<100xi32, #tpu.memory_space<vmem>>
        %dma_wait3A_270 = arith.constant 0 : i32
        %dma_wait3A_271 = arith.constant 0 : i32
        %dma_wait3A_272 = tpu.memref_slice %arg8[%dma_wait3A_270, %dma_wait3A_271] : memref<10000x16xf32, #tpu.memory_space<vmem_shared>> -> memref<10000x16xf32, #tpu.memory_space<vmem_shared>>
        tpu.wait_indirect_dma semaphore(%run_scoped3A : memref<!tpu.dma_semaphore, #tpu.memory_space<semaphore_mem>>) src(%arg12 : memref<100x16xf32, #tpu.memory_space<vmem>>) dst(%dma_wait3A_272 : memref<10000x16xf32, #tpu.memory_space<vmem_shared>>)
        tpu.yield
      }) : () -> ()
      %add3A_163 = arith.constant 10 : i32
      %add3A_164 = arith.addi %add3A_156, %add3A_163 : i32
      %lt3A_165 = arith.constant 100 : i32
      %lt3A_166 = arith.cmpi slt, %add3A_164, %lt3A_165 : i32
      %convert_element_type3A_167 = arith.extui %lt3A_166 : i1 to i32
      %cond3A_168 = arith.constant 0 : i32
      %cond3A_169 = arith.cmpi ne, %convert_element_type3A_167, %cond3A_168 : i32
      scf.if %cond3A_169 {
        %add3A_261 = arith.constant 10 : i32
        %add3A_262 = arith.addi %add3A_156, %add3A_261 : i32
        %dma_start3A_263 = arith.constant 0 : i32
        %dma_start3A_264 = tpu.memref_slice %arg6[%add3A_262, %dma_start3A_263] : memref<100x100xi32, #tpu.memory_space<vmem>> -> memref<1x100xi32, #tpu.memory_space<vmem>>
        %dma_start3A_265 = tpu.memref_squeeze %dma_start3A_264 : memref<1x100xi32, #tpu.memory_space<vmem>> -> memref<100xi32, #tpu.memory_space<vmem>>
        %dma_start3A_266 = arith.constant 0 : i32
        %dma_start3A_267 = arith.constant 0 : i32
        %dma_start3A_268 = tpu.memref_slice %arg2[%dma_start3A_266, %dma_start3A_267] : memref<10000x16xf32, #tpu.memory_space<hbm>> -> memref<10000x16xf32, #tpu.memory_space<hbm>>
        tpu.enqueue_indirect_dma source(%dma_start3A_268 : memref<10000x16xf32, #tpu.memory_space<hbm>>) target(%arg12 : memref<100x16xf32, #tpu.memory_space<vmem>>) offsets(%dma_start3A_265 : memref<100xi32, #tpu.memory_space<vmem>>) semaphore(%arg22 : memref<!tpu.dma_semaphore, #tpu.memory_space<semaphore_mem>>)
      } else {
      }
      %add3A_170 = arith.constant 4 : i32
      %add3A_171 = arith.addi %mul3A_111, %add3A_170 : i32
      %dma_wait3A_172 = arith.constant 0 : i32
      %dma_wait3A_173 = tpu.memref_slice %arg6[%add3A_171, %dma_wait3A_172] : memref<100x100xi32, #tpu.memory_space<vmem>> -> memref<1x100xi32, #tpu.memory_space<vmem>>
      %dma_wait3A_174 = tpu.memref_squeeze %dma_wait3A_173 : memref<1x100xi32, #tpu.memory_space<vmem>> -> memref<100xi32, #tpu.memory_space<vmem>>
      %dma_wait3A_175 = arith.constant 0 : i32
      %dma_wait3A_176 = arith.constant 0 : i32
      %dma_wait3A_177 = tpu.memref_slice %arg2[%dma_wait3A_175, %dma_wait3A_176] : memref<10000x16xf32, #tpu.memory_space<hbm>> -> memref<10000x16xf32, #tpu.memory_space<hbm>>
      tpu.wait_indirect_dma semaphore(%arg23 : memref<!tpu.dma_semaphore, #tpu.memory_space<semaphore_mem>>) src(%dma_wait3A_177 : memref<10000x16xf32, #tpu.memory_space<hbm>>) dst(%arg13 : memref<100x16xf32, #tpu.memory_space<vmem>>)
      "tpu.region"() ({
        %run_scoped3A = tpu.sem_alloc : memref<!tpu.dma_semaphore, #tpu.memory_space<semaphore_mem>>
        %dma_start3A_261 = arith.constant 0 : i32
        %dma_start3A_262 = tpu.memref_slice %arg7[%add3A_171, %dma_start3A_261] : memref<100x100xi32, #tpu.memory_space<vmem>> -> memref<1x100xi32, #tpu.memory_space<vmem>>
        %dma_start3A_263 = tpu.memref_squeeze %dma_start3A_262 : memref<1x100xi32, #tpu.memory_space<vmem>> -> memref<100xi32, #tpu.memory_space<vmem>>
        %dma_start3A_264 = arith.constant 0 : i32
        %dma_start3A_265 = arith.constant 0 : i32
        %dma_start3A_266 = tpu.memref_slice %arg8[%dma_start3A_264, %dma_start3A_265] : memref<10000x16xf32, #tpu.memory_space<vmem_shared>> -> memref<10000x16xf32, #tpu.memory_space<vmem_shared>>
        tpu.enqueue_indirect_dma source(%arg13 : memref<100x16xf32, #tpu.memory_space<vmem>>) target(%dma_start3A_266 : memref<10000x16xf32, #tpu.memory_space<vmem_shared>>) offsets(%dma_start3A_263 : memref<100xi32, #tpu.memory_space<vmem>>) semaphore(%run_scoped3A : memref<!tpu.dma_semaphore, #tpu.memory_space<semaphore_mem>>) {add = true}
        %dma_wait3A_267 = arith.constant 0 : i32
        %dma_wait3A_268 = tpu.memref_slice %arg7[%add3A_171, %dma_wait3A_267] : memref<100x100xi32, #tpu.memory_space<vmem>> -> memref<1x100xi32, #tpu.memory_space<vmem>>
        %dma_wait3A_269 = tpu.memref_squeeze %dma_wait3A_268 : memref<1x100xi32, #tpu.memory_space<vmem>> -> memref<100xi32, #tpu.memory_space<vmem>>
        %dma_wait3A_270 = arith.constant 0 : i32
        %dma_wait3A_271 = arith.constant 0 : i32
        %dma_wait3A_272 = tpu.memref_slice %arg8[%dma_wait3A_270, %dma_wait3A_271] : memref<10000x16xf32, #tpu.memory_space<vmem_shared>> -> memref<10000x16xf32, #tpu.memory_space<vmem_shared>>
        tpu.wait_indirect_dma semaphore(%run_scoped3A : memref<!tpu.dma_semaphore, #tpu.memory_space<semaphore_mem>>) src(%arg13 : memref<100x16xf32, #tpu.memory_space<vmem>>) dst(%dma_wait3A_272 : memref<10000x16xf32, #tpu.memory_space<vmem_shared>>)
        tpu.yield
      }) : () -> ()
      %add3A_178 = arith.constant 10 : i32
      %add3A_179 = arith.addi %add3A_171, %add3A_178 : i32
      %lt3A_180 = arith.constant 100 : i32
      %lt3A_181 = arith.cmpi slt, %add3A_179, %lt3A_180 : i32
      %convert_element_type3A_182 = arith.extui %lt3A_181 : i1 to i32
      %cond3A_183 = arith.constant 0 : i32
      %cond3A_184 = arith.cmpi ne, %convert_element_type3A_182, %cond3A_183 : i32
      scf.if %cond3A_184 {
        %add3A_261 = arith.constant 10 : i32
        %add3A_262 = arith.addi %add3A_171, %add3A_261 : i32
        %dma_start3A_263 = arith.constant 0 : i32
        %dma_start3A_264 = tpu.memref_slice %arg6[%add3A_262, %dma_start3A_263] : memref<100x100xi32, #tpu.memory_space<vmem>> -> memref<1x100xi32, #tpu.memory_space<vmem>>
        %dma_start3A_265 = tpu.memref_squeeze %dma_start3A_264 : memref<1x100xi32, #tpu.memory_space<vmem>> -> memref<100xi32, #tpu.memory_space<vmem>>
        %dma_start3A_266 = arith.constant 0 : i32
        %dma_start3A_267 = arith.constant 0 : i32
        %dma_start3A_268 = tpu.memref_slice %arg2[%dma_start3A_266, %dma_start3A_267] : memref<10000x16xf32, #tpu.memory_space<hbm>> -> memref<10000x16xf32, #tpu.memory_space<hbm>>
        tpu.enqueue_indirect_dma source(%dma_start3A_268 : memref<10000x16xf32, #tpu.memory_space<hbm>>) target(%arg13 : memref<100x16xf32, #tpu.memory_space<vmem>>) offsets(%dma_start3A_265 : memref<100xi32, #tpu.memory_space<vmem>>) semaphore(%arg23 : memref<!tpu.dma_semaphore, #tpu.memory_space<semaphore_mem>>)
      } else {
      }
      %add3A_185 = arith.constant 5 : i32
      %add3A_186 = arith.addi %mul3A_111, %add3A_185 : i32
      %dma_wait3A_187 = arith.constant 0 : i32
      %dma_wait3A_188 = tpu.memref_slice %arg6[%add3A_186, %dma_wait3A_187] : memref<100x100xi32, #tpu.memory_space<vmem>> -> memref<1x100xi32, #tpu.memory_space<vmem>>
      %dma_wait3A_189 = tpu.memref_squeeze %dma_wait3A_188 : memref<1x100xi32, #tpu.memory_space<vmem>> -> memref<100xi32, #tpu.memory_space<vmem>>
      %dma_wait3A_190 = arith.constant 0 : i32
      %dma_wait3A_191 = arith.constant 0 : i32
      %dma_wait3A_192 = tpu.memref_slice %arg2[%dma_wait3A_190, %dma_wait3A_191] : memref<10000x16xf32, #tpu.memory_space<hbm>> -> memref<10000x16xf32, #tpu.memory_space<hbm>>
      tpu.wait_indirect_dma semaphore(%arg24 : memref<!tpu.dma_semaphore, #tpu.memory_space<semaphore_mem>>) src(%dma_wait3A_192 : memref<10000x16xf32, #tpu.memory_space<hbm>>) dst(%arg14 : memref<100x16xf32, #tpu.memory_space<vmem>>)
      "tpu.region"() ({
        %run_scoped3A = tpu.sem_alloc : memref<!tpu.dma_semaphore, #tpu.memory_space<semaphore_mem>>
        %dma_start3A_261 = arith.constant 0 : i32
        %dma_start3A_262 = tpu.memref_slice %arg7[%add3A_186, %dma_start3A_261] : memref<100x100xi32, #tpu.memory_space<vmem>> -> memref<1x100xi32, #tpu.memory_space<vmem>>
        %dma_start3A_263 = tpu.memref_squeeze %dma_start3A_262 : memref<1x100xi32, #tpu.memory_space<vmem>> -> memref<100xi32, #tpu.memory_space<vmem>>
        %dma_start3A_264 = arith.constant 0 : i32
        %dma_start3A_265 = arith.constant 0 : i32
        %dma_start3A_266 = tpu.memref_slice %arg8[%dma_start3A_264, %dma_start3A_265] : memref<10000x16xf32, #tpu.memory_space<vmem_shared>> -> memref<10000x16xf32, #tpu.memory_space<vmem_shared>>
        tpu.enqueue_indirect_dma source(%arg14 : memref<100x16xf32, #tpu.memory_space<vmem>>) target(%dma_start3A_266 : memref<10000x16xf32, #tpu.memory_space<vmem_shared>>) offsets(%dma_start3A_263 : memref<100xi32, #tpu.memory_space<vmem>>) semaphore(%run_scoped3A : memref<!tpu.dma_semaphore, #tpu.memory_space<semaphore_mem>>) {add = true}
        %dma_wait3A_267 = arith.constant 0 : i32
        %dma_wait3A_268 = tpu.memref_slice %arg7[%add3A_186, %dma_wait3A_267] : memref<100x100xi32, #tpu.memory_space<vmem>> -> memref<1x100xi32, #tpu.memory_space<vmem>>
        %dma_wait3A_269 = tpu.memref_squeeze %dma_wait3A_268 : memref<1x100xi32, #tpu.memory_space<vmem>> -> memref<100xi32, #tpu.memory_space<vmem>>
        %dma_wait3A_270 = arith.constant 0 : i32
        %dma_wait3A_271 = arith.constant 0 : i32
        %dma_wait3A_272 = tpu.memref_slice %arg8[%dma_wait3A_270, %dma_wait3A_271] : memref<10000x16xf32, #tpu.memory_space<vmem_shared>> -> memref<10000x16xf32, #tpu.memory_space<vmem_shared>>
        tpu.wait_indirect_dma semaphore(%run_scoped3A : memref<!tpu.dma_semaphore, #tpu.memory_space<semaphore_mem>>) src(%arg14 : memref<100x16xf32, #tpu.memory_space<vmem>>) dst(%dma_wait3A_272 : memref<10000x16xf32, #tpu.memory_space<vmem_shared>>)
        tpu.yield
      }) : () -> ()
      %add3A_193 = arith.constant 10 : i32
      %add3A_194 = arith.addi %add3A_186, %add3A_193 : i32
      %lt3A_195 = arith.constant 100 : i32
      %lt3A_196 = arith.cmpi slt, %add3A_194, %lt3A_195 : i32
      %convert_element_type3A_197 = arith.extui %lt3A_196 : i1 to i32
      %cond3A_198 = arith.constant 0 : i32
      %cond3A_199 = arith.cmpi ne, %convert_element_type3A_197, %cond3A_198 : i32
      scf.if %cond3A_199 {
        %add3A_261 = arith.constant 10 : i32
        %add3A_262 = arith.addi %add3A_186, %add3A_261 : i32
        %dma_start3A_263 = arith.constant 0 : i32
        %dma_start3A_264 = tpu.memref_slice %arg6[%add3A_262, %dma_start3A_263] : memref<100x100xi32, #tpu.memory_space<vmem>> -> memref<1x100xi32, #tpu.memory_space<vmem>>
        %dma_start3A_265 = tpu.memref_squeeze %dma_start3A_264 : memref<1x100xi32, #tpu.memory_space<vmem>> -> memref<100xi32, #tpu.memory_space<vmem>>
        %dma_start3A_266 = arith.constant 0 : i32
        %dma_start3A_267 = arith.constant 0 : i32
        %dma_start3A_268 = tpu.memref_slice %arg2[%dma_start3A_266, %dma_start3A_267] : memref<10000x16xf32, #tpu.memory_space<hbm>> -> memref<10000x16xf32, #tpu.memory_space<hbm>>
        tpu.enqueue_indirect_dma source(%dma_start3A_268 : memref<10000x16xf32, #tpu.memory_space<hbm>>) target(%arg14 : memref<100x16xf32, #tpu.memory_space<vmem>>) offsets(%dma_start3A_265 : memref<100xi32, #tpu.memory_space<vmem>>) semaphore(%arg24 : memref<!tpu.dma_semaphore, #tpu.memory_space<semaphore_mem>>)
      } else {
      }
      %add3A_200 = arith.constant 6 : i32
      %add3A_201 = arith.addi %mul3A_111, %add3A_200 : i32
      %dma_wait3A_202 = arith.constant 0 : i32
      %dma_wait3A_203 = tpu.memref_slice %arg6[%add3A_201, %dma_wait3A_202] : memref<100x100xi32, #tpu.memory_space<vmem>> -> memref<1x100xi32, #tpu.memory_space<vmem>>
      %dma_wait3A_204 = tpu.memref_squeeze %dma_wait3A_203 : memref<1x100xi32, #tpu.memory_space<vmem>> -> memref<100xi32, #tpu.memory_space<vmem>>
      %dma_wait3A_205 = arith.constant 0 : i32
      %dma_wait3A_206 = arith.constant 0 : i32
      %dma_wait3A_207 = tpu.memref_slice %arg2[%dma_wait3A_205, %dma_wait3A_206] : memref<10000x16xf32, #tpu.memory_space<hbm>> -> memref<10000x16xf32, #tpu.memory_space<hbm>>
      tpu.wait_indirect_dma semaphore(%arg25 : memref<!tpu.dma_semaphore, #tpu.memory_space<semaphore_mem>>) src(%dma_wait3A_207 : memref<10000x16xf32, #tpu.memory_space<hbm>>) dst(%arg15 : memref<100x16xf32, #tpu.memory_space<vmem>>)
      "tpu.region"() ({
        %run_scoped3A = tpu.sem_alloc : memref<!tpu.dma_semaphore, #tpu.memory_space<semaphore_mem>>
        %dma_start3A_261 = arith.constant 0 : i32
        %dma_start3A_262 = tpu.memref_slice %arg7[%add3A_201, %dma_start3A_261] : memref<100x100xi32, #tpu.memory_space<vmem>> -> memref<1x100xi32, #tpu.memory_space<vmem>>
        %dma_start3A_263 = tpu.memref_squeeze %dma_start3A_262 : memref<1x100xi32, #tpu.memory_space<vmem>> -> memref<100xi32, #tpu.memory_space<vmem>>
        %dma_start3A_264 = arith.constant 0 : i32
        %dma_start3A_265 = arith.constant 0 : i32
        %dma_start3A_266 = tpu.memref_slice %arg8[%dma_start3A_264, %dma_start3A_265] : memref<10000x16xf32, #tpu.memory_space<vmem_shared>> -> memref<10000x16xf32, #tpu.memory_space<vmem_shared>>
        tpu.enqueue_indirect_dma source(%arg15 : memref<100x16xf32, #tpu.memory_space<vmem>>) target(%dma_start3A_266 : memref<10000x16xf32, #tpu.memory_space<vmem_shared>>) offsets(%dma_start3A_263 : memref<100xi32, #tpu.memory_space<vmem>>) semaphore(%run_scoped3A : memref<!tpu.dma_semaphore, #tpu.memory_space<semaphore_mem>>) {add = true}
        %dma_wait3A_267 = arith.constant 0 : i32
        %dma_wait3A_268 = tpu.memref_slice %arg7[%add3A_201, %dma_wait3A_267] : memref<100x100xi32, #tpu.memory_space<vmem>> -> memref<1x100xi32, #tpu.memory_space<vmem>>
        %dma_wait3A_269 = tpu.memref_squeeze %dma_wait3A_268 : memref<1x100xi32, #tpu.memory_space<vmem>> -> memref<100xi32, #tpu.memory_space<vmem>>
        %dma_wait3A_270 = arith.constant 0 : i32
        %dma_wait3A_271 = arith.constant 0 : i32
        %dma_wait3A_272 = tpu.memref_slice %arg8[%dma_wait3A_270, %dma_wait3A_271] : memref<10000x16xf32, #tpu.memory_space<vmem_shared>> -> memref<10000x16xf32, #tpu.memory_space<vmem_shared>>
        tpu.wait_indirect_dma semaphore(%run_scoped3A : memref<!tpu.dma_semaphore, #tpu.memory_space<semaphore_mem>>) src(%arg15 : memref<100x16xf32, #tpu.memory_space<vmem>>) dst(%dma_wait3A_272 : memref<10000x16xf32, #tpu.memory_space<vmem_shared>>)
        tpu.yield
      }) : () -> ()
      %add3A_208 = arith.constant 10 : i32
      %add3A_209 = arith.addi %add3A_201, %add3A_208 : i32
      %lt3A_210 = arith.constant 100 : i32
      %lt3A_211 = arith.cmpi slt, %add3A_209, %lt3A_210 : i32
      %convert_element_type3A_212 = arith.extui %lt3A_211 : i1 to i32
      %cond3A_213 = arith.constant 0 : i32
      %cond3A_214 = arith.cmpi ne, %convert_element_type3A_212, %cond3A_213 : i32
      scf.if %cond3A_214 {
        %add3A_261 = arith.constant 10 : i32
        %add3A_262 = arith.addi %add3A_201, %add3A_261 : i32
        %dma_start3A_263 = arith.constant 0 : i32
        %dma_start3A_264 = tpu.memref_slice %arg6[%add3A_262, %dma_start3A_263] : memref<100x100xi32, #tpu.memory_space<vmem>> -> memref<1x100xi32, #tpu.memory_space<vmem>>
        %dma_start3A_265 = tpu.memref_squeeze %dma_start3A_264 : memref<1x100xi32, #tpu.memory_space<vmem>> -> memref<100xi32, #tpu.memory_space<vmem>>
        %dma_start3A_266 = arith.constant 0 : i32
        %dma_start3A_267 = arith.constant 0 : i32
        %dma_start3A_268 = tpu.memref_slice %arg2[%dma_start3A_266, %dma_start3A_267] : memref<10000x16xf32, #tpu.memory_space<hbm>> -> memref<10000x16xf32, #tpu.memory_space<hbm>>
        tpu.enqueue_indirect_dma source(%dma_start3A_268 : memref<10000x16xf32, #tpu.memory_space<hbm>>) target(%arg15 : memref<100x16xf32, #tpu.memory_space<vmem>>) offsets(%dma_start3A_265 : memref<100xi32, #tpu.memory_space<vmem>>) semaphore(%arg25 : memref<!tpu.dma_semaphore, #tpu.memory_space<semaphore_mem>>)
      } else {
      }
      %add3A_215 = arith.constant 7 : i32
      %add3A_216 = arith.addi %mul3A_111, %add3A_215 : i32
      %dma_wait3A_217 = arith.constant 0 : i32
      %dma_wait3A_218 = tpu.memref_slice %arg6[%add3A_216, %dma_wait3A_217] : memref<100x100xi32, #tpu.memory_space<vmem>> -> memref<1x100xi32, #tpu.memory_space<vmem>>
      %dma_wait3A_219 = tpu.memref_squeeze %dma_wait3A_218 : memref<1x100xi32, #tpu.memory_space<vmem>> -> memref<100xi32, #tpu.memory_space<vmem>>
      %dma_wait3A_220 = arith.constant 0 : i32
      %dma_wait3A_221 = arith.constant 0 : i32
      %dma_wait3A_222 = tpu.memref_slice %arg2[%dma_wait3A_220, %dma_wait3A_221] : memref<10000x16xf32, #tpu.memory_space<hbm>> -> memref<10000x16xf32, #tpu.memory_space<hbm>>
      tpu.wait_indirect_dma semaphore(%arg26 : memref<!tpu.dma_semaphore, #tpu.memory_space<semaphore_mem>>) src(%dma_wait3A_222 : memref<10000x16xf32, #tpu.memory_space<hbm>>) dst(%arg16 : memref<100x16xf32, #tpu.memory_space<vmem>>)
      "tpu.region"() ({
        %run_scoped3A = tpu.sem_alloc : memref<!tpu.dma_semaphore, #tpu.memory_space<semaphore_mem>>
        %dma_start3A_261 = arith.constant 0 : i32
        %dma_start3A_262 = tpu.memref_slice %arg7[%add3A_216, %dma_start3A_261] : memref<100x100xi32, #tpu.memory_space<vmem>> -> memref<1x100xi32, #tpu.memory_space<vmem>>
        %dma_start3A_263 = tpu.memref_squeeze %dma_start3A_262 : memref<1x100xi32, #tpu.memory_space<vmem>> -> memref<100xi32, #tpu.memory_space<vmem>>
        %dma_start3A_264 = arith.constant 0 : i32
        %dma_start3A_265 = arith.constant 0 : i32
        %dma_start3A_266 = tpu.memref_slice %arg8[%dma_start3A_264, %dma_start3A_265] : memref<10000x16xf32, #tpu.memory_space<vmem_shared>> -> memref<10000x16xf32, #tpu.memory_space<vmem_shared>>
        tpu.enqueue_indirect_dma source(%arg16 : memref<100x16xf32, #tpu.memory_space<vmem>>) target(%dma_start3A_266 : memref<10000x16xf32, #tpu.memory_space<vmem_shared>>) offsets(%dma_start3A_263 : memref<100xi32, #tpu.memory_space<vmem>>) semaphore(%run_scoped3A : memref<!tpu.dma_semaphore, #tpu.memory_space<semaphore_mem>>) {add = true}
        %dma_wait3A_267 = arith.constant 0 : i32
        %dma_wait3A_268 = tpu.memref_slice %arg7[%add3A_216, %dma_wait3A_267] : memref<100x100xi32, #tpu.memory_space<vmem>> -> memref<1x100xi32, #tpu.memory_space<vmem>>
        %dma_wait3A_269 = tpu.memref_squeeze %dma_wait3A_268 : memref<1x100xi32, #tpu.memory_space<vmem>> -> memref<100xi32, #tpu.memory_space<vmem>>
        %dma_wait3A_270 = arith.constant 0 : i32
        %dma_wait3A_271 = arith.constant 0 : i32
        %dma_wait3A_272 = tpu.memref_slice %arg8[%dma_wait3A_270, %dma_wait3A_271] : memref<10000x16xf32, #tpu.memory_space<vmem_shared>> -> memref<10000x16xf32, #tpu.memory_space<vmem_shared>>
        tpu.wait_indirect_dma semaphore(%run_scoped3A : memref<!tpu.dma_semaphore, #tpu.memory_space<semaphore_mem>>) src(%arg16 : memref<100x16xf32, #tpu.memory_space<vmem>>) dst(%dma_wait3A_272 : memref<10000x16xf32, #tpu.memory_space<vmem_shared>>)
        tpu.yield
      }) : () -> ()
      %add3A_223 = arith.constant 10 : i32
      %add3A_224 = arith.addi %add3A_216, %add3A_223 : i32
      %lt3A_225 = arith.constant 100 : i32
      %lt3A_226 = arith.cmpi slt, %add3A_224, %lt3A_225 : i32
      %convert_element_type3A_227 = arith.extui %lt3A_226 : i1 to i32
      %cond3A_228 = arith.constant 0 : i32
      %cond3A_229 = arith.cmpi ne, %convert_element_type3A_227, %cond3A_228 : i32
      scf.if %cond3A_229 {
        %add3A_261 = arith.constant 10 : i32
        %add3A_262 = arith.addi %add3A_216, %add3A_261 : i32
        %dma_start3A_263 = arith.constant 0 : i32
        %dma_start3A_264 = tpu.memref_slice %arg6[%add3A_262, %dma_start3A_263] : memref<100x100xi32, #tpu.memory_space<vmem>> -> memref<1x100xi32, #tpu.memory_space<vmem>>
        %dma_start3A_265 = tpu.memref_squeeze %dma_start3A_264 : memref<1x100xi32, #tpu.memory_space<vmem>> -> memref<100xi32, #tpu.memory_space<vmem>>
        %dma_start3A_266 = arith.constant 0 : i32
        %dma_start3A_267 = arith.constant 0 : i32
        %dma_start3A_268 = tpu.memref_slice %arg2[%dma_start3A_266, %dma_start3A_267] : memref<10000x16xf32, #tpu.memory_space<hbm>> -> memref<10000x16xf32, #tpu.memory_space<hbm>>
        tpu.enqueue_indirect_dma source(%dma_start3A_268 : memref<10000x16xf32, #tpu.memory_space<hbm>>) target(%arg16 : memref<100x16xf32, #tpu.memory_space<vmem>>) offsets(%dma_start3A_265 : memref<100xi32, #tpu.memory_space<vmem>>) semaphore(%arg26 : memref<!tpu.dma_semaphore, #tpu.memory_space<semaphore_mem>>)
      } else {
      }
      %add3A_230 = arith.constant 8 : i32
      %add3A_231 = arith.addi %mul3A_111, %add3A_230 : i32
      %dma_wait3A_232 = arith.constant 0 : i32
      %dma_wait3A_233 = tpu.memref_slice %arg6[%add3A_231, %dma_wait3A_232] : memref<100x100xi32, #tpu.memory_space<vmem>> -> memref<1x100xi32, #tpu.memory_space<vmem>>
      %dma_wait3A_234 = tpu.memref_squeeze %dma_wait3A_233 : memref<1x100xi32, #tpu.memory_space<vmem>> -> memref<100xi32, #tpu.memory_space<vmem>>
      %dma_wait3A_235 = arith.constant 0 : i32
      %dma_wait3A_236 = arith.constant 0 : i32
      %dma_wait3A_237 = tpu.memref_slice %arg2[%dma_wait3A_235, %dma_wait3A_236] : memref<10000x16xf32, #tpu.memory_space<hbm>> -> memref<10000x16xf32, #tpu.memory_space<hbm>>
      tpu.wait_indirect_dma semaphore(%arg27 : memref<!tpu.dma_semaphore, #tpu.memory_space<semaphore_mem>>) src(%dma_wait3A_237 : memref<10000x16xf32, #tpu.memory_space<hbm>>) dst(%arg17 : memref<100x16xf32, #tpu.memory_space<vmem>>)
      "tpu.region"() ({
        %run_scoped3A = tpu.sem_alloc : memref<!tpu.dma_semaphore, #tpu.memory_space<semaphore_mem>>
        %dma_start3A_261 = arith.constant 0 : i32
        %dma_start3A_262 = tpu.memref_slice %arg7[%add3A_231, %dma_start3A_261] : memref<100x100xi32, #tpu.memory_space<vmem>> -> memref<1x100xi32, #tpu.memory_space<vmem>>
        %dma_start3A_263 = tpu.memref_squeeze %dma_start3A_262 : memref<1x100xi32, #tpu.memory_space<vmem>> -> memref<100xi32, #tpu.memory_space<vmem>>
        %dma_start3A_264 = arith.constant 0 : i32
        %dma_start3A_265 = arith.constant 0 : i32
        %dma_start3A_266 = tpu.memref_slice %arg8[%dma_start3A_264, %dma_start3A_265] : memref<10000x16xf32, #tpu.memory_space<vmem_shared>> -> memref<10000x16xf32, #tpu.memory_space<vmem_shared>>
        tpu.enqueue_indirect_dma source(%arg17 : memref<100x16xf32, #tpu.memory_space<vmem>>) target(%dma_start3A_266 : memref<10000x16xf32, #tpu.memory_space<vmem_shared>>) offsets(%dma_start3A_263 : memref<100xi32, #tpu.memory_space<vmem>>) semaphore(%run_scoped3A : memref<!tpu.dma_semaphore, #tpu.memory_space<semaphore_mem>>) {add = true}
        %dma_wait3A_267 = arith.constant 0 : i32
        %dma_wait3A_268 = tpu.memref_slice %arg7[%add3A_231, %dma_wait3A_267] : memref<100x100xi32, #tpu.memory_space<vmem>> -> memref<1x100xi32, #tpu.memory_space<vmem>>
        %dma_wait3A_269 = tpu.memref_squeeze %dma_wait3A_268 : memref<1x100xi32, #tpu.memory_space<vmem>> -> memref<100xi32, #tpu.memory_space<vmem>>
        %dma_wait3A_270 = arith.constant 0 : i32
        %dma_wait3A_271 = arith.constant 0 : i32
        %dma_wait3A_272 = tpu.memref_slice %arg8[%dma_wait3A_270, %dma_wait3A_271] : memref<10000x16xf32, #tpu.memory_space<vmem_shared>> -> memref<10000x16xf32, #tpu.memory_space<vmem_shared>>
        tpu.wait_indirect_dma semaphore(%run_scoped3A : memref<!tpu.dma_semaphore, #tpu.memory_space<semaphore_mem>>) src(%arg17 : memref<100x16xf32, #tpu.memory_space<vmem>>) dst(%dma_wait3A_272 : memref<10000x16xf32, #tpu.memory_space<vmem_shared>>)
        tpu.yield
      }) : () -> ()
      %add3A_238 = arith.constant 10 : i32
      %add3A_239 = arith.addi %add3A_231, %add3A_238 : i32
      %lt3A_240 = arith.constant 100 : i32
      %lt3A_241 = arith.cmpi slt, %add3A_239, %lt3A_240 : i32
      %convert_element_type3A_242 = arith.extui %lt3A_241 : i1 to i32
      %cond3A_243 = arith.constant 0 : i32
      %cond3A_244 = arith.cmpi ne, %convert_element_type3A_242, %cond3A_243 : i32
      scf.if %cond3A_244 {
        %add3A_261 = arith.constant 10 : i32
        %add3A_262 = arith.addi %add3A_231, %add3A_261 : i32
        %dma_start3A_263 = arith.constant 0 : i32
        %dma_start3A_264 = tpu.memref_slice %arg6[%add3A_262, %dma_start3A_263] : memref<100x100xi32, #tpu.memory_space<vmem>> -> memref<1x100xi32, #tpu.memory_space<vmem>>
        %dma_start3A_265 = tpu.memref_squeeze %dma_start3A_264 : memref<1x100xi32, #tpu.memory_space<vmem>> -> memref<100xi32, #tpu.memory_space<vmem>>
        %dma_start3A_266 = arith.constant 0 : i32
        %dma_start3A_267 = arith.constant 0 : i32
        %dma_start3A_268 = tpu.memref_slice %arg2[%dma_start3A_266, %dma_start3A_267] : memref<10000x16xf32, #tpu.memory_space<hbm>> -> memref<10000x16xf32, #tpu.memory_space<hbm>>
        tpu.enqueue_indirect_dma source(%dma_start3A_268 : memref<10000x16xf32, #tpu.memory_space<hbm>>) target(%arg17 : memref<100x16xf32, #tpu.memory_space<vmem>>) offsets(%dma_start3A_265 : memref<100xi32, #tpu.memory_space<vmem>>) semaphore(%arg27 : memref<!tpu.dma_semaphore, #tpu.memory_space<semaphore_mem>>)
      } else {
      }
      %add3A_245 = arith.constant 9 : i32
      %add3A_246 = arith.addi %mul3A_111, %add3A_245 : i32
      %dma_wait3A_247 = arith.constant 0 : i32
      %dma_wait3A_248 = tpu.memref_slice %arg6[%add3A_246, %dma_wait3A_247] : memref<100x100xi32, #tpu.memory_space<vmem>> -> memref<1x100xi32, #tpu.memory_space<vmem>>
      %dma_wait3A_249 = tpu.memref_squeeze %dma_wait3A_248 : memref<1x100xi32, #tpu.memory_space<vmem>> -> memref<100xi32, #tpu.memory_space<vmem>>
      %dma_wait3A_250 = arith.constant 0 : i32
      %dma_wait3A_251 = arith.constant 0 : i32
      %dma_wait3A_252 = tpu.memref_slice %arg2[%dma_wait3A_250, %dma_wait3A_251] : memref<10000x16xf32, #tpu.memory_space<hbm>> -> memref<10000x16xf32, #tpu.memory_space<hbm>>
      tpu.wait_indirect_dma semaphore(%arg28 : memref<!tpu.dma_semaphore, #tpu.memory_space<semaphore_mem>>) src(%dma_wait3A_252 : memref<10000x16xf32, #tpu.memory_space<hbm>>) dst(%arg18 : memref<100x16xf32, #tpu.memory_space<vmem>>)
      "tpu.region"() ({
        %run_scoped3A = tpu.sem_alloc : memref<!tpu.dma_semaphore, #tpu.memory_space<semaphore_mem>>
        %dma_start3A_261 = arith.constant 0 : i32
        %dma_start3A_262 = tpu.memref_slice %arg7[%add3A_246, %dma_start3A_261] : memref<100x100xi32, #tpu.memory_space<vmem>> -> memref<1x100xi32, #tpu.memory_space<vmem>>
        %dma_start3A_263 = tpu.memref_squeeze %dma_start3A_262 : memref<1x100xi32, #tpu.memory_space<vmem>> -> memref<100xi32, #tpu.memory_space<vmem>>
        %dma_start3A_264 = arith.constant 0 : i32
        %dma_start3A_265 = arith.constant 0 : i32
        %dma_start3A_266 = tpu.memref_slice %arg8[%dma_start3A_264, %dma_start3A_265] : memref<10000x16xf32, #tpu.memory_space<vmem_shared>> -> memref<10000x16xf32, #tpu.memory_space<vmem_shared>>
        tpu.enqueue_indirect_dma source(%arg18 : memref<100x16xf32, #tpu.memory_space<vmem>>) target(%dma_start3A_266 : memref<10000x16xf32, #tpu.memory_space<vmem_shared>>) offsets(%dma_start3A_263 : memref<100xi32, #tpu.memory_space<vmem>>) semaphore(%run_scoped3A : memref<!tpu.dma_semaphore, #tpu.memory_space<semaphore_mem>>) {add = true}
        %dma_wait3A_267 = arith.constant 0 : i32
        %dma_wait3A_268 = tpu.memref_slice %arg7[%add3A_246, %dma_wait3A_267] : memref<100x100xi32, #tpu.memory_space<vmem>> -> memref<1x100xi32, #tpu.memory_space<vmem>>
        %dma_wait3A_269 = tpu.memref_squeeze %dma_wait3A_268 : memref<1x100xi32, #tpu.memory_space<vmem>> -> memref<100xi32, #tpu.memory_space<vmem>>
        %dma_wait3A_270 = arith.constant 0 : i32
        %dma_wait3A_271 = arith.constant 0 : i32
        %dma_wait3A_272 = tpu.memref_slice %arg8[%dma_wait3A_270, %dma_wait3A_271] : memref<10000x16xf32, #tpu.memory_space<vmem_shared>> -> memref<10000x16xf32, #tpu.memory_space<vmem_shared>>
        tpu.wait_indirect_dma semaphore(%run_scoped3A : memref<!tpu.dma_semaphore, #tpu.memory_space<semaphore_mem>>) src(%arg18 : memref<100x16xf32, #tpu.memory_space<vmem>>) dst(%dma_wait3A_272 : memref<10000x16xf32, #tpu.memory_space<vmem_shared>>)
        tpu.yield
      }) : () -> ()
      %add3A_253 = arith.constant 10 : i32
      %add3A_254 = arith.addi %add3A_246, %add3A_253 : i32
      %lt3A_255 = arith.constant 100 : i32
      %lt3A_256 = arith.cmpi slt, %add3A_254, %lt3A_255 : i32
      %convert_element_type3A_257 = arith.extui %lt3A_256 : i1 to i32
      %cond3A_258 = arith.constant 0 : i32
      %cond3A_259 = arith.cmpi ne, %convert_element_type3A_257, %cond3A_258 : i32
      scf.if %cond3A_259 {
        %add3A_261 = arith.constant 10 : i32
        %add3A_262 = arith.addi %add3A_246, %add3A_261 : i32
        %dma_start3A_263 = arith.constant 0 : i32
        %dma_start3A_264 = tpu.memref_slice %arg6[%add3A_262, %dma_start3A_263] : memref<100x100xi32, #tpu.memory_space<vmem>> -> memref<1x100xi32, #tpu.memory_space<vmem>>
        %dma_start3A_265 = tpu.memref_squeeze %dma_start3A_264 : memref<1x100xi32, #tpu.memory_space<vmem>> -> memref<100xi32, #tpu.memory_space<vmem>>
        %dma_start3A_266 = arith.constant 0 : i32
        %dma_start3A_267 = arith.constant 0 : i32
        %dma_start3A_268 = tpu.memref_slice %arg2[%dma_start3A_266, %dma_start3A_267] : memref<10000x16xf32, #tpu.memory_space<hbm>> -> memref<10000x16xf32, #tpu.memory_space<hbm>>
        tpu.enqueue_indirect_dma source(%dma_start3A_268 : memref<10000x16xf32, #tpu.memory_space<hbm>>) target(%arg18 : memref<100x16xf32, #tpu.memory_space<vmem>>) offsets(%dma_start3A_265 : memref<100xi32, #tpu.memory_space<vmem>>) semaphore(%arg28 : memref<!tpu.dma_semaphore, #tpu.memory_space<semaphore_mem>>)
      } else {
      }
      %scan3A_260 = arith.constant 0 : i32
      scf.yield %scan3A_260 : i32
    }
    %scan3A_101 = arith.constant 10 : i32
    %barrier3A_102 = arith.constant 0 : index
    tpu.barrier barrier_id(%barrier3A_102)
    "tpu.region"() ({
      %run_scoped3A = tpu.sem_alloc : memref<!tpu.dma_semaphore, #tpu.memory_space<semaphore_mem>>
      %dma_start3A_108 = arith.constant 0 : i32
      %dma_start3A_109 = tpu.memref_slice %arg5[%arg0, %mul3A_9, %dma_start3A_108] : memref<2x10000x16xf32, #tpu.memory_space<hbm>> -> memref<1x624x16xf32, #tpu.memory_space<hbm>>
      %dma_start3A_110 = tpu.memref_squeeze %dma_start3A_109 : memref<1x624x16xf32, #tpu.memory_space<hbm>> -> memref<624x16xf32, #tpu.memory_space<hbm>>
      %dma_start3A_111 = arith.constant 0 : i32
      %dma_start3A_112 = tpu.memref_slice %arg8[%mul3A_9, %dma_start3A_111] : memref<10000x16xf32, #tpu.memory_space<vmem_shared>> -> memref<624x16xf32, #tpu.memory_space<vmem_shared>>
      tpu.enqueue_dma source(%dma_start3A_112 : memref<624x16xf32, #tpu.memory_space<vmem_shared>>) target(%dma_start3A_110 : memref<624x16xf32, #tpu.memory_space<hbm>>) target_semaphore(%run_scoped3A : memref<!tpu.dma_semaphore, #tpu.memory_space<semaphore_mem>>)
      %dma_wait3A = arith.constant 0 : i32
      %dma_wait3A_113 = tpu.memref_slice %arg5[%arg0, %mul3A_9, %dma_wait3A] : memref<2x10000x16xf32, #tpu.memory_space<hbm>> -> memref<1x624x16xf32, #tpu.memory_space<hbm>>
      %dma_wait3A_114 = tpu.memref_squeeze %dma_wait3A_113 : memref<1x624x16xf32, #tpu.memory_space<hbm>> -> memref<624x16xf32, #tpu.memory_space<hbm>>
      %dma_wait3A_115 = arith.constant 0 : i32
      %dma_wait3A_116 = tpu.memref_slice %arg8[%mul3A_9, %dma_wait3A_115] : memref<10000x16xf32, #tpu.memory_space<vmem_shared>> -> memref<624x16xf32, #tpu.memory_space<vmem_shared>>
      tpu.wait_dma2 semaphore(%run_scoped3A : memref<!tpu.dma_semaphore, #tpu.memory_space<semaphore_mem>>) src(%dma_wait3A_116 : memref<624x16xf32, #tpu.memory_space<vmem_shared>>) dst(%dma_wait3A_114 : memref<624x16xf32, #tpu.memory_space<hbm>>)
      tpu.yield
    }) : () -> ()
    %eq3A_103 = arith.constant 15 : i32
    %eq3A_104 = arith.cmpi eq, %arg1, %eq3A_103 : i32
    %convert_element_type3A_105 = arith.extui %eq3A_104 : i1 to i32
    %cond3A_106 = arith.constant 0 : i32
    %cond3A_107 = arith.cmpi ne, %convert_element_type3A_105, %cond3A_106 : i32
    scf.if %cond3A_107 {
      "tpu.region"() ({
        %run_scoped3A = tpu.sem_alloc : memref<!tpu.dma_semaphore, #tpu.memory_space<semaphore_mem>>
        %dma_start3A_108 = arith.constant 9984 : i32
        %dma_start3A_109 = arith.constant 0 : i32
        %dma_start3A_110 = tpu.memref_slice %arg5[%arg0, %dma_start3A_108, %dma_start3A_109] : memref<2x10000x16xf32, #tpu.memory_space<hbm>> -> memref<1x16x16xf32, #tpu.memory_space<hbm>>
        %dma_start3A_111 = tpu.memref_squeeze %dma_start3A_110 : memref<1x16x16xf32, #tpu.memory_space<hbm>> -> memref<16x16xf32, #tpu.memory_space<hbm>>
        %dma_start3A_112 = arith.constant 9984 : i32
        %dma_start3A_113 = arith.constant 0 : i32
        %dma_start3A_114 = tpu.memref_slice %arg8[%dma_start3A_112, %dma_start3A_113] : memref<10000x16xf32, #tpu.memory_space<vmem_shared>> -> memref<16x16xf32, #tpu.memory_space<vmem_shared>>
        tpu.enqueue_dma source(%dma_start3A_114 : memref<16x16xf32, #tpu.memory_space<vmem_shared>>) target(%dma_start3A_111 : memref<16x16xf32, #tpu.memory_space<hbm>>) target_semaphore(%run_scoped3A : memref<!tpu.dma_semaphore, #tpu.memory_space<semaphore_mem>>)
        %dma_wait3A = arith.constant 9984 : i32
        %dma_wait3A_115 = arith.constant 0 : i32
        %dma_wait3A_116 = tpu.memref_slice %arg5[%arg0, %dma_wait3A, %dma_wait3A_115] : memref<2x10000x16xf32, #tpu.memory_space<hbm>> -> memref<1x16x16xf32, #tpu.memory_space<hbm>>
        %dma_wait3A_117 = tpu.memref_squeeze %dma_wait3A_116 : memref<1x16x16xf32, #tpu.memory_space<hbm>> -> memref<16x16xf32, #tpu.memory_space<hbm>>
        %dma_wait3A_118 = arith.constant 9984 : i32
        %dma_wait3A_119 = arith.constant 0 : i32
        %dma_wait3A_120 = tpu.memref_slice %arg8[%dma_wait3A_118, %dma_wait3A_119] : memref<10000x16xf32, #tpu.memory_space<vmem_shared>> -> memref<16x16xf32, #tpu.memory_space<vmem_shared>>
        tpu.wait_dma2 semaphore(%run_scoped3A : memref<!tpu.dma_semaphore, #tpu.memory_space<semaphore_mem>>) src(%dma_wait3A_120 : memref<16x16xf32, #tpu.memory_space<vmem_shared>>) dst(%dma_wait3A_117 : memref<16x16xf32, #tpu.memory_space<hbm>>)
        tpu.yield
      }) : () -> ()
    } else {
    }
    return
  }
}

#map = affine_map<(d0, d1) -> (0)>
#map1 = affine_map<(d0, d1) -> (0, 0)>
module attributes {stable_mosaic.version = 14 : i64} {
  func.func @_deg_body(%arg0: i32, %arg1: i32, %arg2: memref<320000xi32, #tpu.memory_space<hbm>>, %arg3: memref<320000xi32, #tpu.memory_space<hbm>>, %arg4: memref<32x10000xf32, #tpu.memory_space<hbm>>, %arg5: memref<32x10000xf32, #tpu.memory_space<hbm>>, %arg6: memref<10000xi32, #tpu.memory_space<vmem>>, %arg7: memref<10000xf32, #tpu.memory_space<vmem>>, %arg8: memref<10000xf32, #tpu.memory_space<vmem>>) attributes {dimension_semantics = [#tpu.dimension_semantics<core_parallel>, #tpu.dimension_semantics<subcore_parallel>], iteration_bounds = array<i64: 2, 16>, scalar_prefetch = 0 : i64, scratch_operands = 3 : i64, tpu.core_type = #tpu.core_type<sc_vector_subcore>, window_params = [{transform_indices = #map}, {transform_indices = #map}, {transform_indices = #map1}, {transform_indices = #map1}]} {
    %mul3A = arith.constant 2 : i32
    %mul3A_0 = arith.muli %arg1, %mul3A : i32
    %add3A = arith.addi %mul3A_0, %arg0 : i32
    %broadcast_in_dim3A = arith.constant 0.000000e+00 : f32
    %broadcast_in_dim3A_1 = vector.broadcast %broadcast_in_dim3A : f32 to vector<16xf32>
    %broadcast_in_dim3A_2 = arith.constant 1.000000e+00 : f32
    %broadcast_in_dim3A_3 = vector.broadcast %broadcast_in_dim3A_2 : f32 to vector<16xf32>
    %scan3A = arith.constant 0 : i32
    %scan3A_4 = arith.constant 0 : i32
    %scan3A_5 = arith.constant 625 : i32
    %scan3A_6 = arith.addi %scan3A_4, %scan3A_5 : i32
    %scan3A_7 = arith.constant 1 : i32
    %scan3A_8 = scf.for %scan3A_28 = %scan3A_4 to %scan3A_6 step %scan3A_7 iter_args(%scan3A_29 = %scan3A) -> (i32)  : i32 {
      %mul3A_30 = arith.constant 16 : i32
      %mul3A_31 = arith.muli %scan3A_28, %mul3A_30 : i32
      %swap3A = arith.index_cast %mul3A_31 : i32 to index
      %swap3A_32 = tpu.vector_load %arg7[%swap3A] {strides = array<i32>} : memref<10000xf32, #tpu.memory_space<vmem>>, vector<16xf32>,
      tpu.vector_store %arg7[%swap3A], %broadcast_in_dim3A_1 {strides = array<i32>} : memref<10000xf32, #tpu.memory_space<vmem>>, vector<16xf32>,
      %mul3A_33 = arith.constant 16 : i32
      %mul3A_34 = arith.muli %scan3A_28, %mul3A_33 : i32
      %swap3A_35 = arith.index_cast %mul3A_34 : i32 to index
      %swap3A_36 = tpu.vector_load %arg8[%swap3A_35] {strides = array<i32>} : memref<10000xf32, #tpu.memory_space<vmem>>, vector<16xf32>,
      tpu.vector_store %arg8[%swap3A_35], %broadcast_in_dim3A_1 {strides = array<i32>} : memref<10000xf32, #tpu.memory_space<vmem>>, vector<16xf32>,
      %scan3A_37 = arith.constant 0 : i32
      scf.yield %scan3A_37 : i32
    }
    %scan3A_9 = arith.constant 625 : i32
    %mul3A_10 = arith.constant 10000 : i32
    %mul3A_11 = arith.muli %add3A, %mul3A_10 : i32
    "tpu.region"() ({
      %run_scoped3A = tpu.sem_alloc : memref<!tpu.dma_semaphore, #tpu.memory_space<semaphore_mem>>
      %dma_start3A = tpu.memref_slice %arg2[%mul3A_11] : memref<320000xi32, #tpu.memory_space<hbm>> -> memref<10000xi32, #tpu.memory_space<hbm>>
      %dma_start3A_28 = tpu.memref_slice %arg2[%mul3A_11] : memref<320000xi32, #tpu.memory_space<hbm>> -> memref<10000xi32, #tpu.memory_space<hbm>>
      tpu.enqueue_dma source(%dma_start3A_28 : memref<10000xi32, #tpu.memory_space<hbm>>) target(%arg6 : memref<10000xi32, #tpu.memory_space<vmem>>) target_semaphore(%run_scoped3A : memref<!tpu.dma_semaphore, #tpu.memory_space<semaphore_mem>>)
      %dma_wait3A = tpu.memref_slice %arg2[%mul3A_11] : memref<320000xi32, #tpu.memory_space<hbm>> -> memref<10000xi32, #tpu.memory_space<hbm>>
      %dma_wait3A_29 = tpu.memref_slice %arg2[%mul3A_11] : memref<320000xi32, #tpu.memory_space<hbm>> -> memref<10000xi32, #tpu.memory_space<hbm>>
      tpu.wait_dma2 semaphore(%run_scoped3A : memref<!tpu.dma_semaphore, #tpu.memory_space<semaphore_mem>>) src(%dma_wait3A_29 : memref<10000xi32, #tpu.memory_space<hbm>>) dst(%arg6 : memref<10000xi32, #tpu.memory_space<vmem>>)
      tpu.yield
    }) : () -> ()
    %scan3A_12 = arith.constant 0 : i32
    %scan3A_13 = arith.constant 0 : i32
    %scan3A_14 = arith.constant 625 : i32
    %scan3A_15 = arith.addi %scan3A_13, %scan3A_14 : i32
    %scan3A_16 = arith.constant 1 : i32
    %scan3A_17 = scf.for %scan3A_28 = %scan3A_13 to %scan3A_15 step %scan3A_16 iter_args(%scan3A_29 = %scan3A_12) -> (i32)  : i32 {
      %mul3A_30 = arith.constant 16 : i32
      %mul3A_31 = arith.muli %scan3A_28, %mul3A_30 : i32
      %get3A = arith.index_cast %mul3A_31 : i32 to index
      %get3A_32 = tpu.vector_load %arg6[%get3A] {strides = array<i32>} : memref<10000xi32, #tpu.memory_space<vmem>>, vector<16xi32>,
      tpu.vector_store_idx %arg7[%get3A_32], %broadcast_in_dim3A_3 {add = true} : memref<10000xf32, #tpu.memory_space<vmem>>[vector<16xi32>], vector<16xf32>,
      %scan3A_33 = arith.constant 0 : i32
      scf.yield %scan3A_33 : i32
    }
    %scan3A_18 = arith.constant 625 : i32
    %mul3A_19 = arith.constant 10000 : i32
    %mul3A_20 = arith.muli %add3A, %mul3A_19 : i32
    "tpu.region"() ({
      %run_scoped3A = tpu.sem_alloc : memref<!tpu.dma_semaphore, #tpu.memory_space<semaphore_mem>>
      %dma_start3A = tpu.memref_slice %arg3[%mul3A_20] : memref<320000xi32, #tpu.memory_space<hbm>> -> memref<10000xi32, #tpu.memory_space<hbm>>
      %dma_start3A_28 = tpu.memref_slice %arg3[%mul3A_20] : memref<320000xi32, #tpu.memory_space<hbm>> -> memref<10000xi32, #tpu.memory_space<hbm>>
      tpu.enqueue_dma source(%dma_start3A_28 : memref<10000xi32, #tpu.memory_space<hbm>>) target(%arg6 : memref<10000xi32, #tpu.memory_space<vmem>>) target_semaphore(%run_scoped3A : memref<!tpu.dma_semaphore, #tpu.memory_space<semaphore_mem>>)
      %dma_wait3A = tpu.memref_slice %arg3[%mul3A_20] : memref<320000xi32, #tpu.memory_space<hbm>> -> memref<10000xi32, #tpu.memory_space<hbm>>
      %dma_wait3A_29 = tpu.memref_slice %arg3[%mul3A_20] : memref<320000xi32, #tpu.memory_space<hbm>> -> memref<10000xi32, #tpu.memory_space<hbm>>
      tpu.wait_dma2 semaphore(%run_scoped3A : memref<!tpu.dma_semaphore, #tpu.memory_space<semaphore_mem>>) src(%dma_wait3A_29 : memref<10000xi32, #tpu.memory_space<hbm>>) dst(%arg6 : memref<10000xi32, #tpu.memory_space<vmem>>)
      tpu.yield
    }) : () -> ()
    %scan3A_21 = arith.constant 0 : i32
    %scan3A_22 = arith.constant 0 : i32
    %scan3A_23 = arith.constant 625 : i32
    %scan3A_24 = arith.addi %scan3A_22, %scan3A_23 : i32
    %scan3A_25 = arith.constant 1 : i32
    %scan3A_26 = scf.for %scan3A_28 = %scan3A_22 to %scan3A_24 step %scan3A_25 iter_args(%scan3A_29 = %scan3A_21) -> (i32)  : i32 {
      %mul3A_30 = arith.constant 16 : i32
      %mul3A_31 = arith.muli %scan3A_28, %mul3A_30 : i32
      %get3A = arith.index_cast %mul3A_31 : i32 to index
      %get3A_32 = tpu.vector_load %arg6[%get3A] {strides = array<i32>} : memref<10000xi32, #tpu.memory_space<vmem>>, vector<16xi32>,
      tpu.vector_store_idx %arg8[%get3A_32], %broadcast_in_dim3A_3 {add = true} : memref<10000xf32, #tpu.memory_space<vmem>>[vector<16xi32>], vector<16xf32>,
      %scan3A_33 = arith.constant 0 : i32
      scf.yield %scan3A_33 : i32
    }
    %scan3A_27 = arith.constant 625 : i32
    "tpu.region"() ({
      %run_scoped3A = tpu.sem_alloc : memref<!tpu.dma_semaphore, #tpu.memory_space<semaphore_mem>>
      %dma_start3A = arith.constant 0 : i32
      %dma_start3A_28 = tpu.memref_slice %arg4[%add3A, %dma_start3A] : memref<32x10000xf32, #tpu.memory_space<hbm>> -> memref<1x10000xf32, #tpu.memory_space<hbm>>
      %dma_start3A_29 = tpu.memref_squeeze %dma_start3A_28 : memref<1x10000xf32, #tpu.memory_space<hbm>> -> memref<10000xf32, #tpu.memory_space<hbm>>
      %dma_start3A_30 = arith.constant 0 : i32
      %dma_start3A_31 = tpu.memref_slice %arg4[%add3A, %dma_start3A_30] : memref<32x10000xf32, #tpu.memory_space<hbm>> -> memref<1x10000xf32, #tpu.memory_space<hbm>>
      %dma_start3A_32 = tpu.memref_squeeze %dma_start3A_31 : memref<1x10000xf32, #tpu.memory_space<hbm>> -> memref<10000xf32, #tpu.memory_space<hbm>>
      tpu.enqueue_dma source(%arg7 : memref<10000xf32, #tpu.memory_space<vmem>>) target(%dma_start3A_32 : memref<10000xf32, #tpu.memory_space<hbm>>) target_semaphore(%run_scoped3A : memref<!tpu.dma_semaphore, #tpu.memory_space<semaphore_mem>>)
      %dma_wait3A = arith.constant 0 : i32
      %dma_wait3A_33 = tpu.memref_slice %arg4[%add3A, %dma_wait3A] : memref<32x10000xf32, #tpu.memory_space<hbm>> -> memref<1x10000xf32, #tpu.memory_space<hbm>>
      %dma_wait3A_34 = tpu.memref_squeeze %dma_wait3A_33 : memref<1x10000xf32, #tpu.memory_space<hbm>> -> memref<10000xf32, #tpu.memory_space<hbm>>
      %dma_wait3A_35 = arith.constant 0 : i32
      %dma_wait3A_36 = tpu.memref_slice %arg4[%add3A, %dma_wait3A_35] : memref<32x10000xf32, #tpu.memory_space<hbm>> -> memref<1x10000xf32, #tpu.memory_space<hbm>>
      %dma_wait3A_37 = tpu.memref_squeeze %dma_wait3A_36 : memref<1x10000xf32, #tpu.memory_space<hbm>> -> memref<10000xf32, #tpu.memory_space<hbm>>
      tpu.wait_dma2 semaphore(%run_scoped3A : memref<!tpu.dma_semaphore, #tpu.memory_space<semaphore_mem>>) src(%arg7 : memref<10000xf32, #tpu.memory_space<vmem>>) dst(%dma_wait3A_37 : memref<10000xf32, #tpu.memory_space<hbm>>)
      tpu.yield
    }) : () -> ()
    "tpu.region"() ({
      %run_scoped3A = tpu.sem_alloc : memref<!tpu.dma_semaphore, #tpu.memory_space<semaphore_mem>>
      %dma_start3A = arith.constant 0 : i32
      %dma_start3A_28 = tpu.memref_slice %arg5[%add3A, %dma_start3A] : memref<32x10000xf32, #tpu.memory_space<hbm>> -> memref<1x10000xf32, #tpu.memory_space<hbm>>
      %dma_start3A_29 = tpu.memref_squeeze %dma_start3A_28 : memref<1x10000xf32, #tpu.memory_space<hbm>> -> memref<10000xf32, #tpu.memory_space<hbm>>
      %dma_start3A_30 = arith.constant 0 : i32
      %dma_start3A_31 = tpu.memref_slice %arg5[%add3A, %dma_start3A_30] : memref<32x10000xf32, #tpu.memory_space<hbm>> -> memref<1x10000xf32, #tpu.memory_space<hbm>>
      %dma_start3A_32 = tpu.memref_squeeze %dma_start3A_31 : memref<1x10000xf32, #tpu.memory_space<hbm>> -> memref<10000xf32, #tpu.memory_space<hbm>>
      tpu.enqueue_dma source(%arg8 : memref<10000xf32, #tpu.memory_space<vmem>>) target(%dma_start3A_32 : memref<10000xf32, #tpu.memory_space<hbm>>) target_semaphore(%run_scoped3A : memref<!tpu.dma_semaphore, #tpu.memory_space<semaphore_mem>>)
      %dma_wait3A = arith.constant 0 : i32
      %dma_wait3A_33 = tpu.memref_slice %arg5[%add3A, %dma_wait3A] : memref<32x10000xf32, #tpu.memory_space<hbm>> -> memref<1x10000xf32, #tpu.memory_space<hbm>>
      %dma_wait3A_34 = tpu.memref_squeeze %dma_wait3A_33 : memref<1x10000xf32, #tpu.memory_space<hbm>> -> memref<10000xf32, #tpu.memory_space<hbm>>
      %dma_wait3A_35 = arith.constant 0 : i32
      %dma_wait3A_36 = tpu.memref_slice %arg5[%add3A, %dma_wait3A_35] : memref<32x10000xf32, #tpu.memory_space<hbm>> -> memref<1x10000xf32, #tpu.memory_space<hbm>>
      %dma_wait3A_37 = tpu.memref_squeeze %dma_wait3A_36 : memref<1x10000xf32, #tpu.memory_space<hbm>> -> memref<10000xf32, #tpu.memory_space<hbm>>
      tpu.wait_dma2 semaphore(%run_scoped3A : memref<!tpu.dma_semaphore, #tpu.memory_space<semaphore_mem>>) src(%arg8 : memref<10000xf32, #tpu.memory_space<vmem>>) dst(%dma_wait3A_37 : memref<10000xf32, #tpu.memory_space<hbm>>)
      tpu.yield
    }) : () -> ()
    return
  }
}

module attributes {stable_mosaic.version = 14 : i64} {
  func.func @body(%arg0: memref<32x10000xf32, #tpu.memory_space<vmem>>, %arg1: memref<32x10000xf32, #tpu.memory_space<vmem>>, %arg2: memref<10000x128xf32, #tpu.memory_space<vmem>>, %arg3: memref<128x128xf32, #tpu.memory_space<vmem>>, %arg4: memref<10000x128xf32, #tpu.memory_space<vmem>>, %arg5: memref<10000xf32, #tpu.memory_space<vmem>>, %arg6: memref<10000xf32, #tpu.memory_space<vmem>>) attributes {dimension_semantics = [], scalar_prefetch = 0 : i64, scratch_operands = 0 : i64, tpu.core_type = #tpu.core_type<tc>} {
    %get3A = arith.constant 0 : index
    %get3A_0 = arith.constant 0 : index
    %get3A_1 = vector.load %arg0[%get3A, %get3A_0] : memref<32x10000xf32, #tpu.memory_space<vmem>>, vector<32x10000xf32>
    %reduce_sum3A = arith.constant dense<0.000000e+00> : vector<10000xf32>
    %reduce_sum3A_2 = vector.multi_reduction <add>, %get3A_1, %reduce_sum3A [0] : vector<32x10000xf32> to vector<10000xf32>
    %get3A_3 = arith.constant 0 : index
    %get3A_4 = arith.constant 0 : index
    %get3A_5 = vector.load %arg1[%get3A_3, %get3A_4] : memref<32x10000xf32, #tpu.memory_space<vmem>>, vector<32x10000xf32>
    %reduce_sum3A_6 = arith.constant dense<0.000000e+00> : vector<10000xf32>
    %reduce_sum3A_7 = vector.multi_reduction <add>, %get3A_5, %reduce_sum3A_6 [0] : vector<32x10000xf32> to vector<10000xf32>
    %gt3A = arith.constant 0.000000e+00 : f32
    %gt3A_8 = vector.broadcast %gt3A : f32 to vector<10000xf32>
    %gt3A_9 = arith.cmpf ogt, %reduce_sum3A_2, %gt3A_8 : vector<10000xf32>
    %max3A = arith.constant 1.000000e+00 : f32
    %max3A_10 = vector.broadcast %max3A : f32 to vector<10000xf32>
    %max3A_11 = arith.maximumf %reduce_sum3A_2, %max3A_10 : vector<10000xf32>
    %rsqrt3A = math.rsqrt %max3A_11 : vector<10000xf32>
    %jit3A = arith.constant 0.000000e+00 : f32
    %broadcast_in_dim3A = vector.broadcast %jit3A : f32 to vector<10000xf32>
    %select_n3A = arith.select %gt3A_9, %rsqrt3A, %broadcast_in_dim3A : vector<10000xi1>, vector<10000xf32>
    %gt3A_12 = arith.constant 0.000000e+00 : f32
    %gt3A_13 = vector.broadcast %gt3A_12 : f32 to vector<10000xf32>
    %gt3A_14 = arith.cmpf ogt, %reduce_sum3A_7, %gt3A_13 : vector<10000xf32>
    %max3A_15 = arith.constant 1.000000e+00 : f32
    %max3A_16 = vector.broadcast %max3A_15 : f32 to vector<10000xf32>
    %max3A_17 = arith.maximumf %reduce_sum3A_7, %max3A_16 : vector<10000xf32>
    %rsqrt3A_18 = math.rsqrt %max3A_17 : vector<10000xf32>
    %jit3A_19 = arith.constant 0.000000e+00 : f32
    %broadcast_in_dim3A_20 = vector.broadcast %jit3A_19 : f32 to vector<10000xf32>
    %select_n3A_21 = arith.select %gt3A_14, %rsqrt3A_18, %broadcast_in_dim3A_20 : vector<10000xi1>, vector<10000xf32>
    %swap3A = arith.constant 0 : index
    %swap3A_22 = vector.load %arg5[%swap3A] : memref<10000xf32, #tpu.memory_space<vmem>>, vector<10000xf32>
    tpu.vector_store %arg5[%swap3A], %select_n3A {strides = array<i32>} : memref<10000xf32, #tpu.memory_space<vmem>>, vector<10000xf32>,
    %swap3A_23 = arith.constant 0 : index
    %swap3A_24 = vector.load %arg6[%swap3A_23] : memref<10000xf32, #tpu.memory_space<vmem>>, vector<10000xf32>
    tpu.vector_store %arg6[%swap3A_23], %select_n3A_21 {strides = array<i32>} : memref<10000xf32, #tpu.memory_space<vmem>>, vector<10000xf32>,
    %get3A_25 = arith.constant 0 : index
    %get3A_26 = arith.constant 0 : index
    %get3A_27 = vector.load %arg2[%get3A_25, %get3A_26] : memref<10000x128xf32, #tpu.memory_space<vmem>>, vector<10000x128xf32>
    %broadcast_in_dim3A_28 = vector.shape_cast %select_n3A : vector<10000xf32> to vector<10000x1xf32>
    %mul3A = vector.broadcast %broadcast_in_dim3A_28 : vector<10000x1xf32> to vector<10000x128xf32>
    %mul3A_29 = arith.mulf %get3A_27, %mul3A : vector<10000x128xf32>
    %get3A_30 = arith.constant 0 : index
    %get3A_31 = arith.constant 0 : index
    %get3A_32 = vector.load %arg3[%get3A_30, %get3A_31] : memref<128x128xf32, #tpu.memory_space<vmem>>, vector<128x128xf32>
    %dot_general3A = arith.constant dense<0.000000e+00> : vector<10000x128xf32>
    %dot_general3A_33 = tpu.matmul %mul3A_29, %get3A_32, %dot_general3A {dimension_numbers = #tpu.dot_dimension_numbers<[1], [0], [0], [1], [0, 0, 1, 1], [], []>, precision = #tpu.contract_precision<fp32>, transpose_lhs_hint = false} : vector<10000x128xf32>, vector<128x128xf32>, vector<10000x128xf32> -> vector<10000x128xf32>
    %swap3A_34 = arith.constant 0 : index
    %swap3A_35 = arith.constant 0 : index
    %swap3A_36 = vector.load %arg4[%swap3A_34, %swap3A_35] : memref<10000x128xf32, #tpu.memory_space<vmem>>, vector<10000x128xf32>
    tpu.vector_store %arg4[%swap3A_34, %swap3A_35], %dot_general3A_33 {strides = array<i32>} : memref<10000x128xf32, #tpu.memory_space<vmem>>, vector<10000x128xf32>,
    return
  }
}

module attributes {stable_mosaic.version = 14 : i64} {
  func.func @body(%arg0: memref<2x10000x128xf32, #tpu.memory_space<vmem>>, %arg1: memref<10000xf32, #tpu.memory_space<vmem>>, %arg2: memref<128xf32, #tpu.memory_space<vmem>>, %arg3: memref<10000xf32, #tpu.memory_space<vmem>>, %arg4: memref<128x16xf32, #tpu.memory_space<vmem>>, %arg5: memref<10000x16xf32, #tpu.memory_space<vmem>>) attributes {dimension_semantics = [], scalar_prefetch = 0 : i64, scratch_operands = 0 : i64, tpu.core_type = #tpu.core_type<tc>} {
    %get3A = arith.constant 0 : index
    %get3A_0 = arith.constant 0 : index
    %get3A_1 = arith.constant 0 : index
    %get3A_2 = vector.load %arg0[%get3A, %get3A_0, %get3A_1] : memref<2x10000x128xf32, #tpu.memory_space<vmem>>, vector<1x10000x128xf32>
    %get3A_3 = vector.shape_cast %get3A_2 : vector<1x10000x128xf32> to vector<10000x128xf32>
    %get3A_4 = arith.constant 1 : index
    %get3A_5 = arith.constant 0 : index
    %get3A_6 = arith.constant 0 : index
    %get3A_7 = vector.load %arg0[%get3A_4, %get3A_5, %get3A_6] : memref<2x10000x128xf32, #tpu.memory_space<vmem>>, vector<1x10000x128xf32>
    %get3A_8 = vector.shape_cast %get3A_7 : vector<1x10000x128xf32> to vector<10000x128xf32>
    %add3A = arith.addf %get3A_3, %get3A_8 : vector<10000x128xf32>
    %get3A_9 = arith.constant 0 : index
    %get3A_10 = vector.load %arg1[%get3A_9] : memref<10000xf32, #tpu.memory_space<vmem>>, vector<10000xf32>
    %broadcast_in_dim3A = vector.shape_cast %get3A_10 : vector<10000xf32> to vector<10000x1xf32>
    %mul3A = vector.broadcast %broadcast_in_dim3A : vector<10000x1xf32> to vector<10000x128xf32>
    %mul3A_11 = arith.mulf %add3A, %mul3A : vector<10000x128xf32>
    %get3A_12 = arith.constant 0 : index
    %get3A_13 = vector.load %arg2[%get3A_12] : memref<128xf32, #tpu.memory_space<vmem>>, vector<128xf32>
    %broadcast_in_dim3A_14 = vector.shape_cast %get3A_13 : vector<128xf32> to vector<1x128xf32>
    %add3A_15 = vector.broadcast %broadcast_in_dim3A_14 : vector<1x128xf32> to vector<10000x128xf32>
    %add3A_16 = arith.addf %mul3A_11, %add3A_15 : vector<10000x128xf32>
    %max3A = arith.constant 0.000000e+00 : f32
    %max3A_17 = vector.broadcast %max3A : f32 to vector<10000x128xf32>
    %max3A_18 = arith.maximumf %add3A_16, %max3A_17 : vector<10000x128xf32>
    %get3A_19 = arith.constant 0 : index
    %get3A_20 = vector.load %arg3[%get3A_19] : memref<10000xf32, #tpu.memory_space<vmem>>, vector<10000xf32>
    %broadcast_in_dim3A_21 = vector.shape_cast %get3A_20 : vector<10000xf32> to vector<10000x1xf32>
    %mul3A_22 = vector.broadcast %broadcast_in_dim3A_21 : vector<10000x1xf32> to vector<10000x128xf32>
    %mul3A_23 = arith.mulf %max3A_18, %mul3A_22 : vector<10000x128xf32>
    %get3A_24 = arith.constant 0 : index
    %get3A_25 = arith.constant 0 : index
    %get3A_26 = vector.load %arg4[%get3A_24, %get3A_25] : memref<128x16xf32, #tpu.memory_space<vmem>>, vector<128x16xf32>
    %dot_general3A = arith.constant dense<0.000000e+00> : vector<10000x16xf32>
    %dot_general3A_27 = tpu.matmul %mul3A_23, %get3A_26, %dot_general3A {dimension_numbers = #tpu.dot_dimension_numbers<[1], [0], [0], [1], [0, 0, 1, 1], [], []>, precision = #tpu.contract_precision<fp32>, transpose_lhs_hint = false} : vector<10000x128xf32>, vector<128x16xf32>, vector<10000x16xf32> -> vector<10000x16xf32>
    %swap3A = arith.constant 0 : index
    %swap3A_28 = arith.constant 0 : index
    %swap3A_29 = vector.load %arg5[%swap3A, %swap3A_28] : memref<10000x16xf32, #tpu.memory_space<vmem>>, vector<10000x16xf32>
    tpu.vector_store %arg5[%swap3A, %swap3A_28], %dot_general3A_27 {strides = array<i32>} : memref<10000x16xf32, #tpu.memory_space<vmem>>, vector<10000x16xf32>,
    return
  }
}

module attributes {stable_mosaic.version = 14 : i64} {
  func.func @body(%arg0: memref<2x10000x16xf32, #tpu.memory_space<vmem>>, %arg1: memref<10000xf32, #tpu.memory_space<vmem>>, %arg2: memref<16xf32, #tpu.memory_space<vmem>>, %arg3: memref<10000x16xf32, #tpu.memory_space<vmem>>) attributes {dimension_semantics = [], scalar_prefetch = 0 : i64, scratch_operands = 0 : i64, tpu.core_type = #tpu.core_type<tc>} {
    %get3A = arith.constant 0 : index
    %get3A_0 = arith.constant 0 : index
    %get3A_1 = arith.constant 0 : index
    %get3A_2 = vector.load %arg0[%get3A, %get3A_0, %get3A_1] : memref<2x10000x16xf32, #tpu.memory_space<vmem>>, vector<1x10000x16xf32>
    %get3A_3 = vector.shape_cast %get3A_2 : vector<1x10000x16xf32> to vector<10000x16xf32>
    %get3A_4 = arith.constant 1 : index
    %get3A_5 = arith.constant 0 : index
    %get3A_6 = arith.constant 0 : index
    %get3A_7 = vector.load %arg0[%get3A_4, %get3A_5, %get3A_6] : memref<2x10000x16xf32, #tpu.memory_space<vmem>>, vector<1x10000x16xf32>
    %get3A_8 = vector.shape_cast %get3A_7 : vector<1x10000x16xf32> to vector<10000x16xf32>
    %add3A = arith.addf %get3A_3, %get3A_8 : vector<10000x16xf32>
    %get3A_9 = arith.constant 0 : index
    %get3A_10 = vector.load %arg1[%get3A_9] : memref<10000xf32, #tpu.memory_space<vmem>>, vector<10000xf32>
    %broadcast_in_dim3A = vector.shape_cast %get3A_10 : vector<10000xf32> to vector<10000x1xf32>
    %mul3A = vector.broadcast %broadcast_in_dim3A : vector<10000x1xf32> to vector<10000x16xf32>
    %mul3A_11 = arith.mulf %add3A, %mul3A : vector<10000x16xf32>
    %get3A_12 = arith.constant 0 : index
    %get3A_13 = vector.load %arg2[%get3A_12] : memref<16xf32, #tpu.memory_space<vmem>>, vector<16xf32>
    %broadcast_in_dim3A_14 = vector.shape_cast %get3A_13 : vector<16xf32> to vector<1x16xf32>
    %add3A_15 = vector.broadcast %broadcast_in_dim3A_14 : vector<1x16xf32> to vector<10000x16xf32>
    %add3A_16 = arith.addf %mul3A_11, %add3A_15 : vector<10000x16xf32>
    %logistic3A = arith.negf %add3A_16 : vector<10000x16xf32>
    %logistic3A_17 = math.exp %logistic3A : vector<10000x16xf32>
    %logistic3A_18 = arith.constant 1.000000e+00 : f32
    %logistic3A_19 = vector.broadcast %logistic3A_18 : f32 to vector<10000x16xf32>
    %logistic3A_20 = arith.addf %logistic3A_19, %logistic3A_17 : vector<10000x16xf32>
    %logistic3A_21 = arith.divf %logistic3A_19, %logistic3A_20 : vector<10000x16xf32>
    %swap3A = arith.constant 0 : index
    %swap3A_22 = arith.constant 0 : index
    %swap3A_23 = vector.load %arg3[%swap3A, %swap3A_22] : memref<10000x16xf32, #tpu.memory_space<vmem>>, vector<10000x16xf32>
    tpu.vector_store %arg3[%swap3A, %swap3A_22], %logistic3A_21 {strides = array<i32>} : memref<10000x16xf32, #tpu.memory_space<vmem>>, vector<10000x16xf32>,
    return
  }
}

</mosaic_0001>

<sc_bundles>
// kernel: kernel.11.cloned.1.call-start
scs
__scs_entry_jumppad:
0x0: {  	(pc) =	sbr.rel $0x88, $3  }
0x1: {  	(tag) =	ssettag $0x0;
	lr =	simm.s32 $0x1  }
0x2: {  	[smem:$0x3F9B] =	sst lr;
	_ =	strace $0xD0000000  }
0x3: {  	_ = 	snop  }
0x4: {  	_ = 	snop  }
0x5: {  	_ = 	snop  }
0x6: {  	_ = 	snop  }
0x7: {  	_ = 	snop  }
__scs_overlays_trampoline_lowered:
0x8: {  	[smem:$0x3FAA] =	sst s0  }
0x9: {  	[smem:$0x3FAB] =	sst s1  }
0xa: {  	[smem:$0x3FAC] =	sst s2  }
0xb: {  	[smem:$0x3FAD] =	sst s3  }
0xc: {  	[smem:$0x3FAE] =	sst s4  }
0xd: {  	[smem:$0x3FAF] =	sst s5  }
0xe: {  	[smem:$0x3FB0] =	sst s6  }
0xf: {  	[smem:$0x3FB1] =	sst s7  }
0x10: {  	[smem:$0x3FB2] =	sst s8  }
0x11: {  	[smem:$0x3FB3] =	sst s9;
	s0 =	simm.s32 @!p0 $0x0  }
0x12: {  	s1 =	sld [smem:$0x3F99];
	s0 =	simm.s32 @p0 $0x1  }
0x13: {  	[smem:$0x3FB4] =	sst s0;
	s0 =	simm.s32 @!p1 $0x0  }
0x14: {  	s2 =	sld [smem:$0x3F98];
	s0 =	simm.s32 @p1 $0x1  }
0x15: {  	[smem:$0x3FB5] =	sst s0;
	s0 =	simm.s32 @!p2 $0x0  }
0x16: {  	s3 =	sld [smem:$0x3FDB];
	s0 =	simm.s32 @p2 $0x1  }
0x17: {  	s4 =	simm.s32 $0x1BF5;
	[smem:$0x3FB7] =	sst s0  }
0x18: {  	s0 =	sld [smem:$0x3F9A];
	_ =	swait.ge [sflag:s4], $0x0  }
0x19: {  	s7 =	sld [smem:$0x3F9B]  }
0x1a: {  	s8 =	sadd.s32 $0xFFFFE003, lr  }
0x1b: {  	s9 =	sadd.s32 $0xFFFFFEF7, lr;
	s5 =	simm.s32 $0xFFFFFFFF;
	p2 =	slt.u32 s8, $0xFFFFF086  }
0x1c: {  	p1 =	slt.u32 s9, $0xF7A;
	s5 =	simm.s32 @!p2 $0x0  }
0x1d: {  	s5 =	simm.s32 @p1 $0x1;
	p0 =	seq.s32 s7, s2  }
0x1e: {  	s7 =	smul.u32 @!p0 $0xF7A, s2;
	p2 =	seq.s32 @!p0 s5, $0x0  }
0x1f: {  	s9 =	smul.u32 $0xF7A, s1;
	s8 =	simm.s32 @!p0 $0x1BF5;
	p2 =	por !p2, p0  }
0x20: {  	[sflag:s8] =	ssyncset.s32 @!p0 $0xFFFFF086;
	s6 =	sadd.s32 @!p0 s3, s7;
	s7 =	simm.s32 @!p0 $0x108  }
0x21: {  	s3 =	sadd.s32 s3, s9;
	s6 =	sadd.s32 @!p0 $0x88, s6;
	s7 =	simm.s32 @p2 $0x1082  }
0x22: {  	[simem:s7], [sflag:s8] =	dma.local @!p0 [hbm:s6], $0xF7A  }
0x23: {  	s9 =	sor.u32 $0xD0000000, s2;
	s6 =	simm.s32 $0x108;
	_ =	swait.ge @!p0 [sflag:s8], $0x0  }
0x24: {  	s3 =	sadd.s32 $0x88, s3;
	s6 =	simm.s32 @!p1 $0x1082;
	[sflag:s4] =	ssyncset.s32 $0xFFFFF086  }
0x25: {  	[simem:s6], [sflag:s4] =	dma.local [hbm:s3], $0xF7A  }
0x26: {  	[smem:$0x3F9B] =	sst s1;
	(tag) =	ssettag s2;
	_ =	strace s9  }
0x27: {  	s1 =	sld [smem:$0x3FAB]  }
0x28: {  	s2 =	sld [smem:$0x3FAC]  }
0x29: {  	s4 =	sld [smem:$0x3FAE]  }
0x2a: {  	p0 =	seq.s32 s5, $0x0;
	s5 =	sld [smem:$0x3FAF]  }
0x2b: {  	s6 =	sld [smem:$0x3FB0]  }
0x2c: {  	s7 =	sld [smem:$0x3FB1]  }
0x2d: {  	s3 =	simm.s32 $0x108;
	s8 =	sld [smem:$0x3FB2]  }
0x2e: {  	s3 =	simm.s32 @!p0 $0x1082;
	s9 =	sld [smem:$0x3FB3]  }
0x2f: {  	lr =	sadd.s32 s0, s3;
	s0 =	sld [smem:$0x3FAA]  }
0x30: {  	s3 =	sld [smem:$0x3FAD]  }
0x31: {  	[smem:$0x3FB6] =	sst s10  }
0x32: {  	s10 =	sld [smem:$0x3FB4];
	_ =	sdelay $0x3  }
0x33: {  	p0 =	seq.s32 s10, $0x1;
	s10 =	sld [smem:$0x3FB6];
	_ =	sdelay $0x3  }
0x34: {  	[smem:$0x3FB6] =	sst s10  }
0x35: {  	s10 =	sld [smem:$0x3FB5];
	_ =	sdelay $0x3  }
0x36: {  	p1 =	seq.s32 s10, $0x1;
	s10 =	sld [smem:$0x3FB6];
	_ =	sdelay $0x3  }
0x37: {  	[smem:$0x3FB6] =	sst s10  }
0x38: {  	s10 =	sld [smem:$0x3FB7]  }
0x39: {  	_ = 	snop;
	(pc) =	sbr.ind lr, $3  }
0x3a: {  	_ = 	snop  }
0x3b: {  	_ = 	snop  }
0x3c: {  	p2 =	seq.s32 s10, $0x1;
	s10 =	sld [smem:$0x3FB6]  }
0x3d: {  	_ =	shalt  }
0x3e: {  	_ =	shalt  }
0x3f: {  	_ =	shalt  }
0x40: {  	_ =	shalt  }
0x41: {  	_ =	shalt  }
0x42: {  	_ =	shalt  }
0x43: {  	_ =	shalt  }
0x44: {  	_ =	shalt  }
0x45: {  	_ =	shalt  }
0x46: {  	_ =	shalt  }
0x47: {  	_ =	shalt  }
0x48: {  	_ =	shalt  }
0x49: {  	_ =	shalt  }
0x4a: {  	_ =	shalt  }
0x4b: {  	_ =	shalt  }
0x4c: {  	_ =	shalt  }
0x4d: {  	_ =	shalt  }
0x4e: {  	_ =	shalt  }
0x4f: {  	_ =	shalt  }
0x50: {  	_ =	shalt  }
0x51: {  	_ =	shalt  }
0x52: {  	_ =	shalt  }
0x53: {  	_ =	shalt  }
0x54: {  	_ =	shalt  }
0x55: {  	_ =	shalt  }
0x56: {  	_ =	shalt  }
0x57: {  	_ =	shalt  }
0x58: {  	_ =	shalt  }
0x59: {  	_ =	shalt  }
0x5a: {  	_ =	shalt  }
0x5b: {  	_ =	shalt  }
0x5c: {  	_ =	shalt  }
0x5d: {  	_ =	shalt  }
0x5e: {  	_ =	shalt  }
0x5f: {  	_ =	shalt  }
0x60: {  	_ =	shalt  }
0x61: {  	_ =	shalt  }
0x62: {  	_ =	shalt  }
0x63: {  	_ =	shalt  }
0x64: {  	_ =	shalt  }
0x65: {  	_ =	shalt  }
0x66: {  	_ =	shalt  }
0x67: {  	_ =	shalt  }
0x68: {  	_ =	shalt  }
0x69: {  	_ =	shalt  }
0x6a: {  	_ =	shalt  }
0x6b: {  	_ =	shalt  }
0x6c: {  	_ =	shalt  }
0x6d: {  	_ =	shalt  }
0x6e: {  	_ =	shalt  }
0x6f: {  	_ =	shalt  }
0x70: {  	_ =	shalt  }
0x71: {  	_ =	shalt  }
0x72: {  	_ =	shalt  }
0x73: {  	_ =	shalt  }
0x74: {  	_ =	shalt  }
0x75: {  	_ =	shalt  }
0x76: {  	_ =	shalt  }
0x77: {  	_ =	shalt  }
0x78: {  	_ =	shalt  }
0x79: {  	_ =	shalt  }
0x7a: {  	_ =	shalt  }
0x7b: {  	_ =	shalt  }
0x7c: {  	_ =	shalt  }
0x7d: {  	_ =	shalt  }
0x7e: {  	_ =	shalt  }
0x7f: {  	_ =	shalt  }
0x80: {  	_ =	shalt  }
0x81: {  	_ =	shalt  }
0x82: {  	_ =	shalt  }
0x83: {  	_ =	shalt  }
0x84: {  	_ =	shalt  }
0x85: {  	_ =	shalt  }
0x86: {  	_ =	shalt  }
0x87: {  	_ =	shalt  }
.Lfunc_end0:
.L_simem_size_0:
called_computation.1_lowered:
.L_overlay_start_0:
0x88: {  	s2 =	sld [smem:$0x3FD9]  }
0x89: {  	s3 =	sld [smem:$0x3FFE];
	_ =	sdelay $0x1  }
0x8a: {  	s1 =	srdreg.scid  }
0x8b: {  	s0 =	sand.u32 $0x1, s1  }
0x8c: {  	s16 =	sshll.u32 s0, $0xA;
	s2 =	sadd.s32 s3, s2  }
0x8d: {  	s2 =	sadd.s32 s2, s16  }
0x8e: {  	[smem:$0x3FC2] =	sst s2  }
0x8f: {  	_ = 	snop  }
0x90: {  	(tm) =	ssettm $0x1  }
0x91: {  	s17 =	sld [smem:$0x3FFB];
	_ =	sdelay $0x3  }
0x92: {  	_ =	strace s17  }
0x93: {  	s2 =	sld [smem:$0x3FFC];
	_ =	sdelay $0x3  }
0x94: {  	_ =	strace s2  }
0x95: {  	s2 =	sld [smem:$0x3FFD];
	_ =	sdelay $0x3  }
0x96: {  	_ =	strace s2  }
0x97: {  	_ =	strace $0x8FFFFFFF  }
0x98: {  	s18 =	sld [smem:$0x3FDB];
	_ =	sdelay $0x1  }
0x99: {  	s19 =	simm.s32 $_scs_section_size  }
0x9a: {  	s4 =	simm.s32 $_size__tile_overlayer_lowered;
	s5 =	simm.s32 $_tile_overlayer_lowered  }
0x9b: {  	s22 =	simm.s32 $0x1BFF;
	s21 =	sshll.u32 s5, $0x1;
	s2 =	sadd.s32 s19, s18  }
0x9c: {  	s6 =	simm.s32 $0x0;
	s20 =	sshll.u32 s4, $0x1;
	s4 =	sadd.s32 s21, s2  }
0x9d: {  	[timem:s6], [sflag:s22] =	dma.local [hbm:s4], s20  }
0x9e: {  	_ =	swait.ge [sflag:s22], s20  }
0x9f: {  	s3 =	ssub.s32 $0x0, s20;
	[sflag:s22] =	ssyncset.done $0x0  }
0xa0: {  	[sflag:s22] =	ssyncadd.s32 s3;
	_ =	sdelay $0x1  }
0xa1: {  	s23 =	simm.s32 $0x1B8B  }
0xa2: {  	_ =	swait.ge [sflag:s23], $0x1  }
0xa3: {  	[sflag:s23] =	ssyncset.done $0x0  }
0xa4: {  	s25 =	simm.s32 $0x1B8E;
	s24 =	sld [smem:$0x3FFE];
	[sflag:s23] =	ssyncadd.s32 $0xFFFFFFFF  }
0xa5: {  	s26 =	simm.s32 $execute0_lowered;
	[smem:$0x3FD2] =	sst s25  }
0xa6: {  	s4 =	sshll.u32 s26, $0x1;
	_ =	strace $0x80000049;
	[dreg:$0x1] =	wrdreg $0xFFFFFFFF  }
0xa7: {  	s28 =	simm.s32 $_size_execute0_lowered;
	s2 =	sadd.s32 s2, s4;
	[dreg:$0x0] =	wrdreg $0x0  }
0xa8: {  	s4 =	sshll.u32 s28, $0x1;
	[dreg:$0x2] =	wrdreg s2  }
0xa9: {  	[dreg:$0x3] =	wrdreg s4  }
0xaa: {  	[dreg:$0x4] =	wrdreg $0xC0  }
0xab: {  	_ =	task [dreg:s6], $0x5FFFF  }
0xac: {  	[dreg:$0x1] =	wrdreg $0xFFFFFFFF  }
0xad: {  	[dreg:$0x0] =	wrdreg $0x60  }
0xae: {  	[dreg:$0x2] =	wrdreg s24  }
0xaf: {  	[dreg:$0x3] =	wrdreg $0x51400  }
0xb0: {  	[dreg:$0x4] =	wrdreg $0x9  }
0xb1: {  	_ =	task.clear_ibuf [dreg:s6], $0x5FFFF;
	_ =	strace $0x90000049  }
0xb2: {  	s29 =	simm.s32 $0x9;
	_ =	strace $0x8000004B  }
0xb3: {  	_ =	swait.ge [sflag:s29], $0x1  }
0xb4: {  	[sflag:s29] =	ssyncadd.s32 $0xFFFFFFFF  }
0xb5: {  	_ =	strace $0x9000004B  }
0xb6: {  	_ =	sfence  }
0xb7: {  	s30 =	sld [smem:$0x0];
	_ =	sdelay $0x2  }
0xb8: {  	s31 =	sshll.u32 s1, $0xD;
	s1 =	sshrl.u32 s1, $0x2  }
0xb9: {  	s3 =	sand.u32 $0x4000, s31;
	s1 =	sadd.s32 s1, s30  }
0xba: {  	s0 =	sor.u32 s3, s0;
	s1 =	sshll.u32 s1, $0x11  }
0xbb: {  	s0 =	sor.u32 s1, s0  }
0xbc: {  	s0 =	sadd.s32 $0x8F2B, s0  }
0xbd: {  	[sflag:s0] =	ssyncadd.remote.s32 $0x1  }
0xbe: {  	_ =	sfence.sel $0xFFFF  }
0xbf: {  	[dreg:$0x0] =	wrdreg $0xFFFFFFFF;
	(pc) =	sbr.abs _section_cstart, $3  }
0xc0: {  	[dreg:$0x1] =	wrdreg $0xFFFFFFFF  }
0xc1: {  	_ =	task.clear_ibuf [dreg:s6], $0x2FFFF;
	_ =	strace $0x9FFFFFFF  }
0xc2: {  	(tm) =	ssettm $0x7FFFFFFF  }
0xc3: {  	_ =	shalt  }
tec
execute0_lowered:
.L_overlay_start_1:
0x0: {  	(tag) =	ssettag $0x1  }
0x1: {  	s5 =	rddreg [dreg:$0x0]  }
0x2: {  	s1 =	srdreg.scid;
	s0 =	stileid.u32  }
0x3: {  	s2 =	rddreg [dreg:$0x1];
	s3 =	simm.s32 $0x0;
	s19 =	simm.s32 $0x28A0  }
0x4: {  	s20 =	simm.s32 $0x189C0;
	s21 =	simm.s32 $0x64;
	s22 =	simm.s32 $0x68  }
0x5: {  	s23 =	simm.s32 $0x1BBC0;
	s24 =	simm.s32 $0x1;
	s25 =	simm.s32 $0x2  }
0x6: {  	s26 =	simm.s32 $0x5070;
	s28 =	simm.s32 $0x50D8;
	s29 =	simm.s32 $0x0  }
0x7: {  	s10 =	sand.u32 $0x1, s1;
	s4 =	sshll.u32 s0, $0x1;
	s8 =	smul.u32 $0x4E000, s0  }
0x8: {  	[smem:$0x7FF] =	sst s3;
	s15 =	sadd.s32 $0x3E600, s5;
	s14 =	smul.u32 $0x13800, s0  }
0x9: {  	p0 =	sne.s32 s0, $0xF;
	s4 =	sor.u32 s10, s4;
	s16 =	smul.u32 $0x138800, s10  }
0xa: {  	_ =	strace $0x8000004A;
	s7 =	ssub.s32 $0x2, s10;
	s6 =	smul.u32 $0x514, s4  }
0xb: {  	s4 =	sadd.s32 $0x2600, s5;
	s31 =	sshrl.u32 s7, $0x1;
	s8 =	sshrl.u32 s8, $0x2  }
0xc: {  	s17 =	ssub.s32 s7, s31;
	s7 =	sadd.s32 s14, s2;
	s13 =	sadd.s32 s8, s2  }
0xd: {  	s18 =	sadd.s32 s14, s16;
	s16 =	sshrl.u32 s16, $0x3;
	s14 =	sadd.s32 $0x138000, s2  }
0xe: {  	s6 =	sadd.s32 s6, s5;
	s8 =	sadd.s32 $0x3000, s13;
	s9 =	sadd.s32 $0x6000, s13  }
0xf: {  	s10 =	sadd.s32 $0x9000, s13;
	s11 =	sadd.s32 $0xC000, s13;
	s12 =	sadd.s32 $0xF000, s13  }
0x10: {  	s13 =	sadd.s32 $0x12000, s13;
	s18 =	sshrl.u32 s18, $0x3;
	s16 =	sadd.s32 s15, s16  }
0x11: {  	s17 =	smax.u32 s17, $0x1;
	s5 =	sadd.s32 $0x34200, s6;
	s6 =	sadd.s32 $0x29E00, s6  }
0x12: {  	v0 =	vimm.f32 $0.0e+00;
	s15 =	sadd.s32 s15, s18;
	s16 =	sadd.s32 $0x27000, s16;
	s18 =	simm.s32 $0x3  }
.LBB2_1:
0x13: {  	[tilespmem:s3], [sflag:$0x3] =	stream.linear.gather [hbm4b:s5+s3], $0x28A0, $0x38;
	[tilespmem:$0x1EDC0] =	vst v63  }
0x14: {  	_ =	swait.ge [sflag:s18], $0x28A0  }
0x15: {  	[sflag:s18] =	ssyncset.done $0x0  }
0x16: {  	[sflag:s18] =	ssyncadd.s32 $0xFFFFD760  }
0x17: {  	[tilespmem:s19], [sflag:$0x3] =	stream.linear.gather [hbm4b:s6+s3], $0x28A0, $0x38;
	[tilespmem:$0x1EDC0] =	vst v63  }
0x18: {  	_ =	swait.ge [sflag:s18], $0x28A0  }
0x19: {  	[sflag:s18] =	ssyncset.done $0x0  }
0x1a: {  	s30 =	simm.s32 $0x0;
	s31 =	simm.s32 $0x200;
	[sflag:s18] =	ssyncadd.s32 $0xFFFFD760  }
.LBB2_2:
0x1b: {  	p1 =	sne.s32 s31, $0xC600;
	[tilespmem:s30+$0x18A30] =	vst v0  }
0x1c: {  	[tilespmem:s30+$0x189C0] =	vst v0  }
0x1d: {  	[tilespmem:s30+$0x189D0] =	vst v0  }
.Ltmp0:
0x1e: {  	[tilespmem:s30+$0x189E0] =	vst v0;
	(pc) =	sbr.rel @p1 .LBB2_2-.Ltmp0, $4  }
0x1f: {  	[tilespmem:s30+$0x189F0] =	vst v0  }
0x20: {  	[tilespmem:s30+$0x18A00] =	vst v0  }
0x21: {  	[tilespmem:s30+$0x18A10] =	vst v0  }
0x22: {  	[tilespmem:s30+$0x18A20] =	vst v0;
	s30 =	sshra.s32 s31, $0x2;
	s31 =	sadd.s32 $0x200, s31  }
0x23: {  	[tilespmem:s30+$0x18A30] =	vst v0  }
0x24: {  	[tilespmem:s30+$0x189C0] =	vst v0  }
0x25: {  	[tilespmem:s30+$0x189D0] =	vst v0  }
0x26: {  	[tilespmem:s30+$0x189E0] =	vst v0  }
0x27: {  	[tilespmem:s30+$0x189F0] =	vst v0  }
0x28: {  	[tilespmem:s30+$0x18A00] =	vst v0  }
0x29: {  	[tilespmem:s30+$0x18A10] =	vst v0  }
0x2a: {  	[tilespmem:s30+$0x18A20] =	vst v0  }
0x2b: {  	[spmem:s7] =	stream.linear.scatter [tilespmem:s20], [sflag:$0x3], $0x3000, $0x38;
	[tilespmem:$0x1EDC0] =	vst v63  }
0x2c: {  	_ =	swait.ge [sflag:s18], $0x3000  }
0x2d: {  	[sflag:s18] =	ssyncset.done $0x0  }
0x2e: {  	[sflag:s18] =	ssyncadd.s32 $0xFFFFD000  }
0x2f: {  	[spmem:s8] =	stream.linear.scatter [tilespmem:s20], [sflag:$0x3], $0x3000, $0x38;
	[tilespmem:$0x1EDC0] =	vst v63  }
0x30: {  	_ =	swait.ge [sflag:s18], $0x3000  }
0x31: {  	[sflag:s18] =	ssyncset.done $0x0  }
0x32: {  	[sflag:s18] =	ssyncadd.s32 $0xFFFFD000  }
0x33: {  	[spmem:s9] =	stream.linear.scatter [tilespmem:s20], [sflag:$0x3], $0x3000, $0x38;
	[tilespmem:$0x1EDC0] =	vst v63  }
0x34: {  	_ =	swait.ge [sflag:s18], $0x3000  }
0x35: {  	[sflag:s18] =	ssyncset.done $0x0  }
0x36: {  	[sflag:s18] =	ssyncadd.s32 $0xFFFFD000  }
0x37: {  	[spmem:s10] =	stream.linear.scatter [tilespmem:s20], [sflag:$0x3], $0x3000, $0x38;
	[tilespmem:$0x1EDC0] =	vst v63  }
0x38: {  	_ =	swait.ge [sflag:s18], $0x3000  }
0x39: {  	[sflag:s18] =	ssyncset.done $0x0  }
0x3a: {  	[sflag:s18] =	ssyncadd.s32 $0xFFFFD000  }
0x3b: {  	[spmem:s11] =	stream.linear.scatter [tilespmem:s20], [sflag:$0x3], $0x3000, $0x38;
	[tilespmem:$0x1EDC0] =	vst v63  }
0x3c: {  	_ =	swait.ge [sflag:s18], $0x3000  }
0x3d: {  	[sflag:s18] =	ssyncset.done $0x0  }
0x3e: {  	[sflag:s18] =	ssyncadd.s32 $0xFFFFD000  }
0x3f: {  	[spmem:s12] =	stream.linear.scatter [tilespmem:s20], [sflag:$0x3], $0x3000, $0x38;
	[tilespmem:$0x1EDC0] =	vst v63  }
0x40: {  	_ =	swait.ge [sflag:s18], $0x3000  }
0x41: {  	[sflag:s18] =	ssyncset.done $0x0  }
0x42: {  	[sflag:s18] =	ssyncadd.s32 $0xFFFFD000  }
0x43: {  	[spmem:s13] =	stream.linear.scatter [tilespmem:s20], [sflag:$0x3], $0x1800, $0x38;
	[tilespmem:$0x1EDC0] =	vst v63  }
0x44: {  	_ =	swait.ge [sflag:s18], $0x1800  }
0x45: {  	[sflag:s18] =	ssyncset.done $0x0  }
0x46: {  	s30 =	simm.s32 @!p0 $0x189C0;
	[sflag:s18] =	ssyncadd.s32 $0xFFFFE800  }
0x47: {  	[spmem:s14] =	stream.linear.scatter @!p0 [tilespmem:s30], [sflag:$0x3], $0x800, $0x38;
	[tilespmem:$0x1EDC0] =	vst v63  }
0x48: {  	s30 =	simm.s32 @!p0 $0x3  }
0x49: {  	_ =	swait.ge @!p0 [sflag:s30], $0x800  }
0x4a: {  	[sflag:s30] =	ssyncset.done @!p0 $0x0  }
0x4b: {  	[sflag:s30] =	ssyncadd.s32 @!p0 $0xFFFFF800  }
0x4c: {  	s30 =	simm.s32 $0x0;
	[bflag:$0x0] =	sbarrier.arrive $0xFFFF  }
0x4d: {  	[tilespmem:s20], [sflag:$0x1] =	stream.indirect.gather [hbm4b:s4+s21], $0x80, s30, s21, $0xb8;
	[tilespmem:$0x1EDC0] =	vst v63  }
0x4e: {  	_ = 	snop  }
0x4f: {  	[tilespmem:s23], [sflag:$0x2] =	stream.indirect.gather [hbm4b:s4+s21], $0x80, s22, s21, $0xb8;
	[tilespmem:$0x1EDC0] =	vst v63  }
0x50: {  	_ =	swait.ge [sflag:s24], $0x3200  }
0x51: {  	[sflag:s24] =	ssyncset.done $0x0  }
0x52: {  	s30 =	simm.s32 $0x28A0;
	[sflag:s24] =	ssyncadd.s32 $0xFFFFCE00  }
0x53: {  	[spmem:s2] =	stream.indirect.scatter.add.f32 [tilespmem:s20], [sflag:$0x3], $0x80, s30, s21, $0xb8;
	[tilespmem:$0x1EDC0] =	vst v63  }
0x54: {  	_ =	swait.ge [sflag:s18], $0x3200  }
0x55: {  	[sflag:s18] =	ssyncset.done $0x0  }
0x56: {  	s30 =	simm.s32 $0xD0;
	[sflag:s18] =	ssyncadd.s32 $0xFFFFCE00  }
0x57: {  	[tilespmem:s20], [sflag:$0x1] =	stream.indirect.gather [hbm4b:s4+s21], $0x80, s30, s21, $0xb8;
	[tilespmem:$0x1EDC0] =	vst v63  }
0x58: {  	_ =	swait.ge [sflag:s25], $0x3200  }
0x59: {  	[sflag:s25] =	ssyncset.done $0x0  }
0x5a: {  	s30 =	simm.s32 $0x2908;
	[sflag:s25] =	ssyncadd.s32 $0xFFFFCE00  }
0x5b: {  	[spmem:s2] =	stream.indirect.scatter.add.f32 [tilespmem:s23], [sflag:$0x3], $0x80, s30, s21, $0xb8;
	[tilespmem:$0x1EDC0] =	vst v63  }
0x5c: {  	_ =	swait.ge [sflag:s18], $0x3200  }
0x5d: {  	[sflag:s18] =	ssyncset.done $0x0  }
0x5e: {  	s31 =	simm.s32 $0x138;
	s30 =	simm.s32 $0x340;
	[sflag:s18] =	ssyncadd.s32 $0xFFFFCE00  }
.LBB2_4:
0x5f: {  	[tilespmem:s23], [sflag:$0x2] =	stream.indirect.gather [hbm4b:s4+s21], $0x80, s31, s21, $0xb8;
	[tilespmem:$0x1EDC0] =	vst v63  }
0x60: {  	s31 =	smov.u32 s30  }
0x61: {  	p1 =	sne.s32 s30, $0x9C00;
	s30 =	sadd.s32 $0x340, s30;
	_ =	swait.ge [sflag:s24], $0x3200  }
0x62: {  	s31 =	sshra.s32 s31, $0x2;
	[sflag:s24] =	ssyncset.done $0x0  }
0x63: {  	s1 =	sadd.s32 $0x28A0, s31;
	[sflag:s24] =	ssyncadd.s32 $0xFFFFCE00  }
0x64: {  	[spmem:s2] =	stream.indirect.scatter.add.f32 [tilespmem:s20], [sflag:$0x3], $0x80, s1, s21, $0xb8;
	[tilespmem:$0x1EDC0] =	vst v63  }
0x65: {  	_ =	swait.ge [sflag:s18], $0x3200  }
0x66: {  	[sflag:s18] =	ssyncset.done $0x0  }
0x67: {  	s1 =	sadd.s32 $0xD0, s31;
	[sflag:s18] =	ssyncadd.s32 $0xFFFFCE00  }
0x68: {  	[tilespmem:s20], [sflag:$0x1] =	stream.indirect.gather [hbm4b:s4+s21], $0x80, s1, s21, $0xb8;
	[tilespmem:$0x1EDC0] =	vst v63  }
0x69: {  	_ =	swait.ge [sflag:s25], $0x3200  }
0x6a: {  	[sflag:s25] =	ssyncset.done $0x0  }
.Ltmp1:
0x6b: {  	s1 =	sadd.s32 $0x2908, s31;
	[sflag:s25] =	ssyncadd.s32 $0xFFFFCE00;
	(pc) =	sbr.rel @p1 .LBB2_4-.Ltmp1, $4  }
0x6c: {  	[spmem:s2] =	stream.indirect.scatter.add.f32 [tilespmem:s23], [sflag:$0x3], $0x80, s1, s21, $0xb8;
	[tilespmem:$0x1EDC0] =	vst v63  }
0x6d: {  	_ =	swait.ge [sflag:s18], $0x3200  }
0x6e: {  	[sflag:s18] =	ssyncset.done $0x0  }
0x6f: {  	s31 =	sadd.s32 $0x138, s31;
	[sflag:s18] =	ssyncadd.s32 $0xFFFFCE00  }
0x70: {  	[tilespmem:s23], [sflag:$0x2] =	stream.indirect.gather [hbm4b:s4+s21], $0x80, s31, s21, $0xb8;
	[tilespmem:$0x1EDC0] =	vst v63  }
0x71: {  	_ =	swait.ge [sflag:s24], $0x3200  }
0x72: {  	[sflag:s24] =	ssyncset.done $0x0  }
0x73: {  	[sflag:s24] =	ssyncadd.s32 $0xFFFFCE00  }
0x74: {  	[spmem:s2] =	stream.indirect.scatter.add.f32 [tilespmem:s20], [sflag:$0x3], $0x80, s26, s21, $0xb8;
	[tilespmem:$0x1EDC0] =	vst v63  }
0x75: {  	_ =	swait.ge [sflag:s18], $0x3200  }
0x76: {  	[sflag:s18] =	ssyncset.done $0x0  }
0x77: {  	[sflag:s18] =	ssyncadd.s32 $0xFFFFCE00  }
0x78: {  	_ =	swait.ge [sflag:s25], $0x3200  }
0x79: {  	[sflag:s25] =	ssyncset.done $0x0  }
0x7a: {  	[sflag:s25] =	ssyncadd.s32 $0xFFFFCE00  }
0x7b: {  	[spmem:s2] =	stream.indirect.scatter.add.f32 [tilespmem:s23], [sflag:$0x3], $0x80, s28, s21, $0xb8;
	[tilespmem:$0x1EDC0] =	vst v63  }
0x7c: {  	_ =	swait.ge [sflag:s18], $0x3200  }
0x7d: {  	[sflag:s18] =	ssyncset.done $0x0  }
0x7e: {  	s1 =	sshll.u32 s0, $0x6;
	[sflag:s18] =	ssyncadd.s32 $0xFFFFCE00  }
0x7f: {  	s30 =	sshrl.u32 s7, $0x3;
	s1 =	sor.u32 $0x1C03, s1;
	[bflag:$0x0] =	sbarrier.arrive $0xFFFF  }
0x80: {  	[hbm:s15], [sflag:s1] =	dma.local [spmem:s30], $0x2700  }
0x81: {  	_ =	swait.ge [sflag:s18], $0x2700  }
0x82: {  	s29 =	sadd.s32 $0x1, s29;
	[sflag:s18] =	ssyncset.done $0x0  }
0x83: {  	p1 =	sne.s32 s29, s17;
	s30 =	sshrl.u32 @!p0 s14, $0x3;
	[sflag:s18] =	ssyncadd.s32 $0xFFFFD900  }
0x84: {  	[hbm:s16], [sflag:s1] =	dma.local @!p0 [spmem:s30], $0x100  }
.Ltmp2:
0x85: {  	_ = 	snop;
	(pc) =	sbr.rel @p1 .LBB2_1-.Ltmp2, $4  }
0x86: {  	s1 =	simm.s32 @!p0 $0x3  }
0x87: {  	_ =	swait.ge @!p0 [sflag:s1], $0x100  }
0x88: {  	[sflag:s1] =	ssyncset.done @!p0 $0x0  }
0x89: {  	[sflag:s1] =	ssyncadd.s32 @!p0 $0xFFFFFF00  }
0x8a: {  	_ =	sfence.sel $0x180000  }
0x8b: {  	[bflag:$0x0] =	sbarrier.arrive $0xFFFF  }
0x8c: {  	_ =	strace $0x9000004A  }
0x8d: {  	[bflag:$0x2] =	sbarrier.arrive $0xFFFF  }
0x8e: {  	p0 =	sne.s32 s0, $0x0;
	s0 =	rddreg [dreg:$0x2]  }
0x8f: {  	s0 =	sadd.s32 @!p0 $0x100000, s0  }
0x90: {  	[sflag:s0] =	ssyncadd.tile.s32 @!p0 $0x1;
	_ =	shalt  }
.Lfunc_end2:
_tile_overlayer_lowered:
.L_overlay_start_2:
0x91: {  	(tag) =	ssettag $0x2  }
0x92: {  	s0 =	rddreg [dreg:$0x0];
	s2 =	stileid.u32  }
0x93: {  	s1 =	rddreg [dreg:$0x1];
	p0 =	sne.s32 s2, $0x0  }
0x94: {  	s3 =	rddreg [dreg:$0x2];
	[bflag:$0x3] =	sbarrier.arrive $0xFFFF;
	s2 =	simm.s32 @!p0 $0x1C03  }
0x95: {  	[timem:s3], [sflag:s2] =	dma.local @!p0 [hbm:s0], s1  }
0x96: {  	s0 =	simm.s32 @!p0 $0x3  }
0x97: {  	_ =	swait.ge @!p0 [sflag:s0], s1  }
0x98: {  	s1 =	ssub.s32 @!p0 $0x0, s1;
	[sflag:s0] =	ssyncset.done @!p0 $0x0  }
0x99: {  	[sflag:s0] =	ssyncadd.s32 @!p0 s1  }
0x9a: {  	[bflag:$0x3] =	sbarrier.arrive $0xFFFF  }
0x9b: {  	_ =	shalt  }

// kernel: kernel.14.cloned.1.call-start
scs
__scs_entry_jumppad:
0x0: {  	(pc) =	sbr.rel $0x88, $3  }
0x1: {  	(tag) =	ssettag $0x0;
	lr =	simm.s32 $0x1  }
0x2: {  	[smem:$0x3F9B] =	sst lr;
	_ =	strace $0xD0000000  }
0x3: {  	_ = 	snop  }
0x4: {  	_ = 	snop  }
0x5: {  	_ = 	snop  }
0x6: {  	_ = 	snop  }
0x7: {  	_ = 	snop  }
__scs_overlays_trampoline_lowered:
0x8: {  	[smem:$0x3FAA] =	sst s0  }
0x9: {  	[smem:$0x3FAB] =	sst s1  }
0xa: {  	[smem:$0x3FAC] =	sst s2  }
0xb: {  	[smem:$0x3FAD] =	sst s3  }
0xc: {  	[smem:$0x3FAE] =	sst s4  }
0xd: {  	[smem:$0x3FAF] =	sst s5  }
0xe: {  	[smem:$0x3FB0] =	sst s6  }
0xf: {  	[smem:$0x3FB1] =	sst s7  }
0x10: {  	[smem:$0x3FB2] =	sst s8  }
0x11: {  	[smem:$0x3FB3] =	sst s9;
	s0 =	simm.s32 @!p0 $0x0  }
0x12: {  	s1 =	sld [smem:$0x3F99];
	s0 =	simm.s32 @p0 $0x1  }
0x13: {  	[smem:$0x3FB4] =	sst s0;
	s0 =	simm.s32 @!p1 $0x0  }
0x14: {  	s2 =	sld [smem:$0x3F98];
	s0 =	simm.s32 @p1 $0x1  }
0x15: {  	[smem:$0x3FB5] =	sst s0;
	s0 =	simm.s32 @!p2 $0x0  }
0x16: {  	s3 =	sld [smem:$0x3FDB];
	s0 =	simm.s32 @p2 $0x1  }
0x17: {  	s4 =	simm.s32 $0x1BF5;
	[smem:$0x3FB7] =	sst s0  }
0x18: {  	s0 =	sld [smem:$0x3F9A];
	_ =	swait.ge [sflag:s4], $0x0  }
0x19: {  	s7 =	sld [smem:$0x3F9B]  }
0x1a: {  	s8 =	sadd.s32 $0xFFFFE003, lr  }
0x1b: {  	s9 =	sadd.s32 $0xFFFFFEF7, lr;
	s5 =	simm.s32 $0xFFFFFFFF;
	p2 =	slt.u32 s8, $0xFFFFF086  }
0x1c: {  	p1 =	slt.u32 s9, $0xF7A;
	s5 =	simm.s32 @!p2 $0x0  }
0x1d: {  	s5 =	simm.s32 @p1 $0x1;
	p0 =	seq.s32 s7, s2  }
0x1e: {  	s7 =	smul.u32 @!p0 $0xF7A, s2;
	p2 =	seq.s32 @!p0 s5, $0x0  }
0x1f: {  	s9 =	smul.u32 $0xF7A, s1;
	s8 =	simm.s32 @!p0 $0x1BF5;
	p2 =	por !p2, p0  }
0x20: {  	[sflag:s8] =	ssyncset.s32 @!p0 $0xFFFFF086;
	s6 =	sadd.s32 @!p0 s3, s7;
	s7 =	simm.s32 @!p0 $0x108  }
0x21: {  	s3 =	sadd.s32 s3, s9;
	s6 =	sadd.s32 @!p0 $0x88, s6;
	s7 =	simm.s32 @p2 $0x1082  }
0x22: {  	[simem:s7], [sflag:s8] =	dma.local @!p0 [hbm:s6], $0xF7A  }
0x23: {  	s9 =	sor.u32 $0xD0000000, s2;
	s6 =	simm.s32 $0x108;
	_ =	swait.ge @!p0 [sflag:s8], $0x0  }
0x24: {  	s3 =	sadd.s32 $0x88, s3;
	s6 =	simm.s32 @!p1 $0x1082;
	[sflag:s4] =	ssyncset.s32 $0xFFFFF086  }
0x25: {  	[simem:s6], [sflag:s4] =	dma.local [hbm:s3], $0xF7A  }
0x26: {  	[smem:$0x3F9B] =	sst s1;
	(tag) =	ssettag s2;
	_ =	strace s9  }
0x27: {  	s1 =	sld [smem:$0x3FAB]  }
0x28: {  	s2 =	sld [smem:$0x3FAC]  }
0x29: {  	s4 =	sld [smem:$0x3FAE]  }
0x2a: {  	p0 =	seq.s32 s5, $0x0;
	s5 =	sld [smem:$0x3FAF]  }
0x2b: {  	s6 =	sld [smem:$0x3FB0]  }
0x2c: {  	s7 =	sld [smem:$0x3FB1]  }
0x2d: {  	s3 =	simm.s32 $0x108;
	s8 =	sld [smem:$0x3FB2]  }
0x2e: {  	s3 =	simm.s32 @!p0 $0x1082;
	s9 =	sld [smem:$0x3FB3]  }
0x2f: {  	lr =	sadd.s32 s0, s3;
	s0 =	sld [smem:$0x3FAA]  }
0x30: {  	s3 =	sld [smem:$0x3FAD]  }
0x31: {  	[smem:$0x3FB6] =	sst s10  }
0x32: {  	s10 =	sld [smem:$0x3FB4];
	_ =	sdelay $0x3  }
0x33: {  	p0 =	seq.s32 s10, $0x1;
	s10 =	sld [smem:$0x3FB6];
	_ =	sdelay $0x3  }
0x34: {  	[smem:$0x3FB6] =	sst s10  }
0x35: {  	s10 =	sld [smem:$0x3FB5];
	_ =	sdelay $0x3  }
0x36: {  	p1 =	seq.s32 s10, $0x1;
	s10 =	sld [smem:$0x3FB6];
	_ =	sdelay $0x3  }
0x37: {  	[smem:$0x3FB6] =	sst s10  }
0x38: {  	s10 =	sld [smem:$0x3FB7]  }
0x39: {  	_ = 	snop;
	(pc) =	sbr.ind lr, $3  }
0x3a: {  	_ = 	snop  }
0x3b: {  	_ = 	snop  }
0x3c: {  	p2 =	seq.s32 s10, $0x1;
	s10 =	sld [smem:$0x3FB6]  }
0x3d: {  	_ =	shalt  }
0x3e: {  	_ =	shalt  }
0x3f: {  	_ =	shalt  }
0x40: {  	_ =	shalt  }
0x41: {  	_ =	shalt  }
0x42: {  	_ =	shalt  }
0x43: {  	_ =	shalt  }
0x44: {  	_ =	shalt  }
0x45: {  	_ =	shalt  }
0x46: {  	_ =	shalt  }
0x47: {  	_ =	shalt  }
0x48: {  	_ =	shalt  }
0x49: {  	_ =	shalt  }
0x4a: {  	_ =	shalt  }
0x4b: {  	_ =	shalt  }
0x4c: {  	_ =	shalt  }
0x4d: {  	_ =	shalt  }
0x4e: {  	_ =	shalt  }
0x4f: {  	_ =	shalt  }
0x50: {  	_ =	shalt  }
0x51: {  	_ =	shalt  }
0x52: {  	_ =	shalt  }
0x53: {  	_ =	shalt  }
0x54: {  	_ =	shalt  }
0x55: {  	_ =	shalt  }
0x56: {  	_ =	shalt  }
0x57: {  	_ =	shalt  }
0x58: {  	_ =	shalt  }
0x59: {  	_ =	shalt  }
0x5a: {  	_ =	shalt  }
0x5b: {  	_ =	shalt  }
0x5c: {  	_ =	shalt  }
0x5d: {  	_ =	shalt  }
0x5e: {  	_ =	shalt  }
0x5f: {  	_ =	shalt  }
0x60: {  	_ =	shalt  }
0x61: {  	_ =	shalt  }
0x62: {  	_ =	shalt  }
0x63: {  	_ =	shalt  }
0x64: {  	_ =	shalt  }
0x65: {  	_ =	shalt  }
0x66: {  	_ =	shalt  }
0x67: {  	_ =	shalt  }
0x68: {  	_ =	shalt  }
0x69: {  	_ =	shalt  }
0x6a: {  	_ =	shalt  }
0x6b: {  	_ =	shalt  }
0x6c: {  	_ =	shalt  }
0x6d: {  	_ =	shalt  }
0x6e: {  	_ =	shalt  }
0x6f: {  	_ =	shalt  }
0x70: {  	_ =	shalt  }
0x71: {  	_ =	shalt  }
0x72: {  	_ =	shalt  }
0x73: {  	_ =	shalt  }
0x74: {  	_ =	shalt  }
0x75: {  	_ =	shalt  }
0x76: {  	_ =	shalt  }
0x77: {  	_ =	shalt  }
0x78: {  	_ =	shalt  }
0x79: {  	_ =	shalt  }
0x7a: {  	_ =	shalt  }
0x7b: {  	_ =	shalt  }
0x7c: {  	_ =	shalt  }
0x7d: {  	_ =	shalt  }
0x7e: {  	_ =	shalt  }
0x7f: {  	_ =	shalt  }
0x80: {  	_ =	shalt  }
0x81: {  	_ =	shalt  }
0x82: {  	_ =	shalt  }
0x83: {  	_ =	shalt  }
0x84: {  	_ =	shalt  }
0x85: {  	_ =	shalt  }
0x86: {  	_ =	shalt  }
0x87: {  	_ =	shalt  }
.Lfunc_end0:
.L_simem_size_0:
called_computation.2_lowered:
.L_overlay_start_0:
0x88: {  	s2 =	sld [smem:$0x3FD9]  }
0x89: {  	s3 =	sld [smem:$0x3FFE];
	_ =	sdelay $0x1  }
0x8a: {  	s1 =	srdreg.scid  }
0x8b: {  	s0 =	sand.u32 $0x1, s1  }
0x8c: {  	s17 =	sshll.u32 s0, $0xA;
	s2 =	sadd.s32 s3, s2  }
0x8d: {  	s2 =	sadd.s32 s2, s17  }
0x8e: {  	[smem:$0x3FC2] =	sst s2  }
0x8f: {  	_ = 	snop  }
0x90: {  	s2 =	sld [smem:$0x3FD0];
	(tm) =	ssettm $0x1  }
0x91: {  	s18 =	sld [smem:$0x3FFB];
	_ =	sdelay $0x3  }
0x92: {  	_ =	strace s18  }
0x93: {  	s3 =	sld [smem:$0x3FFC];
	_ =	sdelay $0x3  }
0x94: {  	_ =	strace s3  }
0x95: {  	s3 =	sld [smem:$0x3FFD];
	_ =	sdelay $0x3  }
0x96: {  	_ =	strace s3  }
0x97: {  	_ =	strace $0x8FFFFFFF  }
0x98: {  	s19 =	sld [smem:$0x3FDB];
	_ =	sdelay $0x1  }
0x99: {  	s4 =	simm.s32 $_scs_section_size  }
0x9a: {  	s5 =	simm.s32 $_size__tile_overlayer_lowered;
	s6 =	simm.s32 $_tile_overlayer_lowered  }
0x9b: {  	s22 =	simm.s32 $0x1BFF;
	s21 =	sshll.u32 s6, $0x1;
	s3 =	sadd.s32 s4, s19  }
0x9c: {  	s7 =	simm.s32 $0x0;
	s20 =	sshll.u32 s5, $0x1;
	s5 =	sadd.s32 s21, s3  }
0x9d: {  	[timem:s7], [sflag:s22] =	dma.local [hbm:s5], s20  }
0x9e: {  	_ =	swait.ge [sflag:s22], s20  }
0x9f: {  	s4 =	ssub.s32 $0x0, s20;
	[sflag:s22] =	ssyncset.done $0x0  }
0xa0: {  	[sflag:s22] =	ssyncadd.s32 s4;
	_ =	sdelay $0x1  }
0xa1: {  	s23 =	simm.s32 $0x1B8B  }
0xa2: {  	_ =	swait.ge [sflag:s23], $0x1  }
0xa3: {  	[sflag:s23] =	ssyncset.done $0x0  }
0xa4: {  	s25 =	simm.s32 $0x1B8E;
	s24 =	sld [smem:$0x3FFE];
	[sflag:s23] =	ssyncadd.s32 $0xFFFFFFFF  }
0xa5: {  	s26 =	simm.s32 $execute0_lowered;
	[smem:$0x3FD2] =	sst s25  }
0xa6: {  	s5 =	sshll.u32 s26, $0x1;
	_ =	strace $0x8000004C;
	[dreg:$0x1] =	wrdreg $0xFFFFFFFF  }
0xa7: {  	s28 =	simm.s32 $_size_execute0_lowered;
	s3 =	sadd.s32 s3, s5;
	[dreg:$0x0] =	wrdreg $0x0  }
0xa8: {  	s5 =	sshll.u32 s28, $0x1;
	[dreg:$0x2] =	wrdreg s3  }
0xa9: {  	[dreg:$0x3] =	wrdreg s5  }
0xaa: {  	[dreg:$0x4] =	wrdreg $0xC0  }
0xab: {  	_ =	task [dreg:s7], $0x5FFFF  }
0xac: {  	[dreg:$0x1] =	wrdreg $0xFFFFFFFF  }
0xad: {  	[dreg:$0x0] =	wrdreg $0x60  }
0xae: {  	[dreg:$0x2] =	wrdreg s2  }
0xaf: {  	[dreg:$0x3] =	wrdreg s24  }
0xb0: {  	[dreg:$0x4] =	wrdreg $0x51400  }
0xb1: {  	[dreg:$0x5] =	wrdreg $0x9  }
0xb2: {  	_ =	task.clear_ibuf [dreg:s7], $0x6FFFF;
	_ =	strace $0x9000004C  }
0xb3: {  	s29 =	simm.s32 $0x9;
	_ =	strace $0x8000004E  }
0xb4: {  	_ =	swait.ge [sflag:s29], $0x1  }
0xb5: {  	[sflag:s29] =	ssyncadd.s32 $0xFFFFFFFF  }
0xb6: {  	_ =	strace $0x9000004E  }
0xb7: {  	_ =	sfence  }
0xb8: {  	s30 =	sld [smem:$0x0];
	_ =	sdelay $0x2  }
0xb9: {  	s31 =	sshll.u32 s1, $0xD;
	s1 =	sshrl.u32 s1, $0x2  }
0xba: {  	s3 =	sand.u32 $0x4000, s31;
	s1 =	sadd.s32 s1, s30  }
0xbb: {  	s0 =	sor.u32 s3, s0;
	s1 =	sshll.u32 s1, $0x11  }
0xbc: {  	s0 =	sor.u32 s1, s0  }
0xbd: {  	s0 =	sadd.s32 $0x8F2B, s0  }
0xbe: {  	[sflag:s0] =	ssyncadd.remote.s32 $0x1  }
0xbf: {  	_ =	sfence.sel $0xFFFF  }
0xc0: {  	[dreg:$0x0] =	wrdreg $0xFFFFFFFF;
	(pc) =	sbr.abs _section_cstart, $3  }
0xc1: {  	[dreg:$0x1] =	wrdreg $0xFFFFFFFF  }
0xc2: {  	_ =	task.clear_ibuf [dreg:s7], $0x2FFFF;
	_ =	strace $0x9FFFFFFF  }
0xc3: {  	(tm) =	ssettm $0x7FFFFFFF  }
tec
execute0_lowered:
.L_overlay_start_1:
0x0: {  	(tag) =	ssettag $0x1  }
0x1: {  	s1 =	rddreg [dreg:$0x0]  }
0x2: {  	s0 =	rddreg [dreg:$0x1];
	s2 =	srdreg.scid  }
0x3: {  	s9 =	stileid.u32;
	s3 =	rddreg [dreg:$0x2]  }
0x4: {  	s5 =	simm.s32 $0x0;
	s18 =	simm.s32 $0xB;
	s30 =	simm.s32 $0x9150  }
0x5: {  	s29 =	simm.s32 $0xB090;
	s31 =	simm.s32 $0x1;
	s28 =	simm.s32 $0x0  }
0x6: {  	s2 =	sand.u32 $0x1, s2;
	s4 =	sshll.u32 s9, $0x1;
	s6 =	smul.u32 $0x9C00, s9  }
0x7: {  	[smem:$0x7FF] =	sst s5;
	s8 =	smul.u32 $0x2700, s9;
	s14 =	sadd.s32 $0x27000, s3  }
0x8: {  	p0 =	sne.s32 s9, $0xF;
	s4 =	sor.u32 s2, s4;
	s19 =	ssub.s32 $0x2, s2  }
0x9: {  	_ =	strace $0x8000004D;
	s2 =	smul.u32 $0x27100, s2;
	s7 =	sshrl.u32 s19, $0x1  }
0xa: {  	s4 =	smul.u32 $0x514, s4;
	s6 =	sshrl.u32 s6, $0x2;
	s5 =	ssub.s32 s19, s7  }
0xb: {  	s7 =	sadd.s32 s8, s3;
	s21 =	sadd.s32 s6, s3;
	s26 =	sadd.s32 s8, s2  }
0xc: {  	s2 =	sshrl.u32 s2, $0x3;
	s19 =	simm.s32 $0x5;
	s6 =	sadd.s32 $0x600, s21  }
0xd: {  	s4 =	sadd.s32 s4, s0;
	s22 =	sadd.s32 $0xC00, s21;
	[dreg:$0x6] =	wrdreg s6  }
0xe: {  	s0 =	sadd.s32 $0x2600, s0;
	s23 =	sadd.s32 $0x1200, s21;
	[dreg:$0x7] =	wrdreg s22  }
0xf: {  	s24 =	sadd.s32 $0x1800, s21;
	s25 =	sadd.s32 $0x1E00, s21;
	[dreg:$0x8] =	wrdreg s23  }
0x10: {  	s17 =	smax.u32 s5, $0x1;
	s20 =	sadd.s32 $0x34200, s4;
	[dreg:$0x9] =	wrdreg s24  }
0x11: {  	s4 =	sadd.s32 $0x29E00, s4;
	[dreg:$0xa] =	wrdreg s25;
	s2 =	sadd.s32 s0, s2  }
0x12: {  	s25 =	simm.s32 $0x84D0;
	s22 =	simm.s32 $0x9DD0;
	s23 =	simm.s32 $0x7  }
.Ltmp0:
0x13: {  	s24 =	simm.s32 $0xA;
	[dreg:$0x4] =	wrdreg s20;
	(pc) =	sbr.rel .LBB2_1-.Ltmp0, $4  }
0x14: {  	[dreg:$0x5] =	wrdreg s4;
	s4 =	sadd.s32 $0x2400, s21;
	s16 =	sadd.s32 $0x4E00, s2  }
0x15: {  	s20 =	simm.s32 $0x7850;
	[dreg:$0xb] =	wrdreg s4;
	s4 =	sshrl.u32 s26, $0x3  }
0x16: {  	s21 =	simm.s32 $0x64;
	s2 =	simm.s32 $0x3;
	s0 =	sadd.s32 s0, s4  }
0x17: {  	v0 =	vimm.f32 $0.0e+00;
	s26 =	simm.s32 $0xAA50;
	[dreg:$0xc] =	wrdreg s0;
	s0 =	simm.s32 $0x9  }
.LBB2_6:
0x18: {  	_ =	swait.ge [sflag:s24], $0x640  }
0x19: {  	[sflag:s24] =	ssyncset.done $0x0  }
0x1a: {  	[sflag:s24] =	ssyncadd.s32 $0xFFFFF9C0  }
0x1b: {  	[spmem:s3] =	stream.indirect.scatter.add.f32 [tilespmem:s29], [sflag:$0xB], $0x10, s6, s21, $0xb8;
	[tilespmem:$0xB6D0] =	vst v63  }
0x1c: {  	_ =	swait.ge [sflag:s18], $0x640  }
0x1d: {  	[sflag:s18] =	ssyncset.done $0x0  }
0x1e: {  	s4 =	stileid.u32;
	[sflag:s18] =	ssyncadd.s32 $0xFFFFF9C0  }
0x1f: {  	s4 =	sshll.u32 s4, $0x6;
	[bflag:$0x0] =	sbarrier.arrive $0xFFFF  }
0x20: {  	s5 =	sshrl.u32 s7, $0x3;
	s4 =	sor.u32 $0x1C0B, s4;
	s15 =	rddreg [dreg:$0xc]  }
0x21: {  	[hbm:s15], [sflag:s4] =	dma.local [spmem:s5], $0x4E0  }
0x22: {  	_ =	swait.ge [sflag:s18], $0x4E0  }
0x23: {  	s28 =	sadd.s32 $0x1, s28;
	[sflag:s18] =	ssyncset.done $0x0  }
0x24: {  	p1 =	sne.s32 s28, s17;
	s5 =	sshrl.u32 @!p0 s14, $0x3;
	[sflag:s18] =	ssyncadd.s32 $0xFFFFFB20  }
0x25: {  	[hbm:s16], [sflag:s4] =	dma.local @!p0 [spmem:s5], $0x20  }
.Ltmp1:
0x26: {  	_ = 	snop;
	(pc) =	sbr.rel @!p1 .LBB2_7-.Ltmp1, $4  }
0x27: {  	s4 =	simm.s32 @!p0 $0xB  }
0x28: {  	_ =	swait.ge @!p0 [sflag:s4], $0x20  }
0x29: {  	[sflag:s4] =	ssyncset.done @!p0 $0x0  }
0x2a: {  	[sflag:s4] =	ssyncadd.s32 @!p0 $0xFFFFFFE0  }
.LBB2_1:
0x2b: {  	s4 =	simm.s32 $0x0;
	s5 =	rddreg [dreg:$0x4]  }
0x2c: {  	[tilespmem:s4], [sflag:$0xB] =	stream.linear.gather [hbm4b:s5+s4], $0x28A0, $0x38;
	[tilespmem:$0xB6D0] =	vst v63  }
0x2d: {  	_ =	swait.ge [sflag:s18], $0x28A0  }
0x2e: {  	[sflag:s18] =	ssyncset.done $0x0  }
0x2f: {  	s6 =	simm.s32 $0x28A0;
	s15 =	rddreg [dreg:$0x5];
	[sflag:s18] =	ssyncadd.s32 $0xFFFFD760  }
0x30: {  	[tilespmem:s6], [sflag:$0xB] =	stream.linear.gather [hbm4b:s15+s4], $0x28A0, $0x38;
	[tilespmem:$0xB6D0] =	vst v63  }
0x31: {  	_ =	swait.ge [sflag:s18], $0x28A0  }
0x32: {  	[sflag:s18] =	ssyncset.done $0x0  }
0x33: {  	s5 =	simm.s32 $0x0;
	s4 =	simm.s32 $0x40;
	[sflag:s18] =	ssyncadd.s32 $0xFFFFD760  }
.LBB2_2:
0x34: {  	p1 =	sne.s32 s4, $0x18C0;
	[tilespmem:s5+$0x7850] =	vst v0;
	s5 =	smov.u32 s4;
	s4 =	sadd.s32 $0x40, s4  }
.Ltmp2:
0x35: {  	(pc) =	sbr.rel @p1 .LBB2_2-.Ltmp2, $2  }
0x36: {  	_ =	sdelay $0x2  }
0x37: {  	s5 =	sshra.s32 s5, $0x2  }
0x38: {  	[tilespmem:s5+$0x7850] =	vst v0  }
0x39: {  	[spmem:s7] =	stream.linear.scatter [tilespmem:s20], [sflag:$0xB], $0x600, $0x38;
	[tilespmem:$0xB6D0] =	vst v63  }
0x3a: {  	_ =	swait.ge [sflag:s18], $0x600  }
0x3b: {  	[sflag:s18] =	ssyncset.done $0x0  }
0x3c: {  	s4 =	rddreg [dreg:$0x6];
	[sflag:s18] =	ssyncadd.s32 $0xFFFFFA00  }
0x3d: {  	[spmem:s4] =	stream.linear.scatter [tilespmem:s20], [sflag:$0xB], $0x600, $0x38;
	[tilespmem:$0xB6D0] =	vst v63  }
0x3e: {  	_ =	swait.ge [sflag:s18], $0x600  }
0x3f: {  	[sflag:s18] =	ssyncset.done $0x0  }
0x40: {  	s5 =	rddreg [dreg:$0x7];
	[sflag:s18] =	ssyncadd.s32 $0xFFFFFA00  }
0x41: {  	[spmem:s5] =	stream.linear.scatter [tilespmem:s20], [sflag:$0xB], $0x600, $0x38;
	[tilespmem:$0xB6D0] =	vst v63  }
0x42: {  	_ =	swait.ge [sflag:s18], $0x600  }
0x43: {  	[sflag:s18] =	ssyncset.done $0x0  }
0x44: {  	s6 =	rddreg [dreg:$0x8];
	[sflag:s18] =	ssyncadd.s32 $0xFFFFFA00  }
0x45: {  	[spmem:s6] =	stream.linear.scatter [tilespmem:s20], [sflag:$0xB], $0x600, $0x38;
	[tilespmem:$0xB6D0] =	vst v63  }
0x46: {  	_ =	swait.ge [sflag:s18], $0x600  }
0x47: {  	[sflag:s18] =	ssyncset.done $0x0  }
0x48: {  	s8 =	rddreg [dreg:$0x9];
	[sflag:s18] =	ssyncadd.s32 $0xFFFFFA00  }
0x49: {  	[spmem:s8] =	stream.linear.scatter [tilespmem:s20], [sflag:$0xB], $0x600, $0x38;
	[tilespmem:$0xB6D0] =	vst v63  }
0x4a: {  	_ =	swait.ge [sflag:s18], $0x600  }
0x4b: {  	[sflag:s18] =	ssyncset.done $0x0  }
0x4c: {  	s9 =	rddreg [dreg:$0xa];
	[sflag:s18] =	ssyncadd.s32 $0xFFFFFA00  }
0x4d: {  	[spmem:s9] =	stream.linear.scatter [tilespmem:s20], [sflag:$0xB], $0x600, $0x38;
	[tilespmem:$0xB6D0] =	vst v63  }
0x4e: {  	_ =	swait.ge [sflag:s18], $0x600  }
0x4f: {  	[sflag:s18] =	ssyncset.done $0x0  }
0x50: {  	s10 =	rddreg [dreg:$0xb];
	[sflag:s18] =	ssyncadd.s32 $0xFFFFFA00  }
0x51: {  	[spmem:s10] =	stream.linear.scatter [tilespmem:s20], [sflag:$0xB], $0x300, $0x38;
	[tilespmem:$0xB6D0] =	vst v63  }
0x52: {  	_ =	swait.ge [sflag:s18], $0x300  }
0x53: {  	[sflag:s18] =	ssyncset.done $0x0  }
0x54: {  	s4 =	simm.s32 @!p0 $0x7850;
	[sflag:s18] =	ssyncadd.s32 $0xFFFFFD00  }
0x55: {  	[spmem:s14] =	stream.linear.scatter @!p0 [tilespmem:s4], [sflag:$0xB], $0x100, $0x38;
	[tilespmem:$0xB6D0] =	vst v63  }
0x56: {  	s4 =	simm.s32 @!p0 $0xB  }
0x57: {  	_ =	swait.ge @!p0 [sflag:s4], $0x100  }
0x58: {  	[sflag:s4] =	ssyncset.done @!p0 $0x0  }
0x59: {  	[sflag:s4] =	ssyncadd.s32 @!p0 $0xFFFFFF00  }
0x5a: {  	s4 =	simm.s32 $0x0;
	[bflag:$0x0] =	sbarrier.arrive $0xFFFF  }
0x5b: {  	[tilespmem:s20], [sflag:$0x1] =	stream.indirect.gather [hbm4b:s1+s21], $0x10, s4, s21, $0xb8;
	[tilespmem:$0xB6D0] =	vst v63  }
0x5c: {  	s11 =	simm.s32 $0x68;
	s6 =	simm.s32 $0x7E90  }
0x5d: {  	[tilespmem:s6], [sflag:$0x2] =	stream.indirect.gather [hbm4b:s1+s21], $0x10, s11, s21, $0xb8;
	[tilespmem:$0xB6D0] =	vst v63  }
0x5e: {  	s12 =	simm.s32 $0xD0  }
0x5f: {  	[tilespmem:s25], [sflag:$0x3] =	stream.indirect.gather [hbm4b:s1+s21], $0x10, s12, s21, $0xb8;
	[tilespmem:$0xB6D0] =	vst v63  }
0x60: {  	s13 =	simm.s32 $0x138;
	s15 =	simm.s32 $0x8B10  }
0x61: {  	[tilespmem:s15], [sflag:$0x4] =	stream.indirect.gather [hbm4b:s1+s21], $0x10, s13, s21, $0xb8;
	[tilespmem:$0xB6D0] =	vst v63  }
0x62: {  	s6 =	simm.s32 $0x1A0  }
0x63: {  	[tilespmem:s30], [sflag:$0x5] =	stream.indirect.gather [hbm4b:s1+s21], $0x10, s6, s21, $0xb8;
	[tilespmem:$0xB6D0] =	vst v63  }
0x64: {  	s8 =	simm.s32 $0x208;
	s9 =	simm.s32 $0x9790  }
0x65: {  	[tilespmem:s9], [sflag:$0x6] =	stream.indirect.gather [hbm4b:s1+s21], $0x10, s8, s21, $0xb8;
	[tilespmem:$0xB6D0] =	vst v63  }
0x66: {  	s10 =	simm.s32 $0x270  }
0x67: {  	[tilespmem:s22], [sflag:$0x7] =	stream.indirect.gather [hbm4b:s1+s21], $0x10, s10, s21, $0xb8;
	[tilespmem:$0xB6D0] =	vst v63  }
0x68: {  	s11 =	simm.s32 $0x2D8;
	s12 =	simm.s32 $0xA410  }
0x69: {  	[tilespmem:s12], [sflag:$0x8] =	stream.indirect.gather [hbm4b:s1+s21], $0x10, s11, s21, $0xb8;
	[tilespmem:$0xB6D0] =	vst v63  }
0x6a: {  	s13 =	simm.s32 $0x340  }
0x6b: {  	[tilespmem:s26], [sflag:$0x9] =	stream.indirect.gather [hbm4b:s1+s21], $0x10, s13, s21, $0xb8;
	[tilespmem:$0xB6D0] =	vst v63  }
0x6c: {  	s15 =	simm.s32 $0x3A8  }
0x6d: {  	[tilespmem:s29], [sflag:$0xA] =	stream.indirect.gather [hbm4b:s1+s21], $0x10, s15, s21, $0xb8;
	[tilespmem:$0xB6D0] =	vst v63  }
.LBB2_4:
0x6e: {  	_ =	swait.ge [sflag:s31], $0x640  }
0x6f: {  	s5 =	sshra.s32 s4, $0x2;
	[sflag:s31] =	ssyncset.done $0x0  }
0x70: {  	s6 =	sadd.s32 $0x28A0, s5;
	[sflag:s31] =	ssyncadd.s32 $0xFFFFF9C0  }
0x71: {  	[spmem:s3] =	stream.indirect.scatter.add.f32 [tilespmem:s20], [sflag:$0xB], $0x10, s6, s21, $0xb8;
	[tilespmem:$0xB6D0] =	vst v63  }
0x72: {  	_ =	swait.ge [sflag:s18], $0x640  }
0x73: {  	p1 =	seq.s32 s4, $0x9240;
	[sflag:s18] =	ssyncset.done $0x0  }
0x74: {  	s6 =	simm.s32 @p1 $0x2;
	[sflag:s18] =	ssyncadd.s32 $0xFFFFF9C0  }
0x75: {  	s9 =	sshra.s32 @p1 s4, $0x2;
	_ =	swait.ge @p1 [sflag:s6], $0x640  }
0x76: {  	s10 =	simm.s32 @p1 $0x64;
	s8 =	simm.s32 @p1 $0x7E90;
	[sflag:s6] =	ssyncset.done @p1 $0x0  }
0x77: {  	s11 =	simm.s32 @p1 $0xB;
	[sflag:s6] =	ssyncadd.s32 @p1 $0xFFFFF9C0;
	s6 =	sadd.s32 @p1 $0x2908, s9  }
0x78: {  	[spmem:s3] =	stream.indirect.scatter.add.f32 @p1 [tilespmem:s8], [sflag:$0xB], $0x10, s6, s10, $0xb8;
	[tilespmem:$0xB6D0] =	vst v63  }
0x79: {  	_ =	swait.ge @p1 [sflag:s11], $0x640  }
0x7a: {  	s13 =	simm.s32 @!p1 $0x7850;
	s6 =	sshra.s32 @!p1 s4, $0x2;
	[sflag:s11] =	ssyncset.done @p1 $0x0  }
0x7b: {  	s8 =	simm.s32 @!p1 $0x64;
	s12 =	sadd.s32 @!p1 $0x410, s6;
	[sflag:s11] =	ssyncadd.s32 @p1 $0xFFFFF9C0  }
0x7c: {  	[tilespmem:s13], [sflag:$0x1] =	stream.indirect.gather @!p1 [hbm4b:s1+s8], $0x10, s12, s8, $0xb8;
	[tilespmem:$0xB6D0] =	vst v63  }
0x7d: {  	s12 =	simm.s32 @!p1 $0x2  }
0x7e: {  	_ =	swait.ge @!p1 [sflag:s12], $0x640  }
0x7f: {  	[sflag:s12] =	ssyncset.done @!p1 $0x0  }
0x80: {  	s13 =	simm.s32 @!p1 $0x7E90;
	[sflag:s12] =	ssyncadd.s32 @!p1 $0xFFFFF9C0;
	s12 =	sadd.s32 @!p1 $0x2908, s6  }
0x81: {  	[spmem:s3] =	stream.indirect.scatter.add.f32 @!p1 [tilespmem:s13], [sflag:$0xB], $0x10, s12, s8, $0xb8;
	[tilespmem:$0xB6D0] =	vst v63  }
0x82: {  	s12 =	simm.s32 @!p1 $0xB  }
0x83: {  	_ =	swait.ge @!p1 [sflag:s12], $0x640  }
0x84: {  	[sflag:s12] =	ssyncset.done @!p1 $0x0  }
0x85: {  	s15 =	sadd.s32 @!p1 $0x478, s6;
	[sflag:s12] =	ssyncadd.s32 @!p1 $0xFFFFF9C0  }
0x86: {  	[tilespmem:s13], [sflag:$0x2] =	stream.indirect.gather @!p1 [hbm4b:s1+s8], $0x10, s15, s8, $0xb8;
	[tilespmem:$0xB6D0] =	vst v63  }
0x87: {  	_ =	swait.ge [sflag:s2], $0x640  }
0x88: {  	[sflag:s2] =	ssyncset.done $0x0  }
0x89: {  	s15 =	sadd.s32 $0x2970, s5;
	[sflag:s2] =	ssyncadd.s32 $0xFFFFF9C0  }
0x8a: {  	[spmem:s3] =	stream.indirect.scatter.add.f32 [tilespmem:s25], [sflag:$0xB], $0x10, s15, s21, $0xb8;
	[tilespmem:$0xB6D0] =	vst v63  }
0x8b: {  	_ =	swait.ge [sflag:s18], $0x640  }
0x8c: {  	[sflag:s18] =	ssyncset.done $0x0  }
0x8d: {  	s13 =	simm.s32 @p1 $0x4;
	[sflag:s18] =	ssyncadd.s32 $0xFFFFF9C0  }
0x8e: {  	_ =	swait.ge @p1 [sflag:s13], $0x640  }
0x8f: {  	[sflag:s13] =	ssyncset.done @p1 $0x0  }
0x90: {  	s15 =	simm.s32 @p1 $0x8B10;
	[sflag:s13] =	ssyncadd.s32 @p1 $0xFFFFF9C0;
	s13 =	sadd.s32 @p1 $0x29D8, s9  }
0x91: {  	[spmem:s3] =	stream.indirect.scatter.add.f32 @p1 [tilespmem:s15], [sflag:$0xB], $0x10, s13, s10, $0xb8;
	[tilespmem:$0xB6D0] =	vst v63  }
0x92: {  	_ =	swait.ge @p1 [sflag:s11], $0x640  }
0x93: {  	[sflag:s11] =	ssyncset.done @p1 $0x0  }
0x94: {  	s13 =	sadd.s32 @!p1 $0x4E0, s6;
	s15 =	simm.s32 @!p1 $0x84D0;
	[sflag:s11] =	ssyncadd.s32 @p1 $0xFFFFF9C0  }
0x95: {  	[tilespmem:s15], [sflag:$0x3] =	stream.indirect.gather @!p1 [hbm4b:s1+s8], $0x10, s13, s8, $0xb8;
	[tilespmem:$0xB6D0] =	vst v63  }
0x96: {  	s13 =	simm.s32 @!p1 $0x4  }
0x97: {  	_ =	swait.ge @!p1 [sflag:s13], $0x640  }
0x98: {  	[sflag:s13] =	ssyncset.done @!p1 $0x0  }
0x99: {  	s15 =	simm.s32 @!p1 $0x8B10;
	[sflag:s13] =	ssyncadd.s32 @!p1 $0xFFFFF9C0;
	s13 =	sadd.s32 @!p1 $0x29D8, s6  }
0x9a: {  	[spmem:s3] =	stream.indirect.scatter.add.f32 @!p1 [tilespmem:s15], [sflag:$0xB], $0x10, s13, s8, $0xb8;
	[tilespmem:$0xB6D0] =	vst v63  }
0x9b: {  	_ =	swait.ge @!p1 [sflag:s12], $0x640  }
0x9c: {  	[sflag:s12] =	ssyncset.done @!p1 $0x0  }
0x9d: {  	s13 =	sadd.s32 @!p1 $0x548, s6;
	[sflag:s12] =	ssyncadd.s32 @!p1 $0xFFFFF9C0  }
0x9e: {  	[tilespmem:s15], [sflag:$0x4] =	stream.indirect.gather @!p1 [hbm4b:s1+s8], $0x10, s13, s8, $0xb8;
	[tilespmem:$0xB6D0] =	vst v63  }
0x9f: {  	_ =	swait.ge [sflag:s19], $0x640  }
0xa0: {  	[sflag:s19] =	ssyncset.done $0x0  }
0xa1: {  	s15 =	sadd.s32 $0x2A40, s5;
	[sflag:s19] =	ssyncadd.s32 $0xFFFFF9C0  }
0xa2: {  	[spmem:s3] =	stream.indirect.scatter.add.f32 [tilespmem:s30], [sflag:$0xB], $0x10, s15, s21, $0xb8;
	[tilespmem:$0xB6D0] =	vst v63  }
0xa3: {  	_ =	swait.ge [sflag:s18], $0x640  }
0xa4: {  	[sflag:s18] =	ssyncset.done $0x0  }
0xa5: {  	s13 =	simm.s32 @p1 $0x6;
	[sflag:s18] =	ssyncadd.s32 $0xFFFFF9C0  }
0xa6: {  	_ =	swait.ge @p1 [sflag:s13], $0x640  }
0xa7: {  	[sflag:s13] =	ssyncset.done @p1 $0x0  }
0xa8: {  	s15 =	simm.s32 @p1 $0x9790;
	[sflag:s13] =	ssyncadd.s32 @p1 $0xFFFFF9C0;
	s13 =	sadd.s32 @p1 $0x2AA8, s9  }
0xa9: {  	[spmem:s3] =	stream.indirect.scatter.add.f32 @p1 [tilespmem:s15], [sflag:$0xB], $0x10, s13, s10, $0xb8;
	[tilespmem:$0xB6D0] =	vst v63  }
0xaa: {  	_ =	swait.ge @p1 [sflag:s11], $0x640  }
0xab: {  	[sflag:s11] =	ssyncset.done @p1 $0x0  }
0xac: {  	s13 =	sadd.s32 @!p1 $0x5B0, s6;
	s15 =	simm.s32 @!p1 $0x9150;
	[sflag:s11] =	ssyncadd.s32 @p1 $0xFFFFF9C0  }
0xad: {  	[tilespmem:s15], [sflag:$0x5] =	stream.indirect.gather @!p1 [hbm4b:s1+s8], $0x10, s13, s8, $0xb8;
	[tilespmem:$0xB6D0] =	vst v63  }
0xae: {  	s13 =	simm.s32 @!p1 $0x6  }
0xaf: {  	_ =	swait.ge @!p1 [sflag:s13], $0x640  }
0xb0: {  	[sflag:s13] =	ssyncset.done @!p1 $0x0  }
0xb1: {  	s15 =	simm.s32 @!p1 $0x9790;
	[sflag:s13] =	ssyncadd.s32 @!p1 $0xFFFFF9C0;
	s13 =	sadd.s32 @!p1 $0x2AA8, s6  }
0xb2: {  	[spmem:s3] =	stream.indirect.scatter.add.f32 @!p1 [tilespmem:s15], [sflag:$0xB], $0x10, s13, s8, $0xb8;
	[tilespmem:$0xB6D0] =	vst v63  }
0xb3: {  	_ =	swait.ge @!p1 [sflag:s12], $0x640  }
0xb4: {  	[sflag:s12] =	ssyncset.done @!p1 $0x0  }
0xb5: {  	s13 =	sadd.s32 @!p1 $0x618, s6;
	[sflag:s12] =	ssyncadd.s32 @!p1 $0xFFFFF9C0  }
0xb6: {  	[tilespmem:s15], [sflag:$0x6] =	stream.indirect.gather @!p1 [hbm4b:s1+s8], $0x10, s13, s8, $0xb8;
	[tilespmem:$0xB6D0] =	vst v63  }
0xb7: {  	_ =	swait.ge [sflag:s23], $0x640  }
0xb8: {  	[sflag:s23] =	ssyncset.done $0x0  }
0xb9: {  	s15 =	sadd.s32 $0x2B10, s5;
	[sflag:s23] =	ssyncadd.s32 $0xFFFFF9C0  }
0xba: {  	[spmem:s3] =	stream.indirect.scatter.add.f32 [tilespmem:s22], [sflag:$0xB], $0x10, s15, s21, $0xb8;
	[tilespmem:$0xB6D0] =	vst v63  }
0xbb: {  	_ =	swait.ge [sflag:s18], $0x640  }
0xbc: {  	[sflag:s18] =	ssyncset.done $0x0  }
0xbd: {  	s13 =	simm.s32 @p1 $0x8;
	[sflag:s18] =	ssyncadd.s32 $0xFFFFF9C0  }
0xbe: {  	_ =	swait.ge @p1 [sflag:s13], $0x640  }
0xbf: {  	[sflag:s13] =	ssyncset.done @p1 $0x0  }
0xc0: {  	s9 =	sadd.s32 @p1 $0x2B78, s9;
	[sflag:s13] =	ssyncadd.s32 @p1 $0xFFFFF9C0;
	s13 =	simm.s32 @p1 $0xA410  }
0xc1: {  	[spmem:s3] =	stream.indirect.scatter.add.f32 @p1 [tilespmem:s13], [sflag:$0xB], $0x10, s9, s10, $0xb8;
	[tilespmem:$0xB6D0] =	vst v63  }
0xc2: {  	_ =	swait.ge @p1 [sflag:s11], $0x640  }
0xc3: {  	[sflag:s11] =	ssyncset.done @p1 $0x0  }
0xc4: {  	s9 =	sadd.s32 @!p1 $0x680, s6;
	s10 =	simm.s32 @!p1 $0x9DD0;
	[sflag:s11] =	ssyncadd.s32 @p1 $0xFFFFF9C0  }
0xc5: {  	[tilespmem:s10], [sflag:$0x7] =	stream.indirect.gather @!p1 [hbm4b:s1+s8], $0x10, s9, s8, $0xb8;
	[tilespmem:$0xB6D0] =	vst v63  }
0xc6: {  	s9 =	simm.s32 @!p1 $0x8  }
0xc7: {  	_ =	swait.ge @!p1 [sflag:s9], $0x640  }
0xc8: {  	[sflag:s9] =	ssyncset.done @!p1 $0x0  }
0xc9: {  	s10 =	simm.s32 @!p1 $0xA410;
	[sflag:s9] =	ssyncadd.s32 @!p1 $0xFFFFF9C0;
	s9 =	sadd.s32 @!p1 $0x2B78, s6  }
0xca: {  	[spmem:s3] =	stream.indirect.scatter.add.f32 @!p1 [tilespmem:s10], [sflag:$0xB], $0x10, s9, s8, $0xb8;
	[tilespmem:$0xB6D0] =	vst v63  }
0xcb: {  	_ =	swait.ge @!p1 [sflag:s12], $0x640  }
0xcc: {  	[sflag:s12] =	ssyncset.done @!p1 $0x0  }
0xcd: {  	s6 =	sadd.s32 @!p1 $0x6E8, s6;
	[sflag:s12] =	ssyncadd.s32 @!p1 $0xFFFFF9C0  }
0xce: {  	[tilespmem:s10], [sflag:$0x8] =	stream.indirect.gather @!p1 [hbm4b:s1+s8], $0x10, s6, s8, $0xb8;
	[tilespmem:$0xB6D0] =	vst v63  }
0xcf: {  	_ =	swait.ge [sflag:s0], $0x640  }
0xd0: {  	[sflag:s0] =	ssyncset.done $0x0  }
.Ltmp3:
0xd1: {  	s15 =	sadd.s32 $0x2BE0, s5;
	[sflag:s0] =	ssyncadd.s32 $0xFFFFF9C0;
	(pc) =	sbr.rel @p1 .LBB2_6-.Ltmp3, $4  }
0xd2: {  	[spmem:s3] =	stream.indirect.scatter.add.f32 [tilespmem:s26], [sflag:$0xB], $0x10, s15, s21, $0xb8;
	[tilespmem:$0xB6D0] =	vst v63  }
0xd3: {  	_ =	swait.ge [sflag:s18], $0x640  }
0xd4: {  	[sflag:s18] =	ssyncset.done $0x0  }
0xd5: {  	s6 =	sadd.s32 $0x2C48, s5;
	[sflag:s18] =	ssyncadd.s32 $0xFFFFF9C0  }
0xd6: {  	s8 =	sadd.s32 $0x750, s5  }
0xd7: {  	[tilespmem:s26], [sflag:$0x9] =	stream.indirect.gather [hbm4b:s1+s21], $0x10, s8, s21, $0xb8;
	[tilespmem:$0xB6D0] =	vst v63  }
0xd8: {  	_ =	swait.ge [sflag:s24], $0x640  }
0xd9: {  	[sflag:s24] =	ssyncset.done $0x0  }
0xda: {  	[sflag:s24] =	ssyncadd.s32 $0xFFFFF9C0  }
0xdb: {  	[spmem:s3] =	stream.indirect.scatter.add.f32 [tilespmem:s29], [sflag:$0xB], $0x10, s6, s21, $0xb8;
	[tilespmem:$0xB6D0] =	vst v63  }
.Ltmp4:
0xdc: {  	_ = 	snop;
	(pc) =	sbr.rel .LBB2_4-.Ltmp4, $4  }
0xdd: {  	_ =	swait.ge [sflag:s18], $0x640  }
0xde: {  	[sflag:s18] =	ssyncset.done $0x0  }
0xdf: {  	s15 =	sadd.s32 $0x7B8, s5;
	s4 =	sadd.s32 $0x1040, s4;
	[sflag:s18] =	ssyncadd.s32 $0xFFFFF9C0  }
0xe0: {  	[tilespmem:s29], [sflag:$0xA] =	stream.indirect.gather [hbm4b:s1+s21], $0x10, s15, s21, $0xb8;
	[tilespmem:$0xB6D0] =	vst v63  }
.LBB2_7:
0xe1: {  	_ =	sfence.sel $0x180000  }
0xe2: {  	[bflag:$0x0] =	sbarrier.arrive $0xFFFF  }
0xe3: {  	_ =	strace $0x9000004D  }
0xe4: {  	s0 =	stileid.u32;
	[bflag:$0x2] =	sbarrier.arrive $0xFFFF  }
0xe5: {  	p0 =	sne.s32 s0, $0x0;
	s0 =	rddreg [dreg:$0x3]  }
0xe6: {  	s0 =	sadd.s32 @!p0 $0x100000, s0  }
0xe7: {  	[sflag:s0] =	ssyncadd.tile.s32 @!p0 $0x1;
	_ =	shalt  }
.Lfunc_end2:
_tile_overlayer_lowered:
.L_overlay_start_2:
0xe8: {  	(tag) =	ssettag $0x2  }
0xe9: {  	s0 =	rddreg [dreg:$0x0];
	s2 =	stileid.u32  }
0xea: {  	s1 =	rddreg [dreg:$0x1];
	p0 =	sne.s32 s2, $0x0  }
0xeb: {  	s3 =	rddreg [dreg:$0x2];
	[bflag:$0x3] =	sbarrier.arrive $0xFFFF;
	s2 =	simm.s32 @!p0 $0x1C0B  }
0xec: {  	[timem:s3], [sflag:s2] =	dma.local @!p0 [hbm:s0], s1  }
0xed: {  	s0 =	simm.s32 @!p0 $0xB  }
0xee: {  	_ =	swait.ge @!p0 [sflag:s0], s1  }
0xef: {  	s1 =	ssub.s32 @!p0 $0x0, s1;
	[sflag:s0] =	ssyncset.done @!p0 $0x0  }
0xf0: {  	[sflag:s0] =	ssyncadd.s32 @!p0 s1  }
0xf1: {  	[bflag:$0x3] =	sbarrier.arrive $0xFFFF  }
0xf2: {  	_ =	shalt  }

// kernel: kernel.8.cloned.1.call-start
scs
__scs_entry_jumppad:
0x0: {  	(pc) =	sbr.rel $0x88, $3  }
0x1: {  	(tag) =	ssettag $0x0;
	lr =	simm.s32 $0x1  }
0x2: {  	[smem:$0x3F9B] =	sst lr;
	_ =	strace $0xD0000000  }
0x3: {  	_ = 	snop  }
0x4: {  	_ = 	snop  }
0x5: {  	_ = 	snop  }
0x6: {  	_ = 	snop  }
0x7: {  	_ = 	snop  }
__scs_overlays_trampoline_lowered:
0x8: {  	[smem:$0x3FAA] =	sst s0  }
0x9: {  	[smem:$0x3FAB] =	sst s1  }
0xa: {  	[smem:$0x3FAC] =	sst s2  }
0xb: {  	[smem:$0x3FAD] =	sst s3  }
0xc: {  	[smem:$0x3FAE] =	sst s4  }
0xd: {  	[smem:$0x3FAF] =	sst s5  }
0xe: {  	[smem:$0x3FB0] =	sst s6  }
0xf: {  	[smem:$0x3FB1] =	sst s7  }
0x10: {  	[smem:$0x3FB2] =	sst s8  }
0x11: {  	[smem:$0x3FB3] =	sst s9;
	s0 =	simm.s32 @!p0 $0x0  }
0x12: {  	s1 =	sld [smem:$0x3F99];
	s0 =	simm.s32 @p0 $0x1  }
0x13: {  	[smem:$0x3FB4] =	sst s0;
	s0 =	simm.s32 @!p1 $0x0  }
0x14: {  	s2 =	sld [smem:$0x3F98];
	s0 =	simm.s32 @p1 $0x1  }
0x15: {  	[smem:$0x3FB5] =	sst s0;
	s0 =	simm.s32 @!p2 $0x0  }
0x16: {  	s3 =	sld [smem:$0x3FDB];
	s0 =	simm.s32 @p2 $0x1  }
0x17: {  	s4 =	simm.s32 $0x1BF5;
	[smem:$0x3FB7] =	sst s0  }
0x18: {  	s0 =	sld [smem:$0x3F9A];
	_ =	swait.ge [sflag:s4], $0x0  }
0x19: {  	s7 =	sld [smem:$0x3F9B]  }
0x1a: {  	s8 =	sadd.s32 $0xFFFFE003, lr  }
0x1b: {  	s9 =	sadd.s32 $0xFFFFFEF7, lr;
	s5 =	simm.s32 $0xFFFFFFFF;
	p2 =	slt.u32 s8, $0xFFFFF086  }
0x1c: {  	p1 =	slt.u32 s9, $0xF7A;
	s5 =	simm.s32 @!p2 $0x0  }
0x1d: {  	s5 =	simm.s32 @p1 $0x1;
	p0 =	seq.s32 s7, s2  }
0x1e: {  	s7 =	smul.u32 @!p0 $0xF7A, s2;
	p2 =	seq.s32 @!p0 s5, $0x0  }
0x1f: {  	s9 =	smul.u32 $0xF7A, s1;
	s8 =	simm.s32 @!p0 $0x1BF5;
	p2 =	por !p2, p0  }
0x20: {  	[sflag:s8] =	ssyncset.s32 @!p0 $0xFFFFF086;
	s6 =	sadd.s32 @!p0 s3, s7;
	s7 =	simm.s32 @!p0 $0x108  }
0x21: {  	s3 =	sadd.s32 s3, s9;
	s6 =	sadd.s32 @!p0 $0x88, s6;
	s7 =	simm.s32 @p2 $0x1082  }
0x22: {  	[simem:s7], [sflag:s8] =	dma.local @!p0 [hbm:s6], $0xF7A  }
0x23: {  	s9 =	sor.u32 $0xD0000000, s2;
	s6 =	simm.s32 $0x108;
	_ =	swait.ge @!p0 [sflag:s8], $0x0  }
0x24: {  	s3 =	sadd.s32 $0x88, s3;
	s6 =	simm.s32 @!p1 $0x1082;
	[sflag:s4] =	ssyncset.s32 $0xFFFFF086  }
0x25: {  	[simem:s6], [sflag:s4] =	dma.local [hbm:s3], $0xF7A  }
0x26: {  	[smem:$0x3F9B] =	sst s1;
	(tag) =	ssettag s2;
	_ =	strace s9  }
0x27: {  	s1 =	sld [smem:$0x3FAB]  }
0x28: {  	s2 =	sld [smem:$0x3FAC]  }
0x29: {  	s4 =	sld [smem:$0x3FAE]  }
0x2a: {  	p0 =	seq.s32 s5, $0x0;
	s5 =	sld [smem:$0x3FAF]  }
0x2b: {  	s6 =	sld [smem:$0x3FB0]  }
0x2c: {  	s7 =	sld [smem:$0x3FB1]  }
0x2d: {  	s3 =	simm.s32 $0x108;
	s8 =	sld [smem:$0x3FB2]  }
0x2e: {  	s3 =	simm.s32 @!p0 $0x1082;
	s9 =	sld [smem:$0x3FB3]  }
0x2f: {  	lr =	sadd.s32 s0, s3;
	s0 =	sld [smem:$0x3FAA]  }
0x30: {  	s3 =	sld [smem:$0x3FAD]  }
0x31: {  	[smem:$0x3FB6] =	sst s10  }
0x32: {  	s10 =	sld [smem:$0x3FB4];
	_ =	sdelay $0x3  }
0x33: {  	p0 =	seq.s32 s10, $0x1;
	s10 =	sld [smem:$0x3FB6];
	_ =	sdelay $0x3  }
0x34: {  	[smem:$0x3FB6] =	sst s10  }
0x35: {  	s10 =	sld [smem:$0x3FB5];
	_ =	sdelay $0x3  }
0x36: {  	p1 =	seq.s32 s10, $0x1;
	s10 =	sld [smem:$0x3FB6];
	_ =	sdelay $0x3  }
0x37: {  	[smem:$0x3FB6] =	sst s10  }
0x38: {  	s10 =	sld [smem:$0x3FB7]  }
0x39: {  	_ = 	snop;
	(pc) =	sbr.ind lr, $3  }
0x3a: {  	_ = 	snop  }
0x3b: {  	_ = 	snop  }
0x3c: {  	p2 =	seq.s32 s10, $0x1;
	s10 =	sld [smem:$0x3FB6]  }
0x3d: {  	_ =	shalt  }
0x3e: {  	_ =	shalt  }
0x3f: {  	_ =	shalt  }
0x40: {  	_ =	shalt  }
0x41: {  	_ =	shalt  }
0x42: {  	_ =	shalt  }
0x43: {  	_ =	shalt  }
0x44: {  	_ =	shalt  }
0x45: {  	_ =	shalt  }
0x46: {  	_ =	shalt  }
0x47: {  	_ =	shalt  }
0x48: {  	_ =	shalt  }
0x49: {  	_ =	shalt  }
0x4a: {  	_ =	shalt  }
0x4b: {  	_ =	shalt  }
0x4c: {  	_ =	shalt  }
0x4d: {  	_ =	shalt  }
0x4e: {  	_ =	shalt  }
0x4f: {  	_ =	shalt  }
0x50: {  	_ =	shalt  }
0x51: {  	_ =	shalt  }
0x52: {  	_ =	shalt  }
0x53: {  	_ =	shalt  }
0x54: {  	_ =	shalt  }
0x55: {  	_ =	shalt  }
0x56: {  	_ =	shalt  }
0x57: {  	_ =	shalt  }
0x58: {  	_ =	shalt  }
0x59: {  	_ =	shalt  }
0x5a: {  	_ =	shalt  }
0x5b: {  	_ =	shalt  }
0x5c: {  	_ =	shalt  }
0x5d: {  	_ =	shalt  }
0x5e: {  	_ =	shalt  }
0x5f: {  	_ =	shalt  }
0x60: {  	_ =	shalt  }
0x61: {  	_ =	shalt  }
0x62: {  	_ =	shalt  }
0x63: {  	_ =	shalt  }
0x64: {  	_ =	shalt  }
0x65: {  	_ =	shalt  }
0x66: {  	_ =	shalt  }
0x67: {  	_ =	shalt  }
0x68: {  	_ =	shalt  }
0x69: {  	_ =	shalt  }
0x6a: {  	_ =	shalt  }
0x6b: {  	_ =	shalt  }
0x6c: {  	_ =	shalt  }
0x6d: {  	_ =	shalt  }
0x6e: {  	_ =	shalt  }
0x6f: {  	_ =	shalt  }
0x70: {  	_ =	shalt  }
0x71: {  	_ =	shalt  }
0x72: {  	_ =	shalt  }
0x73: {  	_ =	shalt  }
0x74: {  	_ =	shalt  }
0x75: {  	_ =	shalt  }
0x76: {  	_ =	shalt  }
0x77: {  	_ =	shalt  }
0x78: {  	_ =	shalt  }
0x79: {  	_ =	shalt  }
0x7a: {  	_ =	shalt  }
0x7b: {  	_ =	shalt  }
0x7c: {  	_ =	shalt  }
0x7d: {  	_ =	shalt  }
0x7e: {  	_ =	shalt  }
0x7f: {  	_ =	shalt  }
0x80: {  	_ =	shalt  }
0x81: {  	_ =	shalt  }
0x82: {  	_ =	shalt  }
0x83: {  	_ =	shalt  }
0x84: {  	_ =	shalt  }
0x85: {  	_ =	shalt  }
0x86: {  	_ =	shalt  }
0x87: {  	_ =	shalt  }
.Lfunc_end0:
.L_simem_size_0:
called_computation_lowered:
.L_overlay_start_0:
0x88: {  	s2 =	sld [smem:$0x3FD9]  }
0x89: {  	s3 =	sld [smem:$0x3FFE];
	_ =	sdelay $0x1  }
0x8a: {  	s1 =	srdreg.scid  }
0x8b: {  	s0 =	sand.u32 $0x1, s1  }
0x8c: {  	s16 =	sshll.u32 s0, $0xA;
	s2 =	sadd.s32 s3, s2  }
0x8d: {  	s2 =	sadd.s32 s2, s16  }
0x8e: {  	[smem:$0x3FC2] =	sst s2  }
0x8f: {  	_ = 	snop  }
0x90: {  	(tm) =	ssettm $0x1  }
0x91: {  	s17 =	sld [smem:$0x3FFB];
	_ =	sdelay $0x3  }
0x92: {  	_ =	strace s17  }
0x93: {  	s2 =	sld [smem:$0x3FFC];
	_ =	sdelay $0x3  }
0x94: {  	_ =	strace s2  }
0x95: {  	s2 =	sld [smem:$0x3FFD];
	_ =	sdelay $0x3  }
0x96: {  	_ =	strace s2  }
0x97: {  	_ =	strace $0x8FFFFFFF  }
0x98: {  	s18 =	sld [smem:$0x3FDB];
	_ =	sdelay $0x1  }
0x99: {  	s19 =	simm.s32 $_scs_section_size  }
0x9a: {  	s4 =	simm.s32 $_size__tile_overlayer_lowered;
	s5 =	simm.s32 $_tile_overlayer_lowered  }
0x9b: {  	s22 =	simm.s32 $0x1BFF;
	s21 =	sshll.u32 s5, $0x1;
	s2 =	sadd.s32 s19, s18  }
0x9c: {  	s6 =	simm.s32 $0x0;
	s20 =	sshll.u32 s4, $0x1;
	s4 =	sadd.s32 s21, s2  }
0x9d: {  	[timem:s6], [sflag:s22] =	dma.local [hbm:s4], s20  }
0x9e: {  	_ =	swait.ge [sflag:s22], s20  }
0x9f: {  	s3 =	ssub.s32 $0x0, s20;
	[sflag:s22] =	ssyncset.done $0x0  }
0xa0: {  	[sflag:s22] =	ssyncadd.s32 s3;
	_ =	sdelay $0x1  }
0xa1: {  	s23 =	simm.s32 $0x1B8B  }
0xa2: {  	_ =	swait.ge [sflag:s23], $0x1  }
0xa3: {  	[sflag:s23] =	ssyncset.done $0x0  }
0xa4: {  	s25 =	simm.s32 $0x1B8E;
	s24 =	sld [smem:$0x3FFE];
	[sflag:s23] =	ssyncadd.s32 $0xFFFFFFFF  }
0xa5: {  	s26 =	simm.s32 $execute0_lowered;
	[smem:$0x3FD2] =	sst s25  }
0xa6: {  	s4 =	sshll.u32 s26, $0x1;
	_ =	strace $0x80000046;
	[dreg:$0x1] =	wrdreg $0xFFFFFFFF  }
0xa7: {  	s28 =	simm.s32 $_size_execute0_lowered;
	s2 =	sadd.s32 s2, s4;
	[dreg:$0x0] =	wrdreg $0x0  }
0xa8: {  	s4 =	sshll.u32 s28, $0x1;
	[dreg:$0x2] =	wrdreg s2  }
0xa9: {  	[dreg:$0x3] =	wrdreg s4  }
0xaa: {  	[dreg:$0x4] =	wrdreg $0xC0  }
0xab: {  	_ =	task [dreg:s6], $0x5FFFF  }
0xac: {  	[dreg:$0x1] =	wrdreg $0xFFFFFFFF  }
0xad: {  	[dreg:$0x0] =	wrdreg $0x60  }
0xae: {  	[dreg:$0x2] =	wrdreg s24  }
0xaf: {  	[dreg:$0x3] =	wrdreg $0x9  }
0xb0: {  	_ =	task.clear_ibuf [dreg:s6], $0x4FFFF;
	_ =	strace $0x90000046  }
0xb1: {  	s29 =	simm.s32 $0x9;
	_ =	strace $0x80000048  }
0xb2: {  	_ =	swait.ge [sflag:s29], $0x1  }
0xb3: {  	[sflag:s29] =	ssyncadd.s32 $0xFFFFFFFF  }
0xb4: {  	_ =	strace $0x90000048  }
0xb5: {  	_ =	sfence  }
0xb6: {  	s30 =	sld [smem:$0x0];
	_ =	sdelay $0x2  }
0xb7: {  	s31 =	sshll.u32 s1, $0xD;
	s1 =	sshrl.u32 s1, $0x2  }
0xb8: {  	s3 =	sand.u32 $0x4000, s31;
	s1 =	sadd.s32 s1, s30  }
0xb9: {  	s0 =	sor.u32 s3, s0;
	s1 =	sshll.u32 s1, $0x11  }
0xba: {  	s0 =	sor.u32 s1, s0  }
0xbb: {  	s0 =	sadd.s32 $0x8F2B, s0  }
0xbc: {  	[sflag:s0] =	ssyncadd.remote.s32 $0x1  }
0xbd: {  	_ =	sfence.sel $0xFFFF  }
0xbe: {  	[dreg:$0x0] =	wrdreg $0xFFFFFFFF;
	(pc) =	sbr.abs _section_cstart, $3  }
0xbf: {  	[dreg:$0x1] =	wrdreg $0xFFFFFFFF  }
0xc0: {  	_ =	task.clear_ibuf [dreg:s6], $0x2FFFF;
	_ =	strace $0x9FFFFFFF  }
0xc1: {  	(tm) =	ssettm $0x7FFFFFFF  }
tec
execute0_lowered:
.L_overlay_start_1:
0x0: {  	(tag) =	ssettag $0x1  }
0x1: {  	s1 =	srdreg.scid;
	s0 =	stileid.u32  }
0x2: {  	s3 =	rddreg [dreg:$0x0];
	s8 =	simm.s32 $0x1;
	s9 =	simm.s32 $0x2780  }
0x3: {  	s10 =	simm.s32 $0x4F00;
	s11 =	simm.s32 $0x80;
	s12 =	simm.s32 $0x400  }
0x4: {  	s4 =	sand.u32 $0x1, s1;
	s2 =	sshll.u32 s0, $0x1;
	s1 =	rddreg [dreg:$0x1]  }
0x5: {  	s6 =	sshrl.u32 s0, $0x2;
	s5 =	sor.u32 s4, s2;
	s2 =	simm.s32 $0x0  }
0x6: {  	s6 =	smul.u32 $0x13C00, s6;
	s4 =	ssub.s32 $0x2, s4;
	s7 =	sshll.u32 s5, $0x7  }
0x7: {  	[smem:$0x7FF] =	sst s2;
	s5 =	smul.u32 $0x4E2, s5;
	s7 =	sand.u32 $0x380, s7  }
0x8: {  	s31 =	sshrl.u32 s4, $0x1;
	_ =	strace $0x80000047;
	s6 =	sor.u32 s6, s7  }
0x9: {  	s5 =	sadd.s32 s5, s3;
	s7 =	ssub.s32 s4, s31;
	s6 =	sshrl.u32 s6, $0x3  }
0xa: {  	s4 =	sadd.s32 $0x2600, s5;
	s7 =	smax.u32 s7, $0x1;
	s6 =	sadd.s32 s6, s3  }
0xb: {  	v0 =	vimm.f32 $0.0e+00;
	v1 =	vimm.f32 $1.000000000e+00;
	s3 =	sadd.s32 $0xC400, s5;
	s5 =	sadd.s32 $0x16200, s6;
	s6 =	sadd.s32 $0x20000, s6  }
.LBB2_1:
0xc: {  	s13 =	simm.s32 $0x40;
	s14 =	simm.s32 $0x0  }
.LBB2_2:
0xd: {  	p0 =	sne.s32 s13, $0x9C00;
	[tilespmem:s14+$0x2780] =	vst v0;
	s15 =	smov.u32 s13;
	s13 =	sadd.s32 $0x40, s13  }
.Ltmp0:
0xe: {  	[tilespmem:s14+$0x4F00] =	vst v0;
	(pc) =	sbr.rel @p0 .LBB2_2-.Ltmp0, $2  }
0xf: {  	_ =	sdelay $0x2  }
0x10: {  	s14 =	sshra.s32 s15, $0x2  }
0x11: {  	[tilespmem:s14+$0x2780] =	vst v0  }
0x12: {  	[tilespmem:s14+$0x4F00] =	vst v0;
	s13 =	simm.s32 $0x0  }
0x13: {  	[tilespmem:s13], [sflag:$0x1] =	stream.linear.gather [hbm4b:s3+s13], $0x2710, $0x38;
	[tilespmem:$0x7680] =	vst v63  }
0x14: {  	_ =	swait.ge [sflag:s8], $0x2710  }
0x15: {  	[sflag:s8] =	ssyncset.done $0x0  }
0x16: {  	s14 =	simm.s32 $0x0;
	s13 =	simm.s32 $0x40;
	[sflag:s8] =	ssyncadd.s32 $0xFFFFD8F0  }
.LBB2_4:
0x17: {  	p0 =	sne.s32 s13, $0x9C00;
	v2 =	vld [tilespmem:s14+$0x0];
	_ =	sdelay $0x3  }
.Ltmp1:
0x18: {  	(pc) =	sbr.rel @p0 .LBB2_4-.Ltmp1, $2  }
0x19: {  	_ =	sdelay $0x2  }
0x1a: {  	s14 =	sshra.s32 s13, $0x2;
	s13 =	sadd.s32 $0x40, s13;
	[tilespmem:v2+s9+$0x0] =	vst.idx.add.f32.msk $0xffff, v1  }
0x1b: {  	v2 =	vld [tilespmem:s14+$0x0];
	_ =	sdelay $0x7  }
0x1c: {  	s13 =	simm.s32 $0x0;
	[tilespmem:v2+s9+$0x0] =	vst.idx.add.f32.msk $0xffff, v1  }
0x1d: {  	[tilespmem:s13], [sflag:$0x1] =	stream.linear.gather [hbm4b:s4+s13], $0x2710, $0x38;
	[tilespmem:$0x7680] =	vst v63  }
0x1e: {  	_ =	swait.ge [sflag:s8], $0x2710  }
0x1f: {  	[sflag:s8] =	ssyncset.done $0x0  }
0x20: {  	s14 =	simm.s32 $0x0;
	s13 =	simm.s32 $0x40;
	[sflag:s8] =	ssyncadd.s32 $0xFFFFD8F0  }
.LBB2_6:
0x21: {  	p0 =	sne.s32 s13, $0x9C00;
	v2 =	vld [tilespmem:s14+$0x0];
	_ =	sdelay $0x3  }
.Ltmp2:
0x22: {  	(pc) =	sbr.rel @p0 .LBB2_6-.Ltmp2, $2  }
0x23: {  	_ =	sdelay $0x2  }
0x24: {  	s14 =	sshra.s32 s13, $0x2;
	s13 =	sadd.s32 $0x40, s13;
	[tilespmem:v2+s10+$0x0] =	vst.idx.add.f32.msk $0xffff, v1  }
0x25: {  	v2 =	vld [tilespmem:s14+$0x0];
	_ =	sdelay $0x7  }
0x26: {  	[tilespmem:v2+s10+$0x0] =	vst.idx.add.f32.msk $0xffff, v1  }
0x27: {  	[hbm4b:s5+s11] =	stream.strided.scatter [tilespmem:s9], [sflag:$0x1], $0x2780, s12, s11, $0x38;
	[tilespmem:$0x7680] =	vst v63  }
0x28: {  	s2 =	sadd.s32 $0x1, s2;
	_ =	swait.ge [sflag:s8], $0x2780  }
0x29: {  	p0 =	sne.s32 s2, s7;
	[sflag:s8] =	ssyncset.done $0x0  }
.Ltmp3:
0x2a: {  	[sflag:s8] =	ssyncadd.s32 $0xFFFFD880;
	(pc) =	sbr.rel @p0 .LBB2_1-.Ltmp3, $4  }
0x2b: {  	[hbm4b:s6+s11] =	stream.strided.scatter [tilespmem:s10], [sflag:$0x1], $0x2780, s12, s11, $0x38;
	[tilespmem:$0x7680] =	vst v63  }
0x2c: {  	_ =	swait.ge [sflag:s8], $0x2780  }
0x2d: {  	[sflag:s8] =	ssyncset.done $0x0  }
0x2e: {  	[sflag:s8] =	ssyncadd.s32 $0xFFFFD880  }
0x2f: {  	_ =	sfence.sel $0x180000  }
0x30: {  	[bflag:$0x0] =	sbarrier.arrive $0xFFFF  }
0x31: {  	p0 =	sne.s32 s0, $0x0;
	_ =	strace $0x90000047  }
0x32: {  	s0 =	sadd.s32 @!p0 $0x100000, s1;
	[bflag:$0x2] =	sbarrier.arrive $0xFFFF  }
0x33: {  	[sflag:s0] =	ssyncadd.tile.s32 @!p0 $0x1;
	_ =	shalt  }
.Lfunc_end2:
_tile_overlayer_lowered:
.L_overlay_start_2:
0x34: {  	(tag) =	ssettag $0x2  }
0x35: {  	s0 =	rddreg [dreg:$0x0];
	s2 =	stileid.u32  }
0x36: {  	s1 =	rddreg [dreg:$0x1];
	p0 =	sne.s32 s2, $0x0  }
0x37: {  	s3 =	rddreg [dreg:$0x2];
	[bflag:$0x3] =	sbarrier.arrive $0xFFFF;
	s2 =	simm.s32 @!p0 $0x1C01  }
0x38: {  	[timem:s3], [sflag:s2] =	dma.local @!p0 [hbm:s0], s1  }
0x39: {  	s0 =	simm.s32 @!p0 $0x1  }
0x3a: {  	_ =	swait.ge @!p0 [sflag:s0], s1  }
0x3b: {  	s1 =	ssub.s32 @!p0 $0x0, s1;
	[sflag:s0] =	ssyncset.done @!p0 $0x0  }
0x3c: {  	[sflag:s0] =	ssyncadd.s32 @!p0 s1  }
0x3d: {  	[bflag:$0x3] =	sbarrier.arrive $0xFFFF  }
0x3e: {  	_ =	shalt  }

</sc_bundles>
